<compile_context>
chip_gen: v7x
topology: tpu7x:2x2x1
jax: 0.10.2.dev20260603
libtpu: 0.0.44.dev20260713+nightly
codegen_flags: <defaults>
</compile_context>

<pallas_src>
import functools

import jax
import jax.numpy as jnp
from jax import lax
from jax.experimental import pallas as pl
from jax.experimental.pallas import tpu as pltpu
from jax.experimental.pallas import tpu_sc as plsc

_N = 10000
_E = 320000
_D = 128
_NC = 2
_NS = 16
_NW = _NC * _NS
_NPAD = 10240
_RPT = _NPAD // _NS
_CH = 128
_CPT = 80
_EPT = _CPT * _CH
_LASTC = (_E - (_NW - 1) * _EPT) // _CH
_RING = 16

_MESH = dict(core_axis_name="c", subcore_axis_name="s")


@functools.partial(
    pl.kernel,
    out_type=jax.ShapeDtypeStruct((_NC * _NPAD,), jnp.float32),
    mesh=plsc.VectorSubcoreMesh(**_MESH),
    compiler_params=pltpu.CompilerParams(use_tc_tiling_on_sc=True),
    scratch_types=[
        pltpu.VMEM((_RING, _CH), jnp.int32),
        pltpu.VMEM((_CH,), jnp.float32),
        pltpu.VMEM((_RPT,), jnp.float32),
        pltpu.VMEM_SHARED((_NPAD,), jnp.float32),
        pltpu.SemaphoreType.DMA,
        pltpu.SemaphoreType.DMA,
    ],
)
def _deg_call(edge_hbm, deg_hbm, colb, ones_c, zbuf, deg_sh, lsem, ssem):
    cid = lax.axis_index("c")
    sid = lax.axis_index("s")
    w = cid * _NS + sid
    nch = jnp.where(w == _NW - 1, _LASTC, _CPT)
    ebase = w * _EPT

    def cref(j):
        return edge_hbm.at[1, pl.ds(ebase + j * _CH, _CH)]

    for j in range(_RING // 2):
        pltpu.async_copy(cref(j), colb.at[j], lsem)
    zeros16 = jnp.zeros((16,), jnp.float32)
    ones16 = jnp.ones((16,), jnp.float32)
    for j in range(_CH // 16):
        ones_c[pl.ds(j * 16, 16)] = ones16
    for j in range(_RPT // 16):
        zbuf[pl.ds(j * 16, 16)] = zeros16
    pltpu.sync_copy(zbuf, deg_sh.at[pl.ds(sid * _RPT, _RPT)])
    plsc.subcore_barrier()

    def body(j, carry):
        b = lax.rem(j, _RING)

        @pl.when(j >= _RING // 2)
        def _():
            pltpu.make_async_copy(
                ones_c, deg_sh.at[colb.at[b]], ssem).wait()

        pltpu.make_async_copy(cref(j), colb.at[b], lsem).wait()
        pltpu.async_copy(ones_c, deg_sh.at[colb.at[b]], ssem, add=True)

        @pl.when(j + _RING // 2 < nch)
        def _():
            bn = lax.rem(j + _RING // 2, _RING)
            pltpu.async_copy(cref(j + _RING // 2), colb.at[bn], lsem)

        return carry

    lax.fori_loop(0, nch, body, 0)

    def drain(j, carry):
        pltpu.make_async_copy(ones_c, deg_sh.at[colb.at[0]], ssem).wait()
        return carry

    lax.fori_loop(0, _RING // 2, drain, 0)
    plsc.subcore_barrier()
    pltpu.sync_copy(
        deg_sh.at[pl.ds(sid * _RPT, _RPT)],
        deg_hbm.at[pl.ds(cid * _NPAD + sid * _RPT, _RPT)],
    )


@functools.partial(
    pl.kernel,
    out_type=jax.ShapeDtypeStruct((_NC * _NPAD, _D), jnp.float32),
    mesh=plsc.VectorSubcoreMesh(**_MESH),
    compiler_params=pltpu.CompilerParams(use_tc_tiling_on_sc=True),
    scratch_types=[
        pltpu.VMEM((_EPT,), jnp.int32),
        pltpu.VMEM((_CH,), jnp.int32),
        pltpu.VMEM((_CH,), jnp.int32),
        pltpu.VMEM((_CH, _D), jnp.float32),
        pltpu.VMEM((_CH, _D), jnp.float32),
        pltpu.VMEM((16, _D), jnp.float32),
        pltpu.VMEM_SHARED((_NPAD, _D), jnp.float32),
        pltpu.SemaphoreType.DMA,
        pltpu.SemaphoreType.DMA,
        pltpu.SemaphoreType.DMA,
        pltpu.SemaphoreType.DMA,
    ],
)
def _msg_call(edge_hbm, g_hbm, out_hbm,
              rowi, colia, colib, bufa, bufb, zb, acc_sh,
              psem, zsem, sema, semb):
    cid = lax.axis_index("c")
    sid = lax.axis_index("s")
    w = cid * _NS + sid
    nch = jnp.where(w == _NW - 1, _LASTC, _CPT)
    ebase = w * _EPT
    nlast = _LASTC * _CH

    @pl.when(w < _NW - 1)
    def _():
        pltpu.async_copy(edge_hbm.at[0, pl.ds(ebase, _EPT)], rowi, psem)

    @pl.when(w == _NW - 1)
    def _():
        pltpu.async_copy(
            edge_hbm.at[0, pl.ds((_NW - 1) * _EPT, nlast)],
            rowi.at[pl.ds(0, nlast)], psem)

    zeros16 = jnp.zeros((16,), jnp.float32)
    for i in range(16):
        for j in range(_D // 16):
            zb[i, pl.ds(j * 16, 16)] = zeros16

    def zfire(t, carry):
        pltpu.async_copy(zb, acc_sh.at[pl.ds(sid * _RPT + t * 16, 16)], zsem)
        return carry

    lax.fori_loop(0, _RPT // 16, zfire, 0)

    def zdrain(t, carry):
        pltpu.make_async_copy(
            zb, acc_sh.at[pl.ds(sid * _RPT + t * 16, 16)], zsem).wait()
        return carry

    lax.fori_loop(0, _RPT // 16, zdrain, 0)

    @pl.when(w < _NW - 1)
    def _():
        pltpu.make_async_copy(
            edge_hbm.at[0, pl.ds(ebase, _EPT)], rowi, psem).wait()

    @pl.when(w == _NW - 1)
    def _():
        pltpu.make_async_copy(
            edge_hbm.at[0, pl.ds((_NW - 1) * _EPT, nlast)],
            rowi.at[pl.ds(0, nlast)], psem).wait()

    def cref(j):
        return edge_hbm.at[1, pl.ds(ebase + j * _CH, _CH)]

    def start(j, cbuf, gbuf, sem):
        pltpu.async_copy(cref(j), cbuf, sem)
        pltpu.async_copy(g_hbm.at[rowi.at[pl.ds(j * _CH, _CH)]], gbuf, sem)

    def finish(j, cbuf, gbuf, sem):
        pltpu.make_async_copy(cref(j), cbuf, sem).wait()
        pltpu.make_async_copy(
            g_hbm.at[rowi.at[pl.ds(j * _CH, _CH)]], gbuf, sem).wait()
        pltpu.sync_copy(gbuf, acc_sh.at[cbuf], add=True)

    start(0, colia, bufa, sema)
    start(1, colib, bufb, semb)
    plsc.subcore_barrier()

    def body(k, carry):
        j = 2 * k
        finish(j, colia, bufa, sema)
        start(j + 2, colia, bufa, sema)
        finish(j + 1, colib, bufb, semb)
        start(j + 3, colib, bufb, semb)
        return carry

    lax.fori_loop(0, (nch - 2) // 2, body, 0)
    finish(nch - 2, colia, bufa, sema)
    finish(nch - 1, colib, bufb, semb)
    plsc.subcore_barrier()
    pltpu.sync_copy(
        acc_sh.at[pl.ds(sid * _RPT, _RPT)],
        out_hbm.at[pl.ds(cid * _NPAD + sid * _RPT, _RPT)],
    )


def _lin_body(x_ref, w_ref, degf_ref, g_ref, dis_ref):
    deg = degf_ref[pl.ds(0, _NPAD)] + degf_ref[pl.ds(_NPAD, _NPAD)]
    dis = jnp.where(deg > 0.0, lax.rsqrt(deg), 0.0)
    dis_ref[...] = dis
    h = lax.dot_general(
        x_ref[...], w_ref[...], (((1,), (1,)), ((), ())),
        preferred_element_type=jnp.float32,
    )
    g_ref[...] = h * dis[:_N][:, None]


def _bn_body(s_ref, dis_ref, b_ref, g_ref, be_ref, x_ref, o_ref):
    s = s_ref[pl.ds(0, _N), :] + s_ref[pl.ds(_NPAD, _N), :]
    pre = s * dis_ref[pl.ds(0, _N)][:, None] + b_ref[...][None, :]
    ones_n = jnp.ones((1, _N), jnp.float32)
    m1 = lax.dot_general(
        ones_n, pre, (((1,), (0,)), ((), ())),
        preferred_element_type=jnp.float32) * (1.0 / _N)
    m2 = lax.dot_general(
        ones_n, pre * pre, (((1,), (0,)), ((), ())),
        preferred_element_type=jnp.float32) * (1.0 / _N)
    var = m2 - m1 * m1
    o_ref[...] = (
        (pre - m1) * (lax.rsqrt(var + 1e-5) * g_ref[...][None, :])
        + be_ref[...][None, :] + x_ref[...]
    )


def kernel(x, edge_index, bit_sum, W, bias, bn_gamma, bn_beta):
    degf = _deg_call(edge_index)
    g, dis = pl.pallas_call(
        _lin_body,
        out_shape=[
            jax.ShapeDtypeStruct((_N, _D), jnp.float32),
            jax.ShapeDtypeStruct((_NPAD,), jnp.float32),
        ],
    )(x, W, degf)
    sflat = _msg_call(edge_index, g)
    out = pl.pallas_call(
        _bn_body,
        out_shape=jax.ShapeDtypeStruct((_N, _D), jnp.float32),
    )(sflat, dis, bias, bn_gamma, bn_beta, x)
    return (out, jnp.asarray(0, dtype=jnp.int32))

# --- scband reference (transcript-rebuilt; emitter-appended) ---
"""Pipeline reference for scband-gcnlayer-26414048870735 (READ-ONLY COPY).

The authoritative reference and input builder live on the scoring server;
editing this copy changes nothing except your own understanding.
"""

import jax, jax.numpy as jnp
import numpy as np

N = 10000
E = 320000
D = 128

def setup_inputs(seed: int = 0) -> dict:
    key = jax.random.key(seed)
    k1, k2, k3 = jax.random.split(key, 3)
    x = jax.random.normal(k1, (N, D), dtype=jnp.float32)
    edge_index = jax.random.randint(k2, (2, E), 0, N, dtype=jnp.int32)
    # xavier uniform init for lin.weight (out_dim, in_dim)
    bound = float(np.sqrt(6.0 / (D + D)))
    W = jax.random.uniform(k3, (D, D), minval=-bound, maxval=bound, dtype=jnp.float32)
    bias = jnp.zeros((D,), dtype=jnp.float32)
    bn_gamma = jnp.ones((D,), dtype=jnp.float32)
    bn_beta = jnp.zeros((D,), dtype=jnp.float32)
    bit_sum = 0
    return {"x": x, "edge_index": edge_index, "bit_sum": bit_sum,
            "W": W, "bias": bias, "bn_gamma": bn_gamma, "bn_beta": bn_beta}

def reference(x, edge_index, bit_sum, W, bias, bn_gamma, bn_beta):
    x_in = x
    # lin (no bias); q_xw quantizer treated as identity pass-through (fake-quant)
    h = x @ W.T
    row = edge_index[0]
    col = edge_index[1]
    # degree of destination nodes (col)
    deg = jax.ops.segment_sum(jnp.ones((E,), dtype=h.dtype), col, num_segments=N)
    deg_inv_sqrt = jnp.where(deg > 0, deg ** -0.5, 0.0)
    norm = deg_inv_sqrt[row] * deg_inv_sqrt[col]
    # message: norm * x_j  (x_j = h[row]), aggregate 'add' at col
    msg = norm[:, None] * h[row]
    out = jax.ops.segment_sum(msg, col, num_segments=N)
    out = out + bias
    # BatchNorm1d (training mode: batch statistics, biased var, eps=1e-5)
    mean = out.mean(axis=0)
    var = out.var(axis=0)
    out = (out - mean) / jnp.sqrt(var + 1e-5) * bn_gamma + bn_beta
    # activation is None -> skipped; residual (in_dim == out_dim)
    out = out + x_in
    # dropout p=0.0 -> identity
    return (out, jnp.asarray(0, dtype=jnp.int32))

if __name__ == "__main__":
    import jax
    _d = setup_inputs()
    print(jax.jit(kernel)(*tuple(_d.values())))

</pallas_src>

<mosaic_0001>
#map = affine_map<(d0, d1) -> (0, 0)>
module attributes {stable_mosaic.version = 14 : i64} {
  func.func @_msg_call(%arg0: i32, %arg1: i32, %arg2: memref<2x320000xi32, #tpu.memory_space<hbm>>, %arg3: memref<10000x128xf32, #tpu.memory_space<hbm>>, %arg4: memref<20480x128xf32, #tpu.memory_space<hbm>>, %arg5: memref<10240xi32, #tpu.memory_space<vmem>>, %arg6: memref<128xi32, #tpu.memory_space<vmem>>, %arg7: memref<128xi32, #tpu.memory_space<vmem>>, %arg8: memref<128x128xf32, #tpu.memory_space<vmem>>, %arg9: memref<128x128xf32, #tpu.memory_space<vmem>>, %arg10: memref<16x128xf32, #tpu.memory_space<vmem>>, %arg11: memref<10240x128xf32, #tpu.memory_space<vmem_shared>>, %arg12: memref<!tpu.dma_semaphore, #tpu.memory_space<semaphore_mem>>, %arg13: memref<!tpu.dma_semaphore, #tpu.memory_space<semaphore_mem>>, %arg14: memref<!tpu.dma_semaphore, #tpu.memory_space<semaphore_mem>>, %arg15: memref<!tpu.dma_semaphore, #tpu.memory_space<semaphore_mem>>) attributes {dimension_semantics = [#tpu.dimension_semantics<core_parallel>, #tpu.dimension_semantics<subcore_parallel>], iteration_bounds = array<i64: 2, 16>, scalar_prefetch = 0 : i64, scratch_operands = 11 : i64, tpu.core_type = #tpu.core_type<sc_vector_subcore>, window_params = [{transform_indices = #map}, {transform_indices = #map}, {transform_indices = #map}]} {
    %mul3A = arith.constant 16 : i32
    %mul3A_0 = arith.muli %arg0, %mul3A : i32
    %add3A = arith.addi %mul3A_0, %arg1 : i32
    %eq3A = arith.constant 31 : i32
    %eq3A_1 = arith.cmpi eq, %add3A, %eq3A : i32
    %jit3A = arith.constant 20 : i32
    %jit3A_2 = arith.constant 80 : i32
    %select_n3A = arith.select %eq3A_1, %jit3A, %jit3A_2 : i32
    %mul3A_3 = arith.constant 10240 : i32
    %mul3A_4 = arith.muli %add3A, %mul3A_3 : i32
    %lt3A = arith.constant 31 : i32
    %lt3A_5 = arith.cmpi slt, %add3A, %lt3A : i32
    %convert_element_type3A = arith.extui %lt3A_5 : i1 to i32
    %cond3A = arith.constant 0 : i32
    %cond3A_6 = arith.cmpi ne, %convert_element_type3A, %cond3A : i32
    scf.if %cond3A_6 {
      %dma_start3A_892 = arith.constant 0 : i32
      %dma_start3A_893 = tpu.memref_slice %arg2[%dma_start3A_892, %mul3A_4] : memref<2x320000xi32, #tpu.memory_space<hbm>> -> memref<1x10240xi32, #tpu.memory_space<hbm>>
      %dma_start3A_894 = tpu.memref_squeeze %dma_start3A_893 : memref<1x10240xi32, #tpu.memory_space<hbm>> -> memref<10240xi32, #tpu.memory_space<hbm>>
      %dma_start3A_895 = tpu.memref_slice %arg2[%dma_start3A_892, %mul3A_4] : memref<2x320000xi32, #tpu.memory_space<hbm>> -> memref<1x10240xi32, #tpu.memory_space<hbm>>
      %dma_start3A_896 = tpu.memref_squeeze %dma_start3A_895 : memref<1x10240xi32, #tpu.memory_space<hbm>> -> memref<10240xi32, #tpu.memory_space<hbm>>
      tpu.enqueue_dma source(%dma_start3A_896 : memref<10240xi32, #tpu.memory_space<hbm>>) target(%arg5 : memref<10240xi32, #tpu.memory_space<vmem>>) target_semaphore(%arg12 : memref<!tpu.dma_semaphore, #tpu.memory_space<semaphore_mem>>)
    } else {
    }
    %eq3A_7 = arith.constant 31 : i32
    %eq3A_8 = arith.cmpi eq, %add3A, %eq3A_7 : i32
    %convert_element_type3A_9 = arith.extui %eq3A_8 : i1 to i32
    %cond3A_10 = arith.constant 0 : i32
    %cond3A_11 = arith.cmpi ne, %convert_element_type3A_9, %cond3A_10 : i32
    scf.if %cond3A_11 {
      %dma_start3A_892 = arith.constant 0 : i32
      %dma_start3A_893 = arith.constant 0 : i32
      %dma_start3A_894 = tpu.memref_slice %arg5[%dma_start3A_893] : memref<10240xi32, #tpu.memory_space<vmem>> -> memref<2560xi32, #tpu.memory_space<vmem>>
      %dma_start3A_895 = arith.constant 317440 : i32
      %dma_start3A_896 = tpu.memref_slice %arg2[%dma_start3A_892, %dma_start3A_895] : memref<2x320000xi32, #tpu.memory_space<hbm>> -> memref<1x2560xi32, #tpu.memory_space<hbm>>
      %dma_start3A_897 = tpu.memref_squeeze %dma_start3A_896 : memref<1x2560xi32, #tpu.memory_space<hbm>> -> memref<2560xi32, #tpu.memory_space<hbm>>
      %dma_start3A_898 = arith.constant 0 : i32
      %dma_start3A_899 = tpu.memref_slice %arg5[%dma_start3A_898] : memref<10240xi32, #tpu.memory_space<vmem>> -> memref<2560xi32, #tpu.memory_space<vmem>>
      %dma_start3A_900 = arith.constant 317440 : i32
      %dma_start3A_901 = tpu.memref_slice %arg2[%dma_start3A_892, %dma_start3A_900] : memref<2x320000xi32, #tpu.memory_space<hbm>> -> memref<1x2560xi32, #tpu.memory_space<hbm>>
      %dma_start3A_902 = tpu.memref_squeeze %dma_start3A_901 : memref<1x2560xi32, #tpu.memory_space<hbm>> -> memref<2560xi32, #tpu.memory_space<hbm>>
      tpu.enqueue_dma source(%dma_start3A_902 : memref<2560xi32, #tpu.memory_space<hbm>>) target(%dma_start3A_899 : memref<2560xi32, #tpu.memory_space<vmem>>) target_semaphore(%arg12 : memref<!tpu.dma_semaphore, #tpu.memory_space<semaphore_mem>>)
    } else {
    }
    %broadcast_in_dim3A = arith.constant 0.000000e+00 : f32
    %broadcast_in_dim3A_12 = vector.broadcast %broadcast_in_dim3A : f32 to vector<16xf32>
    %swap3A = arith.constant 0 : i32
    %swap3A_13 = arith.index_cast %swap3A : i32 to index
    %swap3A_14 = arith.constant 0 : index
    %swap3A_15 = tpu.vector_load %arg10[%swap3A_13, %swap3A_14] {strides = array<i32>} : memref<16x128xf32, #tpu.memory_space<vmem>>, vector<1x16xf32>,
    %swap3A_16 = vector.shape_cast %swap3A_15 : vector<1x16xf32> to vector<16xf32>
    %swap3A_17 = vector.shape_cast %broadcast_in_dim3A_12 : vector<16xf32> to vector<1x16xf32>
    tpu.vector_store %arg10[%swap3A_13, %swap3A_14], %swap3A_17 {strides = array<i32>} : memref<16x128xf32, #tpu.memory_space<vmem>>, vector<1x16xf32>,
    %swap3A_18 = arith.constant 0 : i32
    %swap3A_19 = arith.index_cast %swap3A_18 : i32 to index
    %swap3A_20 = arith.constant 16 : index
    %swap3A_21 = tpu.vector_load %arg10[%swap3A_19, %swap3A_20] {strides = array<i32>} : memref<16x128xf32, #tpu.memory_space<vmem>>, vector<1x16xf32>,
    %swap3A_22 = vector.shape_cast %swap3A_21 : vector<1x16xf32> to vector<16xf32>
    %swap3A_23 = vector.shape_cast %broadcast_in_dim3A_12 : vector<16xf32> to vector<1x16xf32>
    tpu.vector_store %arg10[%swap3A_19, %swap3A_20], %swap3A_23 {strides = array<i32>} : memref<16x128xf32, #tpu.memory_space<vmem>>, vector<1x16xf32>,
    %swap3A_24 = arith.constant 0 : i32
    %swap3A_25 = arith.index_cast %swap3A_24 : i32 to index
    %swap3A_26 = arith.constant 32 : index
    %swap3A_27 = tpu.vector_load %arg10[%swap3A_25, %swap3A_26] {strides = array<i32>} : memref<16x128xf32, #tpu.memory_space<vmem>>, vector<1x16xf32>,
    %swap3A_28 = vector.shape_cast %swap3A_27 : vector<1x16xf32> to vector<16xf32>
    %swap3A_29 = vector.shape_cast %broadcast_in_dim3A_12 : vector<16xf32> to vector<1x16xf32>
    tpu.vector_store %arg10[%swap3A_25, %swap3A_26], %swap3A_29 {strides = array<i32>} : memref<16x128xf32, #tpu.memory_space<vmem>>, vector<1x16xf32>,
    %swap3A_30 = arith.constant 0 : i32
    %swap3A_31 = arith.index_cast %swap3A_30 : i32 to index
    %swap3A_32 = arith.constant 48 : index
    %swap3A_33 = tpu.vector_load %arg10[%swap3A_31, %swap3A_32] {strides = array<i32>} : memref<16x128xf32, #tpu.memory_space<vmem>>, vector<1x16xf32>,
    %swap3A_34 = vector.shape_cast %swap3A_33 : vector<1x16xf32> to vector<16xf32>
    %swap3A_35 = vector.shape_cast %broadcast_in_dim3A_12 : vector<16xf32> to vector<1x16xf32>
    tpu.vector_store %arg10[%swap3A_31, %swap3A_32], %swap3A_35 {strides = array<i32>} : memref<16x128xf32, #tpu.memory_space<vmem>>, vector<1x16xf32>,
    %swap3A_36 = arith.constant 0 : i32
    %swap3A_37 = arith.index_cast %swap3A_36 : i32 to index
    %swap3A_38 = arith.constant 64 : index
    %swap3A_39 = tpu.vector_load %arg10[%swap3A_37, %swap3A_38] {strides = array<i32>} : memref<16x128xf32, #tpu.memory_space<vmem>>, vector<1x16xf32>,
    %swap3A_40 = vector.shape_cast %swap3A_39 : vector<1x16xf32> to vector<16xf32>
    %swap3A_41 = vector.shape_cast %broadcast_in_dim3A_12 : vector<16xf32> to vector<1x16xf32>
    tpu.vector_store %arg10[%swap3A_37, %swap3A_38], %swap3A_41 {strides = array<i32>} : memref<16x128xf32, #tpu.memory_space<vmem>>, vector<1x16xf32>,
    %swap3A_42 = arith.constant 0 : i32
    %swap3A_43 = arith.index_cast %swap3A_42 : i32 to index
    %swap3A_44 = arith.constant 80 : index
    %swap3A_45 = tpu.vector_load %arg10[%swap3A_43, %swap3A_44] {strides = array<i32>} : memref<16x128xf32, #tpu.memory_space<vmem>>, vector<1x16xf32>,
    %swap3A_46 = vector.shape_cast %swap3A_45 : vector<1x16xf32> to vector<16xf32>
    %swap3A_47 = vector.shape_cast %broadcast_in_dim3A_12 : vector<16xf32> to vector<1x16xf32>
    tpu.vector_store %arg10[%swap3A_43, %swap3A_44], %swap3A_47 {strides = array<i32>} : memref<16x128xf32, #tpu.memory_space<vmem>>, vector<1x16xf32>,
    %swap3A_48 = arith.constant 0 : i32
    %swap3A_49 = arith.index_cast %swap3A_48 : i32 to index
    %swap3A_50 = arith.constant 96 : index
    %swap3A_51 = tpu.vector_load %arg10[%swap3A_49, %swap3A_50] {strides = array<i32>} : memref<16x128xf32, #tpu.memory_space<vmem>>, vector<1x16xf32>,
    %swap3A_52 = vector.shape_cast %swap3A_51 : vector<1x16xf32> to vector<16xf32>
    %swap3A_53 = vector.shape_cast %broadcast_in_dim3A_12 : vector<16xf32> to vector<1x16xf32>
    tpu.vector_store %arg10[%swap3A_49, %swap3A_50], %swap3A_53 {strides = array<i32>} : memref<16x128xf32, #tpu.memory_space<vmem>>, vector<1x16xf32>,
    %swap3A_54 = arith.constant 0 : i32
    %swap3A_55 = arith.index_cast %swap3A_54 : i32 to index
    %swap3A_56 = arith.constant 112 : index
    %swap3A_57 = tpu.vector_load %arg10[%swap3A_55, %swap3A_56] {strides = array<i32>} : memref<16x128xf32, #tpu.memory_space<vmem>>, vector<1x16xf32>,
    %swap3A_58 = vector.shape_cast %swap3A_57 : vector<1x16xf32> to vector<16xf32>
    %swap3A_59 = vector.shape_cast %broadcast_in_dim3A_12 : vector<16xf32> to vector<1x16xf32>
    tpu.vector_store %arg10[%swap3A_55, %swap3A_56], %swap3A_59 {strides = array<i32>} : memref<16x128xf32, #tpu.memory_space<vmem>>, vector<1x16xf32>,
    %swap3A_60 = arith.constant 1 : i32
    %swap3A_61 = arith.index_cast %swap3A_60 : i32 to index
    %swap3A_62 = arith.constant 0 : index
    %swap3A_63 = tpu.vector_load %arg10[%swap3A_61, %swap3A_62] {strides = array<i32>} : memref<16x128xf32, #tpu.memory_space<vmem>>, vector<1x16xf32>,
    %swap3A_64 = vector.shape_cast %swap3A_63 : vector<1x16xf32> to vector<16xf32>
    %swap3A_65 = vector.shape_cast %broadcast_in_dim3A_12 : vector<16xf32> to vector<1x16xf32>
    tpu.vector_store %arg10[%swap3A_61, %swap3A_62], %swap3A_65 {strides = array<i32>} : memref<16x128xf32, #tpu.memory_space<vmem>>, vector<1x16xf32>,
    %swap3A_66 = arith.constant 1 : i32
    %swap3A_67 = arith.index_cast %swap3A_66 : i32 to index
    %swap3A_68 = arith.constant 16 : index
    %swap3A_69 = tpu.vector_load %arg10[%swap3A_67, %swap3A_68] {strides = array<i32>} : memref<16x128xf32, #tpu.memory_space<vmem>>, vector<1x16xf32>,
    %swap3A_70 = vector.shape_cast %swap3A_69 : vector<1x16xf32> to vector<16xf32>
    %swap3A_71 = vector.shape_cast %broadcast_in_dim3A_12 : vector<16xf32> to vector<1x16xf32>
    tpu.vector_store %arg10[%swap3A_67, %swap3A_68], %swap3A_71 {strides = array<i32>} : memref<16x128xf32, #tpu.memory_space<vmem>>, vector<1x16xf32>,
    %swap3A_72 = arith.constant 1 : i32
    %swap3A_73 = arith.index_cast %swap3A_72 : i32 to index
    %swap3A_74 = arith.constant 32 : index
    %swap3A_75 = tpu.vector_load %arg10[%swap3A_73, %swap3A_74] {strides = array<i32>} : memref<16x128xf32, #tpu.memory_space<vmem>>, vector<1x16xf32>,
    %swap3A_76 = vector.shape_cast %swap3A_75 : vector<1x16xf32> to vector<16xf32>
    %swap3A_77 = vector.shape_cast %broadcast_in_dim3A_12 : vector<16xf32> to vector<1x16xf32>
    tpu.vector_store %arg10[%swap3A_73, %swap3A_74], %swap3A_77 {strides = array<i32>} : memref<16x128xf32, #tpu.memory_space<vmem>>, vector<1x16xf32>,
    %swap3A_78 = arith.constant 1 : i32
    %swap3A_79 = arith.index_cast %swap3A_78 : i32 to index
    %swap3A_80 = arith.constant 48 : index
    %swap3A_81 = tpu.vector_load %arg10[%swap3A_79, %swap3A_80] {strides = array<i32>} : memref<16x128xf32, #tpu.memory_space<vmem>>, vector<1x16xf32>,
    %swap3A_82 = vector.shape_cast %swap3A_81 : vector<1x16xf32> to vector<16xf32>
    %swap3A_83 = vector.shape_cast %broadcast_in_dim3A_12 : vector<16xf32> to vector<1x16xf32>
    tpu.vector_store %arg10[%swap3A_79, %swap3A_80], %swap3A_83 {strides = array<i32>} : memref<16x128xf32, #tpu.memory_space<vmem>>, vector<1x16xf32>,
    %swap3A_84 = arith.constant 1 : i32
    %swap3A_85 = arith.index_cast %swap3A_84 : i32 to index
    %swap3A_86 = arith.constant 64 : index
    %swap3A_87 = tpu.vector_load %arg10[%swap3A_85, %swap3A_86] {strides = array<i32>} : memref<16x128xf32, #tpu.memory_space<vmem>>, vector<1x16xf32>,
    %swap3A_88 = vector.shape_cast %swap3A_87 : vector<1x16xf32> to vector<16xf32>
    %swap3A_89 = vector.shape_cast %broadcast_in_dim3A_12 : vector<16xf32> to vector<1x16xf32>
    tpu.vector_store %arg10[%swap3A_85, %swap3A_86], %swap3A_89 {strides = array<i32>} : memref<16x128xf32, #tpu.memory_space<vmem>>, vector<1x16xf32>,
    %swap3A_90 = arith.constant 1 : i32
    %swap3A_91 = arith.index_cast %swap3A_90 : i32 to index
    %swap3A_92 = arith.constant 80 : index
    %swap3A_93 = tpu.vector_load %arg10[%swap3A_91, %swap3A_92] {strides = array<i32>} : memref<16x128xf32, #tpu.memory_space<vmem>>, vector<1x16xf32>,
    %swap3A_94 = vector.shape_cast %swap3A_93 : vector<1x16xf32> to vector<16xf32>
    %swap3A_95 = vector.shape_cast %broadcast_in_dim3A_12 : vector<16xf32> to vector<1x16xf32>
    tpu.vector_store %arg10[%swap3A_91, %swap3A_92], %swap3A_95 {strides = array<i32>} : memref<16x128xf32, #tpu.memory_space<vmem>>, vector<1x16xf32>,
    %swap3A_96 = arith.constant 1 : i32
    %swap3A_97 = arith.index_cast %swap3A_96 : i32 to index
    %swap3A_98 = arith.constant 96 : index
    %swap3A_99 = tpu.vector_load %arg10[%swap3A_97, %swap3A_98] {strides = array<i32>} : memref<16x128xf32, #tpu.memory_space<vmem>>, vector<1x16xf32>,
    %swap3A_100 = vector.shape_cast %swap3A_99 : vector<1x16xf32> to vector<16xf32>
    %swap3A_101 = vector.shape_cast %broadcast_in_dim3A_12 : vector<16xf32> to vector<1x16xf32>
    tpu.vector_store %arg10[%swap3A_97, %swap3A_98], %swap3A_101 {strides = array<i32>} : memref<16x128xf32, #tpu.memory_space<vmem>>, vector<1x16xf32>,
    %swap3A_102 = arith.constant 1 : i32
    %swap3A_103 = arith.index_cast %swap3A_102 : i32 to index
    %swap3A_104 = arith.constant 112 : index
    %swap3A_105 = tpu.vector_load %arg10[%swap3A_103, %swap3A_104] {strides = array<i32>} : memref<16x128xf32, #tpu.memory_space<vmem>>, vector<1x16xf32>,
    %swap3A_106 = vector.shape_cast %swap3A_105 : vector<1x16xf32> to vector<16xf32>
    %swap3A_107 = vector.shape_cast %broadcast_in_dim3A_12 : vector<16xf32> to vector<1x16xf32>
    tpu.vector_store %arg10[%swap3A_103, %swap3A_104], %swap3A_107 {strides = array<i32>} : memref<16x128xf32, #tpu.memory_space<vmem>>, vector<1x16xf32>,
    %swap3A_108 = arith.constant 2 : i32
    %swap3A_109 = arith.index_cast %swap3A_108 : i32 to index
    %swap3A_110 = arith.constant 0 : index
    %swap3A_111 = tpu.vector_load %arg10[%swap3A_109, %swap3A_110] {strides = array<i32>} : memref<16x128xf32, #tpu.memory_space<vmem>>, vector<1x16xf32>,
    %swap3A_112 = vector.shape_cast %swap3A_111 : vector<1x16xf32> to vector<16xf32>
    %swap3A_113 = vector.shape_cast %broadcast_in_dim3A_12 : vector<16xf32> to vector<1x16xf32>
    tpu.vector_store %arg10[%swap3A_109, %swap3A_110], %swap3A_113 {strides = array<i32>} : memref<16x128xf32, #tpu.memory_space<vmem>>, vector<1x16xf32>,
    %swap3A_114 = arith.constant 2 : i32
    %swap3A_115 = arith.index_cast %swap3A_114 : i32 to index
    %swap3A_116 = arith.constant 16 : index
    %swap3A_117 = tpu.vector_load %arg10[%swap3A_115, %swap3A_116] {strides = array<i32>} : memref<16x128xf32, #tpu.memory_space<vmem>>, vector<1x16xf32>,
    %swap3A_118 = vector.shape_cast %swap3A_117 : vector<1x16xf32> to vector<16xf32>
    %swap3A_119 = vector.shape_cast %broadcast_in_dim3A_12 : vector<16xf32> to vector<1x16xf32>
    tpu.vector_store %arg10[%swap3A_115, %swap3A_116], %swap3A_119 {strides = array<i32>} : memref<16x128xf32, #tpu.memory_space<vmem>>, vector<1x16xf32>,
    %swap3A_120 = arith.constant 2 : i32
    %swap3A_121 = arith.index_cast %swap3A_120 : i32 to index
    %swap3A_122 = arith.constant 32 : index
    %swap3A_123 = tpu.vector_load %arg10[%swap3A_121, %swap3A_122] {strides = array<i32>} : memref<16x128xf32, #tpu.memory_space<vmem>>, vector<1x16xf32>,
    %swap3A_124 = vector.shape_cast %swap3A_123 : vector<1x16xf32> to vector<16xf32>
    %swap3A_125 = vector.shape_cast %broadcast_in_dim3A_12 : vector<16xf32> to vector<1x16xf32>
    tpu.vector_store %arg10[%swap3A_121, %swap3A_122], %swap3A_125 {strides = array<i32>} : memref<16x128xf32, #tpu.memory_space<vmem>>, vector<1x16xf32>,
    %swap3A_126 = arith.constant 2 : i32
    %swap3A_127 = arith.index_cast %swap3A_126 : i32 to index
    %swap3A_128 = arith.constant 48 : index
    %swap3A_129 = tpu.vector_load %arg10[%swap3A_127, %swap3A_128] {strides = array<i32>} : memref<16x128xf32, #tpu.memory_space<vmem>>, vector<1x16xf32>,
    %swap3A_130 = vector.shape_cast %swap3A_129 : vector<1x16xf32> to vector<16xf32>
    %swap3A_131 = vector.shape_cast %broadcast_in_dim3A_12 : vector<16xf32> to vector<1x16xf32>
    tpu.vector_store %arg10[%swap3A_127, %swap3A_128], %swap3A_131 {strides = array<i32>} : memref<16x128xf32, #tpu.memory_space<vmem>>, vector<1x16xf32>,
    %swap3A_132 = arith.constant 2 : i32
    %swap3A_133 = arith.index_cast %swap3A_132 : i32 to index
    %swap3A_134 = arith.constant 64 : index
    %swap3A_135 = tpu.vector_load %arg10[%swap3A_133, %swap3A_134] {strides = array<i32>} : memref<16x128xf32, #tpu.memory_space<vmem>>, vector<1x16xf32>,
    %swap3A_136 = vector.shape_cast %swap3A_135 : vector<1x16xf32> to vector<16xf32>
    %swap3A_137 = vector.shape_cast %broadcast_in_dim3A_12 : vector<16xf32> to vector<1x16xf32>
    tpu.vector_store %arg10[%swap3A_133, %swap3A_134], %swap3A_137 {strides = array<i32>} : memref<16x128xf32, #tpu.memory_space<vmem>>, vector<1x16xf32>,
    %swap3A_138 = arith.constant 2 : i32
    %swap3A_139 = arith.index_cast %swap3A_138 : i32 to index
    %swap3A_140 = arith.constant 80 : index
    %swap3A_141 = tpu.vector_load %arg10[%swap3A_139, %swap3A_140] {strides = array<i32>} : memref<16x128xf32, #tpu.memory_space<vmem>>, vector<1x16xf32>,
    %swap3A_142 = vector.shape_cast %swap3A_141 : vector<1x16xf32> to vector<16xf32>
    %swap3A_143 = vector.shape_cast %broadcast_in_dim3A_12 : vector<16xf32> to vector<1x16xf32>
    tpu.vector_store %arg10[%swap3A_139, %swap3A_140], %swap3A_143 {strides = array<i32>} : memref<16x128xf32, #tpu.memory_space<vmem>>, vector<1x16xf32>,
    %swap3A_144 = arith.constant 2 : i32
    %swap3A_145 = arith.index_cast %swap3A_144 : i32 to index
    %swap3A_146 = arith.constant 96 : index
    %swap3A_147 = tpu.vector_load %arg10[%swap3A_145, %swap3A_146] {strides = array<i32>} : memref<16x128xf32, #tpu.memory_space<vmem>>, vector<1x16xf32>,
    %swap3A_148 = vector.shape_cast %swap3A_147 : vector<1x16xf32> to vector<16xf32>
    %swap3A_149 = vector.shape_cast %broadcast_in_dim3A_12 : vector<16xf32> to vector<1x16xf32>
    tpu.vector_store %arg10[%swap3A_145, %swap3A_146], %swap3A_149 {strides = array<i32>} : memref<16x128xf32, #tpu.memory_space<vmem>>, vector<1x16xf32>,
    %swap3A_150 = arith.constant 2 : i32
    %swap3A_151 = arith.index_cast %swap3A_150 : i32 to index
    %swap3A_152 = arith.constant 112 : index
    %swap3A_153 = tpu.vector_load %arg10[%swap3A_151, %swap3A_152] {strides = array<i32>} : memref<16x128xf32, #tpu.memory_space<vmem>>, vector<1x16xf32>,
    %swap3A_154 = vector.shape_cast %swap3A_153 : vector<1x16xf32> to vector<16xf32>
    %swap3A_155 = vector.shape_cast %broadcast_in_dim3A_12 : vector<16xf32> to vector<1x16xf32>
    tpu.vector_store %arg10[%swap3A_151, %swap3A_152], %swap3A_155 {strides = array<i32>} : memref<16x128xf32, #tpu.memory_space<vmem>>, vector<1x16xf32>,
    %swap3A_156 = arith.constant 3 : i32
    %swap3A_157 = arith.index_cast %swap3A_156 : i32 to index
    %swap3A_158 = arith.constant 0 : index
    %swap3A_159 = tpu.vector_load %arg10[%swap3A_157, %swap3A_158] {strides = array<i32>} : memref<16x128xf32, #tpu.memory_space<vmem>>, vector<1x16xf32>,
    %swap3A_160 = vector.shape_cast %swap3A_159 : vector<1x16xf32> to vector<16xf32>
    %swap3A_161 = vector.shape_cast %broadcast_in_dim3A_12 : vector<16xf32> to vector<1x16xf32>
    tpu.vector_store %arg10[%swap3A_157, %swap3A_158], %swap3A_161 {strides = array<i32>} : memref<16x128xf32, #tpu.memory_space<vmem>>, vector<1x16xf32>,
    %swap3A_162 = arith.constant 3 : i32
    %swap3A_163 = arith.index_cast %swap3A_162 : i32 to index
    %swap3A_164 = arith.constant 16 : index
    %swap3A_165 = tpu.vector_load %arg10[%swap3A_163, %swap3A_164] {strides = array<i32>} : memref<16x128xf32, #tpu.memory_space<vmem>>, vector<1x16xf32>,
    %swap3A_166 = vector.shape_cast %swap3A_165 : vector<1x16xf32> to vector<16xf32>
    %swap3A_167 = vector.shape_cast %broadcast_in_dim3A_12 : vector<16xf32> to vector<1x16xf32>
    tpu.vector_store %arg10[%swap3A_163, %swap3A_164], %swap3A_167 {strides = array<i32>} : memref<16x128xf32, #tpu.memory_space<vmem>>, vector<1x16xf32>,
    %swap3A_168 = arith.constant 3 : i32
    %swap3A_169 = arith.index_cast %swap3A_168 : i32 to index
    %swap3A_170 = arith.constant 32 : index
    %swap3A_171 = tpu.vector_load %arg10[%swap3A_169, %swap3A_170] {strides = array<i32>} : memref<16x128xf32, #tpu.memory_space<vmem>>, vector<1x16xf32>,
    %swap3A_172 = vector.shape_cast %swap3A_171 : vector<1x16xf32> to vector<16xf32>
    %swap3A_173 = vector.shape_cast %broadcast_in_dim3A_12 : vector<16xf32> to vector<1x16xf32>
    tpu.vector_store %arg10[%swap3A_169, %swap3A_170], %swap3A_173 {strides = array<i32>} : memref<16x128xf32, #tpu.memory_space<vmem>>, vector<1x16xf32>,
    %swap3A_174 = arith.constant 3 : i32
    %swap3A_175 = arith.index_cast %swap3A_174 : i32 to index
    %swap3A_176 = arith.constant 48 : index
    %swap3A_177 = tpu.vector_load %arg10[%swap3A_175, %swap3A_176] {strides = array<i32>} : memref<16x128xf32, #tpu.memory_space<vmem>>, vector<1x16xf32>,
    %swap3A_178 = vector.shape_cast %swap3A_177 : vector<1x16xf32> to vector<16xf32>
    %swap3A_179 = vector.shape_cast %broadcast_in_dim3A_12 : vector<16xf32> to vector<1x16xf32>
    tpu.vector_store %arg10[%swap3A_175, %swap3A_176], %swap3A_179 {strides = array<i32>} : memref<16x128xf32, #tpu.memory_space<vmem>>, vector<1x16xf32>,
    %swap3A_180 = arith.constant 3 : i32
    %swap3A_181 = arith.index_cast %swap3A_180 : i32 to index
    %swap3A_182 = arith.constant 64 : index
    %swap3A_183 = tpu.vector_load %arg10[%swap3A_181, %swap3A_182] {strides = array<i32>} : memref<16x128xf32, #tpu.memory_space<vmem>>, vector<1x16xf32>,
    %swap3A_184 = vector.shape_cast %swap3A_183 : vector<1x16xf32> to vector<16xf32>
    %swap3A_185 = vector.shape_cast %broadcast_in_dim3A_12 : vector<16xf32> to vector<1x16xf32>
    tpu.vector_store %arg10[%swap3A_181, %swap3A_182], %swap3A_185 {strides = array<i32>} : memref<16x128xf32, #tpu.memory_space<vmem>>, vector<1x16xf32>,
    %swap3A_186 = arith.constant 3 : i32
    %swap3A_187 = arith.index_cast %swap3A_186 : i32 to index
    %swap3A_188 = arith.constant 80 : index
    %swap3A_189 = tpu.vector_load %arg10[%swap3A_187, %swap3A_188] {strides = array<i32>} : memref<16x128xf32, #tpu.memory_space<vmem>>, vector<1x16xf32>,
    %swap3A_190 = vector.shape_cast %swap3A_189 : vector<1x16xf32> to vector<16xf32>
    %swap3A_191 = vector.shape_cast %broadcast_in_dim3A_12 : vector<16xf32> to vector<1x16xf32>
    tpu.vector_store %arg10[%swap3A_187, %swap3A_188], %swap3A_191 {strides = array<i32>} : memref<16x128xf32, #tpu.memory_space<vmem>>, vector<1x16xf32>,
    %swap3A_192 = arith.constant 3 : i32
    %swap3A_193 = arith.index_cast %swap3A_192 : i32 to index
    %swap3A_194 = arith.constant 96 : index
    %swap3A_195 = tpu.vector_load %arg10[%swap3A_193, %swap3A_194] {strides = array<i32>} : memref<16x128xf32, #tpu.memory_space<vmem>>, vector<1x16xf32>,
    %swap3A_196 = vector.shape_cast %swap3A_195 : vector<1x16xf32> to vector<16xf32>
    %swap3A_197 = vector.shape_cast %broadcast_in_dim3A_12 : vector<16xf32> to vector<1x16xf32>
    tpu.vector_store %arg10[%swap3A_193, %swap3A_194], %swap3A_197 {strides = array<i32>} : memref<16x128xf32, #tpu.memory_space<vmem>>, vector<1x16xf32>,
    %swap3A_198 = arith.constant 3 : i32
    %swap3A_199 = arith.index_cast %swap3A_198 : i32 to index
    %swap3A_200 = arith.constant 112 : index
    %swap3A_201 = tpu.vector_load %arg10[%swap3A_199, %swap3A_200] {strides = array<i32>} : memref<16x128xf32, #tpu.memory_space<vmem>>, vector<1x16xf32>,
    %swap3A_202 = vector.shape_cast %swap3A_201 : vector<1x16xf32> to vector<16xf32>
    %swap3A_203 = vector.shape_cast %broadcast_in_dim3A_12 : vector<16xf32> to vector<1x16xf32>
    tpu.vector_store %arg10[%swap3A_199, %swap3A_200], %swap3A_203 {strides = array<i32>} : memref<16x128xf32, #tpu.memory_space<vmem>>, vector<1x16xf32>,
    %swap3A_204 = arith.constant 4 : i32
    %swap3A_205 = arith.index_cast %swap3A_204 : i32 to index
    %swap3A_206 = arith.constant 0 : index
    %swap3A_207 = tpu.vector_load %arg10[%swap3A_205, %swap3A_206] {strides = array<i32>} : memref<16x128xf32, #tpu.memory_space<vmem>>, vector<1x16xf32>,
    %swap3A_208 = vector.shape_cast %swap3A_207 : vector<1x16xf32> to vector<16xf32>
    %swap3A_209 = vector.shape_cast %broadcast_in_dim3A_12 : vector<16xf32> to vector<1x16xf32>
    tpu.vector_store %arg10[%swap3A_205, %swap3A_206], %swap3A_209 {strides = array<i32>} : memref<16x128xf32, #tpu.memory_space<vmem>>, vector<1x16xf32>,
    %swap3A_210 = arith.constant 4 : i32
    %swap3A_211 = arith.index_cast %swap3A_210 : i32 to index
    %swap3A_212 = arith.constant 16 : index
    %swap3A_213 = tpu.vector_load %arg10[%swap3A_211, %swap3A_212] {strides = array<i32>} : memref<16x128xf32, #tpu.memory_space<vmem>>, vector<1x16xf32>,
    %swap3A_214 = vector.shape_cast %swap3A_213 : vector<1x16xf32> to vector<16xf32>
    %swap3A_215 = vector.shape_cast %broadcast_in_dim3A_12 : vector<16xf32> to vector<1x16xf32>
    tpu.vector_store %arg10[%swap3A_211, %swap3A_212], %swap3A_215 {strides = array<i32>} : memref<16x128xf32, #tpu.memory_space<vmem>>, vector<1x16xf32>,
    %swap3A_216 = arith.constant 4 : i32
    %swap3A_217 = arith.index_cast %swap3A_216 : i32 to index
    %swap3A_218 = arith.constant 32 : index
    %swap3A_219 = tpu.vector_load %arg10[%swap3A_217, %swap3A_218] {strides = array<i32>} : memref<16x128xf32, #tpu.memory_space<vmem>>, vector<1x16xf32>,
    %swap3A_220 = vector.shape_cast %swap3A_219 : vector<1x16xf32> to vector<16xf32>
    %swap3A_221 = vector.shape_cast %broadcast_in_dim3A_12 : vector<16xf32> to vector<1x16xf32>
    tpu.vector_store %arg10[%swap3A_217, %swap3A_218], %swap3A_221 {strides = array<i32>} : memref<16x128xf32, #tpu.memory_space<vmem>>, vector<1x16xf32>,
    %swap3A_222 = arith.constant 4 : i32
    %swap3A_223 = arith.index_cast %swap3A_222 : i32 to index
    %swap3A_224 = arith.constant 48 : index
    %swap3A_225 = tpu.vector_load %arg10[%swap3A_223, %swap3A_224] {strides = array<i32>} : memref<16x128xf32, #tpu.memory_space<vmem>>, vector<1x16xf32>,
    %swap3A_226 = vector.shape_cast %swap3A_225 : vector<1x16xf32> to vector<16xf32>
    %swap3A_227 = vector.shape_cast %broadcast_in_dim3A_12 : vector<16xf32> to vector<1x16xf32>
    tpu.vector_store %arg10[%swap3A_223, %swap3A_224], %swap3A_227 {strides = array<i32>} : memref<16x128xf32, #tpu.memory_space<vmem>>, vector<1x16xf32>,
    %swap3A_228 = arith.constant 4 : i32
    %swap3A_229 = arith.index_cast %swap3A_228 : i32 to index
    %swap3A_230 = arith.constant 64 : index
    %swap3A_231 = tpu.vector_load %arg10[%swap3A_229, %swap3A_230] {strides = array<i32>} : memref<16x128xf32, #tpu.memory_space<vmem>>, vector<1x16xf32>,
    %swap3A_232 = vector.shape_cast %swap3A_231 : vector<1x16xf32> to vector<16xf32>
    %swap3A_233 = vector.shape_cast %broadcast_in_dim3A_12 : vector<16xf32> to vector<1x16xf32>
    tpu.vector_store %arg10[%swap3A_229, %swap3A_230], %swap3A_233 {strides = array<i32>} : memref<16x128xf32, #tpu.memory_space<vmem>>, vector<1x16xf32>,
    %swap3A_234 = arith.constant 4 : i32
    %swap3A_235 = arith.index_cast %swap3A_234 : i32 to index
    %swap3A_236 = arith.constant 80 : index
    %swap3A_237 = tpu.vector_load %arg10[%swap3A_235, %swap3A_236] {strides = array<i32>} : memref<16x128xf32, #tpu.memory_space<vmem>>, vector<1x16xf32>,
    %swap3A_238 = vector.shape_cast %swap3A_237 : vector<1x16xf32> to vector<16xf32>
    %swap3A_239 = vector.shape_cast %broadcast_in_dim3A_12 : vector<16xf32> to vector<1x16xf32>
    tpu.vector_store %arg10[%swap3A_235, %swap3A_236], %swap3A_239 {strides = array<i32>} : memref<16x128xf32, #tpu.memory_space<vmem>>, vector<1x16xf32>,
    %swap3A_240 = arith.constant 4 : i32
    %swap3A_241 = arith.index_cast %swap3A_240 : i32 to index
    %swap3A_242 = arith.constant 96 : index
    %swap3A_243 = tpu.vector_load %arg10[%swap3A_241, %swap3A_242] {strides = array<i32>} : memref<16x128xf32, #tpu.memory_space<vmem>>, vector<1x16xf32>,
    %swap3A_244 = vector.shape_cast %swap3A_243 : vector<1x16xf32> to vector<16xf32>
    %swap3A_245 = vector.shape_cast %broadcast_in_dim3A_12 : vector<16xf32> to vector<1x16xf32>
    tpu.vector_store %arg10[%swap3A_241, %swap3A_242], %swap3A_245 {strides = array<i32>} : memref<16x128xf32, #tpu.memory_space<vmem>>, vector<1x16xf32>,
    %swap3A_246 = arith.constant 4 : i32
    %swap3A_247 = arith.index_cast %swap3A_246 : i32 to index
    %swap3A_248 = arith.constant 112 : index
    %swap3A_249 = tpu.vector_load %arg10[%swap3A_247, %swap3A_248] {strides = array<i32>} : memref<16x128xf32, #tpu.memory_space<vmem>>, vector<1x16xf32>,
    %swap3A_250 = vector.shape_cast %swap3A_249 : vector<1x16xf32> to vector<16xf32>
    %swap3A_251 = vector.shape_cast %broadcast_in_dim3A_12 : vector<16xf32> to vector<1x16xf32>
    tpu.vector_store %arg10[%swap3A_247, %swap3A_248], %swap3A_251 {strides = array<i32>} : memref<16x128xf32, #tpu.memory_space<vmem>>, vector<1x16xf32>,
    %swap3A_252 = arith.constant 5 : i32
    %swap3A_253 = arith.index_cast %swap3A_252 : i32 to index
    %swap3A_254 = arith.constant 0 : index
    %swap3A_255 = tpu.vector_load %arg10[%swap3A_253, %swap3A_254] {strides = array<i32>} : memref<16x128xf32, #tpu.memory_space<vmem>>, vector<1x16xf32>,
    %swap3A_256 = vector.shape_cast %swap3A_255 : vector<1x16xf32> to vector<16xf32>
    %swap3A_257 = vector.shape_cast %broadcast_in_dim3A_12 : vector<16xf32> to vector<1x16xf32>
    tpu.vector_store %arg10[%swap3A_253, %swap3A_254], %swap3A_257 {strides = array<i32>} : memref<16x128xf32, #tpu.memory_space<vmem>>, vector<1x16xf32>,
    %swap3A_258 = arith.constant 5 : i32
    %swap3A_259 = arith.index_cast %swap3A_258 : i32 to index
    %swap3A_260 = arith.constant 16 : index
    %swap3A_261 = tpu.vector_load %arg10[%swap3A_259, %swap3A_260] {strides = array<i32>} : memref<16x128xf32, #tpu.memory_space<vmem>>, vector<1x16xf32>,
    %swap3A_262 = vector.shape_cast %swap3A_261 : vector<1x16xf32> to vector<16xf32>
    %swap3A_263 = vector.shape_cast %broadcast_in_dim3A_12 : vector<16xf32> to vector<1x16xf32>
    tpu.vector_store %arg10[%swap3A_259, %swap3A_260], %swap3A_263 {strides = array<i32>} : memref<16x128xf32, #tpu.memory_space<vmem>>, vector<1x16xf32>,
    %swap3A_264 = arith.constant 5 : i32
    %swap3A_265 = arith.index_cast %swap3A_264 : i32 to index
    %swap3A_266 = arith.constant 32 : index
    %swap3A_267 = tpu.vector_load %arg10[%swap3A_265, %swap3A_266] {strides = array<i32>} : memref<16x128xf32, #tpu.memory_space<vmem>>, vector<1x16xf32>,
    %swap3A_268 = vector.shape_cast %swap3A_267 : vector<1x16xf32> to vector<16xf32>
    %swap3A_269 = vector.shape_cast %broadcast_in_dim3A_12 : vector<16xf32> to vector<1x16xf32>
    tpu.vector_store %arg10[%swap3A_265, %swap3A_266], %swap3A_269 {strides = array<i32>} : memref<16x128xf32, #tpu.memory_space<vmem>>, vector<1x16xf32>,
    %swap3A_270 = arith.constant 5 : i32
    %swap3A_271 = arith.index_cast %swap3A_270 : i32 to index
    %swap3A_272 = arith.constant 48 : index
    %swap3A_273 = tpu.vector_load %arg10[%swap3A_271, %swap3A_272] {strides = array<i32>} : memref<16x128xf32, #tpu.memory_space<vmem>>, vector<1x16xf32>,
    %swap3A_274 = vector.shape_cast %swap3A_273 : vector<1x16xf32> to vector<16xf32>
    %swap3A_275 = vector.shape_cast %broadcast_in_dim3A_12 : vector<16xf32> to vector<1x16xf32>
    tpu.vector_store %arg10[%swap3A_271, %swap3A_272], %swap3A_275 {strides = array<i32>} : memref<16x128xf32, #tpu.memory_space<vmem>>, vector<1x16xf32>,
    %swap3A_276 = arith.constant 5 : i32
    %swap3A_277 = arith.index_cast %swap3A_276 : i32 to index
    %swap3A_278 = arith.constant 64 : index
    %swap3A_279 = tpu.vector_load %arg10[%swap3A_277, %swap3A_278] {strides = array<i32>} : memref<16x128xf32, #tpu.memory_space<vmem>>, vector<1x16xf32>,
    %swap3A_280 = vector.shape_cast %swap3A_279 : vector<1x16xf32> to vector<16xf32>
    %swap3A_281 = vector.shape_cast %broadcast_in_dim3A_12 : vector<16xf32> to vector<1x16xf32>
    tpu.vector_store %arg10[%swap3A_277, %swap3A_278], %swap3A_281 {strides = array<i32>} : memref<16x128xf32, #tpu.memory_space<vmem>>, vector<1x16xf32>,
    %swap3A_282 = arith.constant 5 : i32
    %swap3A_283 = arith.index_cast %swap3A_282 : i32 to index
    %swap3A_284 = arith.constant 80 : index
    %swap3A_285 = tpu.vector_load %arg10[%swap3A_283, %swap3A_284] {strides = array<i32>} : memref<16x128xf32, #tpu.memory_space<vmem>>, vector<1x16xf32>,
    %swap3A_286 = vector.shape_cast %swap3A_285 : vector<1x16xf32> to vector<16xf32>
    %swap3A_287 = vector.shape_cast %broadcast_in_dim3A_12 : vector<16xf32> to vector<1x16xf32>
    tpu.vector_store %arg10[%swap3A_283, %swap3A_284], %swap3A_287 {strides = array<i32>} : memref<16x128xf32, #tpu.memory_space<vmem>>, vector<1x16xf32>,
    %swap3A_288 = arith.constant 5 : i32
    %swap3A_289 = arith.index_cast %swap3A_288 : i32 to index
    %swap3A_290 = arith.constant 96 : index
    %swap3A_291 = tpu.vector_load %arg10[%swap3A_289, %swap3A_290] {strides = array<i32>} : memref<16x128xf32, #tpu.memory_space<vmem>>, vector<1x16xf32>,
    %swap3A_292 = vector.shape_cast %swap3A_291 : vector<1x16xf32> to vector<16xf32>
    %swap3A_293 = vector.shape_cast %broadcast_in_dim3A_12 : vector<16xf32> to vector<1x16xf32>
    tpu.vector_store %arg10[%swap3A_289, %swap3A_290], %swap3A_293 {strides = array<i32>} : memref<16x128xf32, #tpu.memory_space<vmem>>, vector<1x16xf32>,
    %swap3A_294 = arith.constant 5 : i32
    %swap3A_295 = arith.index_cast %swap3A_294 : i32 to index
    %swap3A_296 = arith.constant 112 : index
    %swap3A_297 = tpu.vector_load %arg10[%swap3A_295, %swap3A_296] {strides = array<i32>} : memref<16x128xf32, #tpu.memory_space<vmem>>, vector<1x16xf32>,
    %swap3A_298 = vector.shape_cast %swap3A_297 : vector<1x16xf32> to vector<16xf32>
    %swap3A_299 = vector.shape_cast %broadcast_in_dim3A_12 : vector<16xf32> to vector<1x16xf32>
    tpu.vector_store %arg10[%swap3A_295, %swap3A_296], %swap3A_299 {strides = array<i32>} : memref<16x128xf32, #tpu.memory_space<vmem>>, vector<1x16xf32>,
    %swap3A_300 = arith.constant 6 : i32
    %swap3A_301 = arith.index_cast %swap3A_300 : i32 to index
    %swap3A_302 = arith.constant 0 : index
    %swap3A_303 = tpu.vector_load %arg10[%swap3A_301, %swap3A_302] {strides = array<i32>} : memref<16x128xf32, #tpu.memory_space<vmem>>, vector<1x16xf32>,
    %swap3A_304 = vector.shape_cast %swap3A_303 : vector<1x16xf32> to vector<16xf32>
    %swap3A_305 = vector.shape_cast %broadcast_in_dim3A_12 : vector<16xf32> to vector<1x16xf32>
    tpu.vector_store %arg10[%swap3A_301, %swap3A_302], %swap3A_305 {strides = array<i32>} : memref<16x128xf32, #tpu.memory_space<vmem>>, vector<1x16xf32>,
    %swap3A_306 = arith.constant 6 : i32
    %swap3A_307 = arith.index_cast %swap3A_306 : i32 to index
    %swap3A_308 = arith.constant 16 : index
    %swap3A_309 = tpu.vector_load %arg10[%swap3A_307, %swap3A_308] {strides = array<i32>} : memref<16x128xf32, #tpu.memory_space<vmem>>, vector<1x16xf32>,
    %swap3A_310 = vector.shape_cast %swap3A_309 : vector<1x16xf32> to vector<16xf32>
    %swap3A_311 = vector.shape_cast %broadcast_in_dim3A_12 : vector<16xf32> to vector<1x16xf32>
    tpu.vector_store %arg10[%swap3A_307, %swap3A_308], %swap3A_311 {strides = array<i32>} : memref<16x128xf32, #tpu.memory_space<vmem>>, vector<1x16xf32>,
    %swap3A_312 = arith.constant 6 : i32
    %swap3A_313 = arith.index_cast %swap3A_312 : i32 to index
    %swap3A_314 = arith.constant 32 : index
    %swap3A_315 = tpu.vector_load %arg10[%swap3A_313, %swap3A_314] {strides = array<i32>} : memref<16x128xf32, #tpu.memory_space<vmem>>, vector<1x16xf32>,
    %swap3A_316 = vector.shape_cast %swap3A_315 : vector<1x16xf32> to vector<16xf32>
    %swap3A_317 = vector.shape_cast %broadcast_in_dim3A_12 : vector<16xf32> to vector<1x16xf32>
    tpu.vector_store %arg10[%swap3A_313, %swap3A_314], %swap3A_317 {strides = array<i32>} : memref<16x128xf32, #tpu.memory_space<vmem>>, vector<1x16xf32>,
    %swap3A_318 = arith.constant 6 : i32
    %swap3A_319 = arith.index_cast %swap3A_318 : i32 to index
    %swap3A_320 = arith.constant 48 : index
    %swap3A_321 = tpu.vector_load %arg10[%swap3A_319, %swap3A_320] {strides = array<i32>} : memref<16x128xf32, #tpu.memory_space<vmem>>, vector<1x16xf32>,
    %swap3A_322 = vector.shape_cast %swap3A_321 : vector<1x16xf32> to vector<16xf32>
    %swap3A_323 = vector.shape_cast %broadcast_in_dim3A_12 : vector<16xf32> to vector<1x16xf32>
    tpu.vector_store %arg10[%swap3A_319, %swap3A_320], %swap3A_323 {strides = array<i32>} : memref<16x128xf32, #tpu.memory_space<vmem>>, vector<1x16xf32>,
    %swap3A_324 = arith.constant 6 : i32
    %swap3A_325 = arith.index_cast %swap3A_324 : i32 to index
    %swap3A_326 = arith.constant 64 : index
    %swap3A_327 = tpu.vector_load %arg10[%swap3A_325, %swap3A_326] {strides = array<i32>} : memref<16x128xf32, #tpu.memory_space<vmem>>, vector<1x16xf32>,
    %swap3A_328 = vector.shape_cast %swap3A_327 : vector<1x16xf32> to vector<16xf32>
    %swap3A_329 = vector.shape_cast %broadcast_in_dim3A_12 : vector<16xf32> to vector<1x16xf32>
    tpu.vector_store %arg10[%swap3A_325, %swap3A_326], %swap3A_329 {strides = array<i32>} : memref<16x128xf32, #tpu.memory_space<vmem>>, vector<1x16xf32>,
    %swap3A_330 = arith.constant 6 : i32
    %swap3A_331 = arith.index_cast %swap3A_330 : i32 to index
    %swap3A_332 = arith.constant 80 : index
    %swap3A_333 = tpu.vector_load %arg10[%swap3A_331, %swap3A_332] {strides = array<i32>} : memref<16x128xf32, #tpu.memory_space<vmem>>, vector<1x16xf32>,
    %swap3A_334 = vector.shape_cast %swap3A_333 : vector<1x16xf32> to vector<16xf32>
    %swap3A_335 = vector.shape_cast %broadcast_in_dim3A_12 : vector<16xf32> to vector<1x16xf32>
    tpu.vector_store %arg10[%swap3A_331, %swap3A_332], %swap3A_335 {strides = array<i32>} : memref<16x128xf32, #tpu.memory_space<vmem>>, vector<1x16xf32>,
    %swap3A_336 = arith.constant 6 : i32
    %swap3A_337 = arith.index_cast %swap3A_336 : i32 to index
    %swap3A_338 = arith.constant 96 : index
    %swap3A_339 = tpu.vector_load %arg10[%swap3A_337, %swap3A_338] {strides = array<i32>} : memref<16x128xf32, #tpu.memory_space<vmem>>, vector<1x16xf32>,
    %swap3A_340 = vector.shape_cast %swap3A_339 : vector<1x16xf32> to vector<16xf32>
    %swap3A_341 = vector.shape_cast %broadcast_in_dim3A_12 : vector<16xf32> to vector<1x16xf32>
    tpu.vector_store %arg10[%swap3A_337, %swap3A_338], %swap3A_341 {strides = array<i32>} : memref<16x128xf32, #tpu.memory_space<vmem>>, vector<1x16xf32>,
    %swap3A_342 = arith.constant 6 : i32
    %swap3A_343 = arith.index_cast %swap3A_342 : i32 to index
    %swap3A_344 = arith.constant 112 : index
    %swap3A_345 = tpu.vector_load %arg10[%swap3A_343, %swap3A_344] {strides = array<i32>} : memref<16x128xf32, #tpu.memory_space<vmem>>, vector<1x16xf32>,
    %swap3A_346 = vector.shape_cast %swap3A_345 : vector<1x16xf32> to vector<16xf32>
    %swap3A_347 = vector.shape_cast %broadcast_in_dim3A_12 : vector<16xf32> to vector<1x16xf32>
    tpu.vector_store %arg10[%swap3A_343, %swap3A_344], %swap3A_347 {strides = array<i32>} : memref<16x128xf32, #tpu.memory_space<vmem>>, vector<1x16xf32>,
    %swap3A_348 = arith.constant 7 : i32
    %swap3A_349 = arith.index_cast %swap3A_348 : i32 to index
    %swap3A_350 = arith.constant 0 : index
    %swap3A_351 = tpu.vector_load %arg10[%swap3A_349, %swap3A_350] {strides = array<i32>} : memref<16x128xf32, #tpu.memory_space<vmem>>, vector<1x16xf32>,
    %swap3A_352 = vector.shape_cast %swap3A_351 : vector<1x16xf32> to vector<16xf32>
    %swap3A_353 = vector.shape_cast %broadcast_in_dim3A_12 : vector<16xf32> to vector<1x16xf32>
    tpu.vector_store %arg10[%swap3A_349, %swap3A_350], %swap3A_353 {strides = array<i32>} : memref<16x128xf32, #tpu.memory_space<vmem>>, vector<1x16xf32>,
    %swap3A_354 = arith.constant 7 : i32
    %swap3A_355 = arith.index_cast %swap3A_354 : i32 to index
    %swap3A_356 = arith.constant 16 : index
    %swap3A_357 = tpu.vector_load %arg10[%swap3A_355, %swap3A_356] {strides = array<i32>} : memref<16x128xf32, #tpu.memory_space<vmem>>, vector<1x16xf32>,
    %swap3A_358 = vector.shape_cast %swap3A_357 : vector<1x16xf32> to vector<16xf32>
    %swap3A_359 = vector.shape_cast %broadcast_in_dim3A_12 : vector<16xf32> to vector<1x16xf32>
    tpu.vector_store %arg10[%swap3A_355, %swap3A_356], %swap3A_359 {strides = array<i32>} : memref<16x128xf32, #tpu.memory_space<vmem>>, vector<1x16xf32>,
    %swap3A_360 = arith.constant 7 : i32
    %swap3A_361 = arith.index_cast %swap3A_360 : i32 to index
    %swap3A_362 = arith.constant 32 : index
    %swap3A_363 = tpu.vector_load %arg10[%swap3A_361, %swap3A_362] {strides = array<i32>} : memref<16x128xf32, #tpu.memory_space<vmem>>, vector<1x16xf32>,
    %swap3A_364 = vector.shape_cast %swap3A_363 : vector<1x16xf32> to vector<16xf32>
    %swap3A_365 = vector.shape_cast %broadcast_in_dim3A_12 : vector<16xf32> to vector<1x16xf32>
    tpu.vector_store %arg10[%swap3A_361, %swap3A_362], %swap3A_365 {strides = array<i32>} : memref<16x128xf32, #tpu.memory_space<vmem>>, vector<1x16xf32>,
    %swap3A_366 = arith.constant 7 : i32
    %swap3A_367 = arith.index_cast %swap3A_366 : i32 to index
    %swap3A_368 = arith.constant 48 : index
    %swap3A_369 = tpu.vector_load %arg10[%swap3A_367, %swap3A_368] {strides = array<i32>} : memref<16x128xf32, #tpu.memory_space<vmem>>, vector<1x16xf32>,
    %swap3A_370 = vector.shape_cast %swap3A_369 : vector<1x16xf32> to vector<16xf32>
    %swap3A_371 = vector.shape_cast %broadcast_in_dim3A_12 : vector<16xf32> to vector<1x16xf32>
    tpu.vector_store %arg10[%swap3A_367, %swap3A_368], %swap3A_371 {strides = array<i32>} : memref<16x128xf32, #tpu.memory_space<vmem>>, vector<1x16xf32>,
    %swap3A_372 = arith.constant 7 : i32
    %swap3A_373 = arith.index_cast %swap3A_372 : i32 to index
    %swap3A_374 = arith.constant 64 : index
    %swap3A_375 = tpu.vector_load %arg10[%swap3A_373, %swap3A_374] {strides = array<i32>} : memref<16x128xf32, #tpu.memory_space<vmem>>, vector<1x16xf32>,
    %swap3A_376 = vector.shape_cast %swap3A_375 : vector<1x16xf32> to vector<16xf32>
    %swap3A_377 = vector.shape_cast %broadcast_in_dim3A_12 : vector<16xf32> to vector<1x16xf32>
    tpu.vector_store %arg10[%swap3A_373, %swap3A_374], %swap3A_377 {strides = array<i32>} : memref<16x128xf32, #tpu.memory_space<vmem>>, vector<1x16xf32>,
    %swap3A_378 = arith.constant 7 : i32
    %swap3A_379 = arith.index_cast %swap3A_378 : i32 to index
    %swap3A_380 = arith.constant 80 : index
    %swap3A_381 = tpu.vector_load %arg10[%swap3A_379, %swap3A_380] {strides = array<i32>} : memref<16x128xf32, #tpu.memory_space<vmem>>, vector<1x16xf32>,
    %swap3A_382 = vector.shape_cast %swap3A_381 : vector<1x16xf32> to vector<16xf32>
    %swap3A_383 = vector.shape_cast %broadcast_in_dim3A_12 : vector<16xf32> to vector<1x16xf32>
    tpu.vector_store %arg10[%swap3A_379, %swap3A_380], %swap3A_383 {strides = array<i32>} : memref<16x128xf32, #tpu.memory_space<vmem>>, vector<1x16xf32>,
    %swap3A_384 = arith.constant 7 : i32
    %swap3A_385 = arith.index_cast %swap3A_384 : i32 to index
    %swap3A_386 = arith.constant 96 : index
    %swap3A_387 = tpu.vector_load %arg10[%swap3A_385, %swap3A_386] {strides = array<i32>} : memref<16x128xf32, #tpu.memory_space<vmem>>, vector<1x16xf32>,
    %swap3A_388 = vector.shape_cast %swap3A_387 : vector<1x16xf32> to vector<16xf32>
    %swap3A_389 = vector.shape_cast %broadcast_in_dim3A_12 : vector<16xf32> to vector<1x16xf32>
    tpu.vector_store %arg10[%swap3A_385, %swap3A_386], %swap3A_389 {strides = array<i32>} : memref<16x128xf32, #tpu.memory_space<vmem>>, vector<1x16xf32>,
    %swap3A_390 = arith.constant 7 : i32
    %swap3A_391 = arith.index_cast %swap3A_390 : i32 to index
    %swap3A_392 = arith.constant 112 : index
    %swap3A_393 = tpu.vector_load %arg10[%swap3A_391, %swap3A_392] {strides = array<i32>} : memref<16x128xf32, #tpu.memory_space<vmem>>, vector<1x16xf32>,
    %swap3A_394 = vector.shape_cast %swap3A_393 : vector<1x16xf32> to vector<16xf32>
    %swap3A_395 = vector.shape_cast %broadcast_in_dim3A_12 : vector<16xf32> to vector<1x16xf32>
    tpu.vector_store %arg10[%swap3A_391, %swap3A_392], %swap3A_395 {strides = array<i32>} : memref<16x128xf32, #tpu.memory_space<vmem>>, vector<1x16xf32>,
    %swap3A_396 = arith.constant 8 : i32
    %swap3A_397 = arith.index_cast %swap3A_396 : i32 to index
    %swap3A_398 = arith.constant 0 : index
    %swap3A_399 = tpu.vector_load %arg10[%swap3A_397, %swap3A_398] {strides = array<i32>} : memref<16x128xf32, #tpu.memory_space<vmem>>, vector<1x16xf32>,
    %swap3A_400 = vector.shape_cast %swap3A_399 : vector<1x16xf32> to vector<16xf32>
    %swap3A_401 = vector.shape_cast %broadcast_in_dim3A_12 : vector<16xf32> to vector<1x16xf32>
    tpu.vector_store %arg10[%swap3A_397, %swap3A_398], %swap3A_401 {strides = array<i32>} : memref<16x128xf32, #tpu.memory_space<vmem>>, vector<1x16xf32>,
    %swap3A_402 = arith.constant 8 : i32
    %swap3A_403 = arith.index_cast %swap3A_402 : i32 to index
    %swap3A_404 = arith.constant 16 : index
    %swap3A_405 = tpu.vector_load %arg10[%swap3A_403, %swap3A_404] {strides = array<i32>} : memref<16x128xf32, #tpu.memory_space<vmem>>, vector<1x16xf32>,
    %swap3A_406 = vector.shape_cast %swap3A_405 : vector<1x16xf32> to vector<16xf32>
    %swap3A_407 = vector.shape_cast %broadcast_in_dim3A_12 : vector<16xf32> to vector<1x16xf32>
    tpu.vector_store %arg10[%swap3A_403, %swap3A_404], %swap3A_407 {strides = array<i32>} : memref<16x128xf32, #tpu.memory_space<vmem>>, vector<1x16xf32>,
    %swap3A_408 = arith.constant 8 : i32
    %swap3A_409 = arith.index_cast %swap3A_408 : i32 to index
    %swap3A_410 = arith.constant 32 : index
    %swap3A_411 = tpu.vector_load %arg10[%swap3A_409, %swap3A_410] {strides = array<i32>} : memref<16x128xf32, #tpu.memory_space<vmem>>, vector<1x16xf32>,
    %swap3A_412 = vector.shape_cast %swap3A_411 : vector<1x16xf32> to vector<16xf32>
    %swap3A_413 = vector.shape_cast %broadcast_in_dim3A_12 : vector<16xf32> to vector<1x16xf32>
    tpu.vector_store %arg10[%swap3A_409, %swap3A_410], %swap3A_413 {strides = array<i32>} : memref<16x128xf32, #tpu.memory_space<vmem>>, vector<1x16xf32>,
    %swap3A_414 = arith.constant 8 : i32
    %swap3A_415 = arith.index_cast %swap3A_414 : i32 to index
    %swap3A_416 = arith.constant 48 : index
    %swap3A_417 = tpu.vector_load %arg10[%swap3A_415, %swap3A_416] {strides = array<i32>} : memref<16x128xf32, #tpu.memory_space<vmem>>, vector<1x16xf32>,
    %swap3A_418 = vector.shape_cast %swap3A_417 : vector<1x16xf32> to vector<16xf32>
    %swap3A_419 = vector.shape_cast %broadcast_in_dim3A_12 : vector<16xf32> to vector<1x16xf32>
    tpu.vector_store %arg10[%swap3A_415, %swap3A_416], %swap3A_419 {strides = array<i32>} : memref<16x128xf32, #tpu.memory_space<vmem>>, vector<1x16xf32>,
    %swap3A_420 = arith.constant 8 : i32
    %swap3A_421 = arith.index_cast %swap3A_420 : i32 to index
    %swap3A_422 = arith.constant 64 : index
    %swap3A_423 = tpu.vector_load %arg10[%swap3A_421, %swap3A_422] {strides = array<i32>} : memref<16x128xf32, #tpu.memory_space<vmem>>, vector<1x16xf32>,
    %swap3A_424 = vector.shape_cast %swap3A_423 : vector<1x16xf32> to vector<16xf32>
    %swap3A_425 = vector.shape_cast %broadcast_in_dim3A_12 : vector<16xf32> to vector<1x16xf32>
    tpu.vector_store %arg10[%swap3A_421, %swap3A_422], %swap3A_425 {strides = array<i32>} : memref<16x128xf32, #tpu.memory_space<vmem>>, vector<1x16xf32>,
    %swap3A_426 = arith.constant 8 : i32
    %swap3A_427 = arith.index_cast %swap3A_426 : i32 to index
    %swap3A_428 = arith.constant 80 : index
    %swap3A_429 = tpu.vector_load %arg10[%swap3A_427, %swap3A_428] {strides = array<i32>} : memref<16x128xf32, #tpu.memory_space<vmem>>, vector<1x16xf32>,
    %swap3A_430 = vector.shape_cast %swap3A_429 : vector<1x16xf32> to vector<16xf32>
    %swap3A_431 = vector.shape_cast %broadcast_in_dim3A_12 : vector<16xf32> to vector<1x16xf32>
    tpu.vector_store %arg10[%swap3A_427, %swap3A_428], %swap3A_431 {strides = array<i32>} : memref<16x128xf32, #tpu.memory_space<vmem>>, vector<1x16xf32>,
    %swap3A_432 = arith.constant 8 : i32
    %swap3A_433 = arith.index_cast %swap3A_432 : i32 to index
    %swap3A_434 = arith.constant 96 : index
    %swap3A_435 = tpu.vector_load %arg10[%swap3A_433, %swap3A_434] {strides = array<i32>} : memref<16x128xf32, #tpu.memory_space<vmem>>, vector<1x16xf32>,
    %swap3A_436 = vector.shape_cast %swap3A_435 : vector<1x16xf32> to vector<16xf32>
    %swap3A_437 = vector.shape_cast %broadcast_in_dim3A_12 : vector<16xf32> to vector<1x16xf32>
    tpu.vector_store %arg10[%swap3A_433, %swap3A_434], %swap3A_437 {strides = array<i32>} : memref<16x128xf32, #tpu.memory_space<vmem>>, vector<1x16xf32>,
    %swap3A_438 = arith.constant 8 : i32
    %swap3A_439 = arith.index_cast %swap3A_438 : i32 to index
    %swap3A_440 = arith.constant 112 : index
    %swap3A_441 = tpu.vector_load %arg10[%swap3A_439, %swap3A_440] {strides = array<i32>} : memref<16x128xf32, #tpu.memory_space<vmem>>, vector<1x16xf32>,
    %swap3A_442 = vector.shape_cast %swap3A_441 : vector<1x16xf32> to vector<16xf32>
    %swap3A_443 = vector.shape_cast %broadcast_in_dim3A_12 : vector<16xf32> to vector<1x16xf32>
    tpu.vector_store %arg10[%swap3A_439, %swap3A_440], %swap3A_443 {strides = array<i32>} : memref<16x128xf32, #tpu.memory_space<vmem>>, vector<1x16xf32>,
    %swap3A_444 = arith.constant 9 : i32
    %swap3A_445 = arith.index_cast %swap3A_444 : i32 to index
    %swap3A_446 = arith.constant 0 : index
    %swap3A_447 = tpu.vector_load %arg10[%swap3A_445, %swap3A_446] {strides = array<i32>} : memref<16x128xf32, #tpu.memory_space<vmem>>, vector<1x16xf32>,
    %swap3A_448 = vector.shape_cast %swap3A_447 : vector<1x16xf32> to vector<16xf32>
    %swap3A_449 = vector.shape_cast %broadcast_in_dim3A_12 : vector<16xf32> to vector<1x16xf32>
    tpu.vector_store %arg10[%swap3A_445, %swap3A_446], %swap3A_449 {strides = array<i32>} : memref<16x128xf32, #tpu.memory_space<vmem>>, vector<1x16xf32>,
    %swap3A_450 = arith.constant 9 : i32
    %swap3A_451 = arith.index_cast %swap3A_450 : i32 to index
    %swap3A_452 = arith.constant 16 : index
    %swap3A_453 = tpu.vector_load %arg10[%swap3A_451, %swap3A_452] {strides = array<i32>} : memref<16x128xf32, #tpu.memory_space<vmem>>, vector<1x16xf32>,
    %swap3A_454 = vector.shape_cast %swap3A_453 : vector<1x16xf32> to vector<16xf32>
    %swap3A_455 = vector.shape_cast %broadcast_in_dim3A_12 : vector<16xf32> to vector<1x16xf32>
    tpu.vector_store %arg10[%swap3A_451, %swap3A_452], %swap3A_455 {strides = array<i32>} : memref<16x128xf32, #tpu.memory_space<vmem>>, vector<1x16xf32>,
    %swap3A_456 = arith.constant 9 : i32
    %swap3A_457 = arith.index_cast %swap3A_456 : i32 to index
    %swap3A_458 = arith.constant 32 : index
    %swap3A_459 = tpu.vector_load %arg10[%swap3A_457, %swap3A_458] {strides = array<i32>} : memref<16x128xf32, #tpu.memory_space<vmem>>, vector<1x16xf32>,
    %swap3A_460 = vector.shape_cast %swap3A_459 : vector<1x16xf32> to vector<16xf32>
    %swap3A_461 = vector.shape_cast %broadcast_in_dim3A_12 : vector<16xf32> to vector<1x16xf32>
    tpu.vector_store %arg10[%swap3A_457, %swap3A_458], %swap3A_461 {strides = array<i32>} : memref<16x128xf32, #tpu.memory_space<vmem>>, vector<1x16xf32>,
    %swap3A_462 = arith.constant 9 : i32
    %swap3A_463 = arith.index_cast %swap3A_462 : i32 to index
    %swap3A_464 = arith.constant 48 : index
    %swap3A_465 = tpu.vector_load %arg10[%swap3A_463, %swap3A_464] {strides = array<i32>} : memref<16x128xf32, #tpu.memory_space<vmem>>, vector<1x16xf32>,
    %swap3A_466 = vector.shape_cast %swap3A_465 : vector<1x16xf32> to vector<16xf32>
    %swap3A_467 = vector.shape_cast %broadcast_in_dim3A_12 : vector<16xf32> to vector<1x16xf32>
    tpu.vector_store %arg10[%swap3A_463, %swap3A_464], %swap3A_467 {strides = array<i32>} : memref<16x128xf32, #tpu.memory_space<vmem>>, vector<1x16xf32>,
    %swap3A_468 = arith.constant 9 : i32
    %swap3A_469 = arith.index_cast %swap3A_468 : i32 to index
    %swap3A_470 = arith.constant 64 : index
    %swap3A_471 = tpu.vector_load %arg10[%swap3A_469, %swap3A_470] {strides = array<i32>} : memref<16x128xf32, #tpu.memory_space<vmem>>, vector<1x16xf32>,
    %swap3A_472 = vector.shape_cast %swap3A_471 : vector<1x16xf32> to vector<16xf32>
    %swap3A_473 = vector.shape_cast %broadcast_in_dim3A_12 : vector<16xf32> to vector<1x16xf32>
    tpu.vector_store %arg10[%swap3A_469, %swap3A_470], %swap3A_473 {strides = array<i32>} : memref<16x128xf32, #tpu.memory_space<vmem>>, vector<1x16xf32>,
    %swap3A_474 = arith.constant 9 : i32
    %swap3A_475 = arith.index_cast %swap3A_474 : i32 to index
    %swap3A_476 = arith.constant 80 : index
    %swap3A_477 = tpu.vector_load %arg10[%swap3A_475, %swap3A_476] {strides = array<i32>} : memref<16x128xf32, #tpu.memory_space<vmem>>, vector<1x16xf32>,
    %swap3A_478 = vector.shape_cast %swap3A_477 : vector<1x16xf32> to vector<16xf32>
    %swap3A_479 = vector.shape_cast %broadcast_in_dim3A_12 : vector<16xf32> to vector<1x16xf32>
    tpu.vector_store %arg10[%swap3A_475, %swap3A_476], %swap3A_479 {strides = array<i32>} : memref<16x128xf32, #tpu.memory_space<vmem>>, vector<1x16xf32>,
    %swap3A_480 = arith.constant 9 : i32
    %swap3A_481 = arith.index_cast %swap3A_480 : i32 to index
    %swap3A_482 = arith.constant 96 : index
    %swap3A_483 = tpu.vector_load %arg10[%swap3A_481, %swap3A_482] {strides = array<i32>} : memref<16x128xf32, #tpu.memory_space<vmem>>, vector<1x16xf32>,
    %swap3A_484 = vector.shape_cast %swap3A_483 : vector<1x16xf32> to vector<16xf32>
    %swap3A_485 = vector.shape_cast %broadcast_in_dim3A_12 : vector<16xf32> to vector<1x16xf32>
    tpu.vector_store %arg10[%swap3A_481, %swap3A_482], %swap3A_485 {strides = array<i32>} : memref<16x128xf32, #tpu.memory_space<vmem>>, vector<1x16xf32>,
    %swap3A_486 = arith.constant 9 : i32
    %swap3A_487 = arith.index_cast %swap3A_486 : i32 to index
    %swap3A_488 = arith.constant 112 : index
    %swap3A_489 = tpu.vector_load %arg10[%swap3A_487, %swap3A_488] {strides = array<i32>} : memref<16x128xf32, #tpu.memory_space<vmem>>, vector<1x16xf32>,
    %swap3A_490 = vector.shape_cast %swap3A_489 : vector<1x16xf32> to vector<16xf32>
    %swap3A_491 = vector.shape_cast %broadcast_in_dim3A_12 : vector<16xf32> to vector<1x16xf32>
    tpu.vector_store %arg10[%swap3A_487, %swap3A_488], %swap3A_491 {strides = array<i32>} : memref<16x128xf32, #tpu.memory_space<vmem>>, vector<1x16xf32>,
    %swap3A_492 = arith.constant 10 : i32
    %swap3A_493 = arith.index_cast %swap3A_492 : i32 to index
    %swap3A_494 = arith.constant 0 : index
    %swap3A_495 = tpu.vector_load %arg10[%swap3A_493, %swap3A_494] {strides = array<i32>} : memref<16x128xf32, #tpu.memory_space<vmem>>, vector<1x16xf32>,
    %swap3A_496 = vector.shape_cast %swap3A_495 : vector<1x16xf32> to vector<16xf32>
    %swap3A_497 = vector.shape_cast %broadcast_in_dim3A_12 : vector<16xf32> to vector<1x16xf32>
    tpu.vector_store %arg10[%swap3A_493, %swap3A_494], %swap3A_497 {strides = array<i32>} : memref<16x128xf32, #tpu.memory_space<vmem>>, vector<1x16xf32>,
    %swap3A_498 = arith.constant 10 : i32
    %swap3A_499 = arith.index_cast %swap3A_498 : i32 to index
    %swap3A_500 = arith.constant 16 : index
    %swap3A_501 = tpu.vector_load %arg10[%swap3A_499, %swap3A_500] {strides = array<i32>} : memref<16x128xf32, #tpu.memory_space<vmem>>, vector<1x16xf32>,
    %swap3A_502 = vector.shape_cast %swap3A_501 : vector<1x16xf32> to vector<16xf32>
    %swap3A_503 = vector.shape_cast %broadcast_in_dim3A_12 : vector<16xf32> to vector<1x16xf32>
    tpu.vector_store %arg10[%swap3A_499, %swap3A_500], %swap3A_503 {strides = array<i32>} : memref<16x128xf32, #tpu.memory_space<vmem>>, vector<1x16xf32>,
    %swap3A_504 = arith.constant 10 : i32
    %swap3A_505 = arith.index_cast %swap3A_504 : i32 to index
    %swap3A_506 = arith.constant 32 : index
    %swap3A_507 = tpu.vector_load %arg10[%swap3A_505, %swap3A_506] {strides = array<i32>} : memref<16x128xf32, #tpu.memory_space<vmem>>, vector<1x16xf32>,
    %swap3A_508 = vector.shape_cast %swap3A_507 : vector<1x16xf32> to vector<16xf32>
    %swap3A_509 = vector.shape_cast %broadcast_in_dim3A_12 : vector<16xf32> to vector<1x16xf32>
    tpu.vector_store %arg10[%swap3A_505, %swap3A_506], %swap3A_509 {strides = array<i32>} : memref<16x128xf32, #tpu.memory_space<vmem>>, vector<1x16xf32>,
    %swap3A_510 = arith.constant 10 : i32
    %swap3A_511 = arith.index_cast %swap3A_510 : i32 to index
    %swap3A_512 = arith.constant 48 : index
    %swap3A_513 = tpu.vector_load %arg10[%swap3A_511, %swap3A_512] {strides = array<i32>} : memref<16x128xf32, #tpu.memory_space<vmem>>, vector<1x16xf32>,
    %swap3A_514 = vector.shape_cast %swap3A_513 : vector<1x16xf32> to vector<16xf32>
    %swap3A_515 = vector.shape_cast %broadcast_in_dim3A_12 : vector<16xf32> to vector<1x16xf32>
    tpu.vector_store %arg10[%swap3A_511, %swap3A_512], %swap3A_515 {strides = array<i32>} : memref<16x128xf32, #tpu.memory_space<vmem>>, vector<1x16xf32>,
    %swap3A_516 = arith.constant 10 : i32
    %swap3A_517 = arith.index_cast %swap3A_516 : i32 to index
    %swap3A_518 = arith.constant 64 : index
    %swap3A_519 = tpu.vector_load %arg10[%swap3A_517, %swap3A_518] {strides = array<i32>} : memref<16x128xf32, #tpu.memory_space<vmem>>, vector<1x16xf32>,
    %swap3A_520 = vector.shape_cast %swap3A_519 : vector<1x16xf32> to vector<16xf32>
    %swap3A_521 = vector.shape_cast %broadcast_in_dim3A_12 : vector<16xf32> to vector<1x16xf32>
    tpu.vector_store %arg10[%swap3A_517, %swap3A_518], %swap3A_521 {strides = array<i32>} : memref<16x128xf32, #tpu.memory_space<vmem>>, vector<1x16xf32>,
    %swap3A_522 = arith.constant 10 : i32
    %swap3A_523 = arith.index_cast %swap3A_522 : i32 to index
    %swap3A_524 = arith.constant 80 : index
    %swap3A_525 = tpu.vector_load %arg10[%swap3A_523, %swap3A_524] {strides = array<i32>} : memref<16x128xf32, #tpu.memory_space<vmem>>, vector<1x16xf32>,
    %swap3A_526 = vector.shape_cast %swap3A_525 : vector<1x16xf32> to vector<16xf32>
    %swap3A_527 = vector.shape_cast %broadcast_in_dim3A_12 : vector<16xf32> to vector<1x16xf32>
    tpu.vector_store %arg10[%swap3A_523, %swap3A_524], %swap3A_527 {strides = array<i32>} : memref<16x128xf32, #tpu.memory_space<vmem>>, vector<1x16xf32>,
    %swap3A_528 = arith.constant 10 : i32
    %swap3A_529 = arith.index_cast %swap3A_528 : i32 to index
    %swap3A_530 = arith.constant 96 : index
    %swap3A_531 = tpu.vector_load %arg10[%swap3A_529, %swap3A_530] {strides = array<i32>} : memref<16x128xf32, #tpu.memory_space<vmem>>, vector<1x16xf32>,
    %swap3A_532 = vector.shape_cast %swap3A_531 : vector<1x16xf32> to vector<16xf32>
    %swap3A_533 = vector.shape_cast %broadcast_in_dim3A_12 : vector<16xf32> to vector<1x16xf32>
    tpu.vector_store %arg10[%swap3A_529, %swap3A_530], %swap3A_533 {strides = array<i32>} : memref<16x128xf32, #tpu.memory_space<vmem>>, vector<1x16xf32>,
    %swap3A_534 = arith.constant 10 : i32
    %swap3A_535 = arith.index_cast %swap3A_534 : i32 to index
    %swap3A_536 = arith.constant 112 : index
    %swap3A_537 = tpu.vector_load %arg10[%swap3A_535, %swap3A_536] {strides = array<i32>} : memref<16x128xf32, #tpu.memory_space<vmem>>, vector<1x16xf32>,
    %swap3A_538 = vector.shape_cast %swap3A_537 : vector<1x16xf32> to vector<16xf32>
    %swap3A_539 = vector.shape_cast %broadcast_in_dim3A_12 : vector<16xf32> to vector<1x16xf32>
    tpu.vector_store %arg10[%swap3A_535, %swap3A_536], %swap3A_539 {strides = array<i32>} : memref<16x128xf32, #tpu.memory_space<vmem>>, vector<1x16xf32>,
    %swap3A_540 = arith.constant 11 : i32
    %swap3A_541 = arith.index_cast %swap3A_540 : i32 to index
    %swap3A_542 = arith.constant 0 : index
    %swap3A_543 = tpu.vector_load %arg10[%swap3A_541, %swap3A_542] {strides = array<i32>} : memref<16x128xf32, #tpu.memory_space<vmem>>, vector<1x16xf32>,
    %swap3A_544 = vector.shape_cast %swap3A_543 : vector<1x16xf32> to vector<16xf32>
    %swap3A_545 = vector.shape_cast %broadcast_in_dim3A_12 : vector<16xf32> to vector<1x16xf32>
    tpu.vector_store %arg10[%swap3A_541, %swap3A_542], %swap3A_545 {strides = array<i32>} : memref<16x128xf32, #tpu.memory_space<vmem>>, vector<1x16xf32>,
    %swap3A_546 = arith.constant 11 : i32
    %swap3A_547 = arith.index_cast %swap3A_546 : i32 to index
    %swap3A_548 = arith.constant 16 : index
    %swap3A_549 = tpu.vector_load %arg10[%swap3A_547, %swap3A_548] {strides = array<i32>} : memref<16x128xf32, #tpu.memory_space<vmem>>, vector<1x16xf32>,
    %swap3A_550 = vector.shape_cast %swap3A_549 : vector<1x16xf32> to vector<16xf32>
    %swap3A_551 = vector.shape_cast %broadcast_in_dim3A_12 : vector<16xf32> to vector<1x16xf32>
    tpu.vector_store %arg10[%swap3A_547, %swap3A_548], %swap3A_551 {strides = array<i32>} : memref<16x128xf32, #tpu.memory_space<vmem>>, vector<1x16xf32>,
    %swap3A_552 = arith.constant 11 : i32
    %swap3A_553 = arith.index_cast %swap3A_552 : i32 to index
    %swap3A_554 = arith.constant 32 : index
    %swap3A_555 = tpu.vector_load %arg10[%swap3A_553, %swap3A_554] {strides = array<i32>} : memref<16x128xf32, #tpu.memory_space<vmem>>, vector<1x16xf32>,
    %swap3A_556 = vector.shape_cast %swap3A_555 : vector<1x16xf32> to vector<16xf32>
    %swap3A_557 = vector.shape_cast %broadcast_in_dim3A_12 : vector<16xf32> to vector<1x16xf32>
    tpu.vector_store %arg10[%swap3A_553, %swap3A_554], %swap3A_557 {strides = array<i32>} : memref<16x128xf32, #tpu.memory_space<vmem>>, vector<1x16xf32>,
    %swap3A_558 = arith.constant 11 : i32
    %swap3A_559 = arith.index_cast %swap3A_558 : i32 to index
    %swap3A_560 = arith.constant 48 : index
    %swap3A_561 = tpu.vector_load %arg10[%swap3A_559, %swap3A_560] {strides = array<i32>} : memref<16x128xf32, #tpu.memory_space<vmem>>, vector<1x16xf32>,
    %swap3A_562 = vector.shape_cast %swap3A_561 : vector<1x16xf32> to vector<16xf32>
    %swap3A_563 = vector.shape_cast %broadcast_in_dim3A_12 : vector<16xf32> to vector<1x16xf32>
    tpu.vector_store %arg10[%swap3A_559, %swap3A_560], %swap3A_563 {strides = array<i32>} : memref<16x128xf32, #tpu.memory_space<vmem>>, vector<1x16xf32>,
    %swap3A_564 = arith.constant 11 : i32
    %swap3A_565 = arith.index_cast %swap3A_564 : i32 to index
    %swap3A_566 = arith.constant 64 : index
    %swap3A_567 = tpu.vector_load %arg10[%swap3A_565, %swap3A_566] {strides = array<i32>} : memref<16x128xf32, #tpu.memory_space<vmem>>, vector<1x16xf32>,
    %swap3A_568 = vector.shape_cast %swap3A_567 : vector<1x16xf32> to vector<16xf32>
    %swap3A_569 = vector.shape_cast %broadcast_in_dim3A_12 : vector<16xf32> to vector<1x16xf32>
    tpu.vector_store %arg10[%swap3A_565, %swap3A_566], %swap3A_569 {strides = array<i32>} : memref<16x128xf32, #tpu.memory_space<vmem>>, vector<1x16xf32>,
    %swap3A_570 = arith.constant 11 : i32
    %swap3A_571 = arith.index_cast %swap3A_570 : i32 to index
    %swap3A_572 = arith.constant 80 : index
    %swap3A_573 = tpu.vector_load %arg10[%swap3A_571, %swap3A_572] {strides = array<i32>} : memref<16x128xf32, #tpu.memory_space<vmem>>, vector<1x16xf32>,
    %swap3A_574 = vector.shape_cast %swap3A_573 : vector<1x16xf32> to vector<16xf32>
    %swap3A_575 = vector.shape_cast %broadcast_in_dim3A_12 : vector<16xf32> to vector<1x16xf32>
    tpu.vector_store %arg10[%swap3A_571, %swap3A_572], %swap3A_575 {strides = array<i32>} : memref<16x128xf32, #tpu.memory_space<vmem>>, vector<1x16xf32>,
    %swap3A_576 = arith.constant 11 : i32
    %swap3A_577 = arith.index_cast %swap3A_576 : i32 to index
    %swap3A_578 = arith.constant 96 : index
    %swap3A_579 = tpu.vector_load %arg10[%swap3A_577, %swap3A_578] {strides = array<i32>} : memref<16x128xf32, #tpu.memory_space<vmem>>, vector<1x16xf32>,
    %swap3A_580 = vector.shape_cast %swap3A_579 : vector<1x16xf32> to vector<16xf32>
    %swap3A_581 = vector.shape_cast %broadcast_in_dim3A_12 : vector<16xf32> to vector<1x16xf32>
    tpu.vector_store %arg10[%swap3A_577, %swap3A_578], %swap3A_581 {strides = array<i32>} : memref<16x128xf32, #tpu.memory_space<vmem>>, vector<1x16xf32>,
    %swap3A_582 = arith.constant 11 : i32
    %swap3A_583 = arith.index_cast %swap3A_582 : i32 to index
    %swap3A_584 = arith.constant 112 : index
    %swap3A_585 = tpu.vector_load %arg10[%swap3A_583, %swap3A_584] {strides = array<i32>} : memref<16x128xf32, #tpu.memory_space<vmem>>, vector<1x16xf32>,
    %swap3A_586 = vector.shape_cast %swap3A_585 : vector<1x16xf32> to vector<16xf32>
    %swap3A_587 = vector.shape_cast %broadcast_in_dim3A_12 : vector<16xf32> to vector<1x16xf32>
    tpu.vector_store %arg10[%swap3A_583, %swap3A_584], %swap3A_587 {strides = array<i32>} : memref<16x128xf32, #tpu.memory_space<vmem>>, vector<1x16xf32>,
    %swap3A_588 = arith.constant 12 : i32
    %swap3A_589 = arith.index_cast %swap3A_588 : i32 to index
    %swap3A_590 = arith.constant 0 : index
    %swap3A_591 = tpu.vector_load %arg10[%swap3A_589, %swap3A_590] {strides = array<i32>} : memref<16x128xf32, #tpu.memory_space<vmem>>, vector<1x16xf32>,
    %swap3A_592 = vector.shape_cast %swap3A_591 : vector<1x16xf32> to vector<16xf32>
    %swap3A_593 = vector.shape_cast %broadcast_in_dim3A_12 : vector<16xf32> to vector<1x16xf32>
    tpu.vector_store %arg10[%swap3A_589, %swap3A_590], %swap3A_593 {strides = array<i32>} : memref<16x128xf32, #tpu.memory_space<vmem>>, vector<1x16xf32>,
    %swap3A_594 = arith.constant 12 : i32
    %swap3A_595 = arith.index_cast %swap3A_594 : i32 to index
    %swap3A_596 = arith.constant 16 : index
    %swap3A_597 = tpu.vector_load %arg10[%swap3A_595, %swap3A_596] {strides = array<i32>} : memref<16x128xf32, #tpu.memory_space<vmem>>, vector<1x16xf32>,
    %swap3A_598 = vector.shape_cast %swap3A_597 : vector<1x16xf32> to vector<16xf32>
    %swap3A_599 = vector.shape_cast %broadcast_in_dim3A_12 : vector<16xf32> to vector<1x16xf32>
    tpu.vector_store %arg10[%swap3A_595, %swap3A_596], %swap3A_599 {strides = array<i32>} : memref<16x128xf32, #tpu.memory_space<vmem>>, vector<1x16xf32>,
    %swap3A_600 = arith.constant 12 : i32
    %swap3A_601 = arith.index_cast %swap3A_600 : i32 to index
    %swap3A_602 = arith.constant 32 : index
    %swap3A_603 = tpu.vector_load %arg10[%swap3A_601, %swap3A_602] {strides = array<i32>} : memref<16x128xf32, #tpu.memory_space<vmem>>, vector<1x16xf32>,
    %swap3A_604 = vector.shape_cast %swap3A_603 : vector<1x16xf32> to vector<16xf32>
    %swap3A_605 = vector.shape_cast %broadcast_in_dim3A_12 : vector<16xf32> to vector<1x16xf32>
    tpu.vector_store %arg10[%swap3A_601, %swap3A_602], %swap3A_605 {strides = array<i32>} : memref<16x128xf32, #tpu.memory_space<vmem>>, vector<1x16xf32>,
    %swap3A_606 = arith.constant 12 : i32
    %swap3A_607 = arith.index_cast %swap3A_606 : i32 to index
    %swap3A_608 = arith.constant 48 : index
    %swap3A_609 = tpu.vector_load %arg10[%swap3A_607, %swap3A_608] {strides = array<i32>} : memref<16x128xf32, #tpu.memory_space<vmem>>, vector<1x16xf32>,
    %swap3A_610 = vector.shape_cast %swap3A_609 : vector<1x16xf32> to vector<16xf32>
    %swap3A_611 = vector.shape_cast %broadcast_in_dim3A_12 : vector<16xf32> to vector<1x16xf32>
    tpu.vector_store %arg10[%swap3A_607, %swap3A_608], %swap3A_611 {strides = array<i32>} : memref<16x128xf32, #tpu.memory_space<vmem>>, vector<1x16xf32>,
    %swap3A_612 = arith.constant 12 : i32
    %swap3A_613 = arith.index_cast %swap3A_612 : i32 to index
    %swap3A_614 = arith.constant 64 : index
    %swap3A_615 = tpu.vector_load %arg10[%swap3A_613, %swap3A_614] {strides = array<i32>} : memref<16x128xf32, #tpu.memory_space<vmem>>, vector<1x16xf32>,
    %swap3A_616 = vector.shape_cast %swap3A_615 : vector<1x16xf32> to vector<16xf32>
    %swap3A_617 = vector.shape_cast %broadcast_in_dim3A_12 : vector<16xf32> to vector<1x16xf32>
    tpu.vector_store %arg10[%swap3A_613, %swap3A_614], %swap3A_617 {strides = array<i32>} : memref<16x128xf32, #tpu.memory_space<vmem>>, vector<1x16xf32>,
    %swap3A_618 = arith.constant 12 : i32
    %swap3A_619 = arith.index_cast %swap3A_618 : i32 to index
    %swap3A_620 = arith.constant 80 : index
    %swap3A_621 = tpu.vector_load %arg10[%swap3A_619, %swap3A_620] {strides = array<i32>} : memref<16x128xf32, #tpu.memory_space<vmem>>, vector<1x16xf32>,
    %swap3A_622 = vector.shape_cast %swap3A_621 : vector<1x16xf32> to vector<16xf32>
    %swap3A_623 = vector.shape_cast %broadcast_in_dim3A_12 : vector<16xf32> to vector<1x16xf32>
    tpu.vector_store %arg10[%swap3A_619, %swap3A_620], %swap3A_623 {strides = array<i32>} : memref<16x128xf32, #tpu.memory_space<vmem>>, vector<1x16xf32>,
    %swap3A_624 = arith.constant 12 : i32
    %swap3A_625 = arith.index_cast %swap3A_624 : i32 to index
    %swap3A_626 = arith.constant 96 : index
    %swap3A_627 = tpu.vector_load %arg10[%swap3A_625, %swap3A_626] {strides = array<i32>} : memref<16x128xf32, #tpu.memory_space<vmem>>, vector<1x16xf32>,
    %swap3A_628 = vector.shape_cast %swap3A_627 : vector<1x16xf32> to vector<16xf32>
    %swap3A_629 = vector.shape_cast %broadcast_in_dim3A_12 : vector<16xf32> to vector<1x16xf32>
    tpu.vector_store %arg10[%swap3A_625, %swap3A_626], %swap3A_629 {strides = array<i32>} : memref<16x128xf32, #tpu.memory_space<vmem>>, vector<1x16xf32>,
    %swap3A_630 = arith.constant 12 : i32
    %swap3A_631 = arith.index_cast %swap3A_630 : i32 to index
    %swap3A_632 = arith.constant 112 : index
    %swap3A_633 = tpu.vector_load %arg10[%swap3A_631, %swap3A_632] {strides = array<i32>} : memref<16x128xf32, #tpu.memory_space<vmem>>, vector<1x16xf32>,
    %swap3A_634 = vector.shape_cast %swap3A_633 : vector<1x16xf32> to vector<16xf32>
    %swap3A_635 = vector.shape_cast %broadcast_in_dim3A_12 : vector<16xf32> to vector<1x16xf32>
    tpu.vector_store %arg10[%swap3A_631, %swap3A_632], %swap3A_635 {strides = array<i32>} : memref<16x128xf32, #tpu.memory_space<vmem>>, vector<1x16xf32>,
    %swap3A_636 = arith.constant 13 : i32
    %swap3A_637 = arith.index_cast %swap3A_636 : i32 to index
    %swap3A_638 = arith.constant 0 : index
    %swap3A_639 = tpu.vector_load %arg10[%swap3A_637, %swap3A_638] {strides = array<i32>} : memref<16x128xf32, #tpu.memory_space<vmem>>, vector<1x16xf32>,
    %swap3A_640 = vector.shape_cast %swap3A_639 : vector<1x16xf32> to vector<16xf32>
    %swap3A_641 = vector.shape_cast %broadcast_in_dim3A_12 : vector<16xf32> to vector<1x16xf32>
    tpu.vector_store %arg10[%swap3A_637, %swap3A_638], %swap3A_641 {strides = array<i32>} : memref<16x128xf32, #tpu.memory_space<vmem>>, vector<1x16xf32>,
    %swap3A_642 = arith.constant 13 : i32
    %swap3A_643 = arith.index_cast %swap3A_642 : i32 to index
    %swap3A_644 = arith.constant 16 : index
    %swap3A_645 = tpu.vector_load %arg10[%swap3A_643, %swap3A_644] {strides = array<i32>} : memref<16x128xf32, #tpu.memory_space<vmem>>, vector<1x16xf32>,
    %swap3A_646 = vector.shape_cast %swap3A_645 : vector<1x16xf32> to vector<16xf32>
    %swap3A_647 = vector.shape_cast %broadcast_in_dim3A_12 : vector<16xf32> to vector<1x16xf32>
    tpu.vector_store %arg10[%swap3A_643, %swap3A_644], %swap3A_647 {strides = array<i32>} : memref<16x128xf32, #tpu.memory_space<vmem>>, vector<1x16xf32>,
    %swap3A_648 = arith.constant 13 : i32
    %swap3A_649 = arith.index_cast %swap3A_648 : i32 to index
    %swap3A_650 = arith.constant 32 : index
    %swap3A_651 = tpu.vector_load %arg10[%swap3A_649, %swap3A_650] {strides = array<i32>} : memref<16x128xf32, #tpu.memory_space<vmem>>, vector<1x16xf32>,
    %swap3A_652 = vector.shape_cast %swap3A_651 : vector<1x16xf32> to vector<16xf32>
    %swap3A_653 = vector.shape_cast %broadcast_in_dim3A_12 : vector<16xf32> to vector<1x16xf32>
    tpu.vector_store %arg10[%swap3A_649, %swap3A_650], %swap3A_653 {strides = array<i32>} : memref<16x128xf32, #tpu.memory_space<vmem>>, vector<1x16xf32>,
    %swap3A_654 = arith.constant 13 : i32
    %swap3A_655 = arith.index_cast %swap3A_654 : i32 to index
    %swap3A_656 = arith.constant 48 : index
    %swap3A_657 = tpu.vector_load %arg10[%swap3A_655, %swap3A_656] {strides = array<i32>} : memref<16x128xf32, #tpu.memory_space<vmem>>, vector<1x16xf32>,
    %swap3A_658 = vector.shape_cast %swap3A_657 : vector<1x16xf32> to vector<16xf32>
    %swap3A_659 = vector.shape_cast %broadcast_in_dim3A_12 : vector<16xf32> to vector<1x16xf32>
    tpu.vector_store %arg10[%swap3A_655, %swap3A_656], %swap3A_659 {strides = array<i32>} : memref<16x128xf32, #tpu.memory_space<vmem>>, vector<1x16xf32>,
    %swap3A_660 = arith.constant 13 : i32
    %swap3A_661 = arith.index_cast %swap3A_660 : i32 to index
    %swap3A_662 = arith.constant 64 : index
    %swap3A_663 = tpu.vector_load %arg10[%swap3A_661, %swap3A_662] {strides = array<i32>} : memref<16x128xf32, #tpu.memory_space<vmem>>, vector<1x16xf32>,
    %swap3A_664 = vector.shape_cast %swap3A_663 : vector<1x16xf32> to vector<16xf32>
    %swap3A_665 = vector.shape_cast %broadcast_in_dim3A_12 : vector<16xf32> to vector<1x16xf32>
    tpu.vector_store %arg10[%swap3A_661, %swap3A_662], %swap3A_665 {strides = array<i32>} : memref<16x128xf32, #tpu.memory_space<vmem>>, vector<1x16xf32>,
    %swap3A_666 = arith.constant 13 : i32
    %swap3A_667 = arith.index_cast %swap3A_666 : i32 to index
    %swap3A_668 = arith.constant 80 : index
    %swap3A_669 = tpu.vector_load %arg10[%swap3A_667, %swap3A_668] {strides = array<i32>} : memref<16x128xf32, #tpu.memory_space<vmem>>, vector<1x16xf32>,
    %swap3A_670 = vector.shape_cast %swap3A_669 : vector<1x16xf32> to vector<16xf32>
    %swap3A_671 = vector.shape_cast %broadcast_in_dim3A_12 : vector<16xf32> to vector<1x16xf32>
    tpu.vector_store %arg10[%swap3A_667, %swap3A_668], %swap3A_671 {strides = array<i32>} : memref<16x128xf32, #tpu.memory_space<vmem>>, vector<1x16xf32>,
    %swap3A_672 = arith.constant 13 : i32
    %swap3A_673 = arith.index_cast %swap3A_672 : i32 to index
    %swap3A_674 = arith.constant 96 : index
    %swap3A_675 = tpu.vector_load %arg10[%swap3A_673, %swap3A_674] {strides = array<i32>} : memref<16x128xf32, #tpu.memory_space<vmem>>, vector<1x16xf32>,
    %swap3A_676 = vector.shape_cast %swap3A_675 : vector<1x16xf32> to vector<16xf32>
    %swap3A_677 = vector.shape_cast %broadcast_in_dim3A_12 : vector<16xf32> to vector<1x16xf32>
    tpu.vector_store %arg10[%swap3A_673, %swap3A_674], %swap3A_677 {strides = array<i32>} : memref<16x128xf32, #tpu.memory_space<vmem>>, vector<1x16xf32>,
    %swap3A_678 = arith.constant 13 : i32
    %swap3A_679 = arith.index_cast %swap3A_678 : i32 to index
    %swap3A_680 = arith.constant 112 : index
    %swap3A_681 = tpu.vector_load %arg10[%swap3A_679, %swap3A_680] {strides = array<i32>} : memref<16x128xf32, #tpu.memory_space<vmem>>, vector<1x16xf32>,
    %swap3A_682 = vector.shape_cast %swap3A_681 : vector<1x16xf32> to vector<16xf32>
    %swap3A_683 = vector.shape_cast %broadcast_in_dim3A_12 : vector<16xf32> to vector<1x16xf32>
    tpu.vector_store %arg10[%swap3A_679, %swap3A_680], %swap3A_683 {strides = array<i32>} : memref<16x128xf32, #tpu.memory_space<vmem>>, vector<1x16xf32>,
    %swap3A_684 = arith.constant 14 : i32
    %swap3A_685 = arith.index_cast %swap3A_684 : i32 to index
    %swap3A_686 = arith.constant 0 : index
    %swap3A_687 = tpu.vector_load %arg10[%swap3A_685, %swap3A_686] {strides = array<i32>} : memref<16x128xf32, #tpu.memory_space<vmem>>, vector<1x16xf32>,
    %swap3A_688 = vector.shape_cast %swap3A_687 : vector<1x16xf32> to vector<16xf32>
    %swap3A_689 = vector.shape_cast %broadcast_in_dim3A_12 : vector<16xf32> to vector<1x16xf32>
    tpu.vector_store %arg10[%swap3A_685, %swap3A_686], %swap3A_689 {strides = array<i32>} : memref<16x128xf32, #tpu.memory_space<vmem>>, vector<1x16xf32>,
    %swap3A_690 = arith.constant 14 : i32
    %swap3A_691 = arith.index_cast %swap3A_690 : i32 to index
    %swap3A_692 = arith.constant 16 : index
    %swap3A_693 = tpu.vector_load %arg10[%swap3A_691, %swap3A_692] {strides = array<i32>} : memref<16x128xf32, #tpu.memory_space<vmem>>, vector<1x16xf32>,
    %swap3A_694 = vector.shape_cast %swap3A_693 : vector<1x16xf32> to vector<16xf32>
    %swap3A_695 = vector.shape_cast %broadcast_in_dim3A_12 : vector<16xf32> to vector<1x16xf32>
    tpu.vector_store %arg10[%swap3A_691, %swap3A_692], %swap3A_695 {strides = array<i32>} : memref<16x128xf32, #tpu.memory_space<vmem>>, vector<1x16xf32>,
    %swap3A_696 = arith.constant 14 : i32
    %swap3A_697 = arith.index_cast %swap3A_696 : i32 to index
    %swap3A_698 = arith.constant 32 : index
    %swap3A_699 = tpu.vector_load %arg10[%swap3A_697, %swap3A_698] {strides = array<i32>} : memref<16x128xf32, #tpu.memory_space<vmem>>, vector<1x16xf32>,
    %swap3A_700 = vector.shape_cast %swap3A_699 : vector<1x16xf32> to vector<16xf32>
    %swap3A_701 = vector.shape_cast %broadcast_in_dim3A_12 : vector<16xf32> to vector<1x16xf32>
    tpu.vector_store %arg10[%swap3A_697, %swap3A_698], %swap3A_701 {strides = array<i32>} : memref<16x128xf32, #tpu.memory_space<vmem>>, vector<1x16xf32>,
    %swap3A_702 = arith.constant 14 : i32
    %swap3A_703 = arith.index_cast %swap3A_702 : i32 to index
    %swap3A_704 = arith.constant 48 : index
    %swap3A_705 = tpu.vector_load %arg10[%swap3A_703, %swap3A_704] {strides = array<i32>} : memref<16x128xf32, #tpu.memory_space<vmem>>, vector<1x16xf32>,
    %swap3A_706 = vector.shape_cast %swap3A_705 : vector<1x16xf32> to vector<16xf32>
    %swap3A_707 = vector.shape_cast %broadcast_in_dim3A_12 : vector<16xf32> to vector<1x16xf32>
    tpu.vector_store %arg10[%swap3A_703, %swap3A_704], %swap3A_707 {strides = array<i32>} : memref<16x128xf32, #tpu.memory_space<vmem>>, vector<1x16xf32>,
    %swap3A_708 = arith.constant 14 : i32
    %swap3A_709 = arith.index_cast %swap3A_708 : i32 to index
    %swap3A_710 = arith.constant 64 : index
    %swap3A_711 = tpu.vector_load %arg10[%swap3A_709, %swap3A_710] {strides = array<i32>} : memref<16x128xf32, #tpu.memory_space<vmem>>, vector<1x16xf32>,
    %swap3A_712 = vector.shape_cast %swap3A_711 : vector<1x16xf32> to vector<16xf32>
    %swap3A_713 = vector.shape_cast %broadcast_in_dim3A_12 : vector<16xf32> to vector<1x16xf32>
    tpu.vector_store %arg10[%swap3A_709, %swap3A_710], %swap3A_713 {strides = array<i32>} : memref<16x128xf32, #tpu.memory_space<vmem>>, vector<1x16xf32>,
    %swap3A_714 = arith.constant 14 : i32
    %swap3A_715 = arith.index_cast %swap3A_714 : i32 to index
    %swap3A_716 = arith.constant 80 : index
    %swap3A_717 = tpu.vector_load %arg10[%swap3A_715, %swap3A_716] {strides = array<i32>} : memref<16x128xf32, #tpu.memory_space<vmem>>, vector<1x16xf32>,
    %swap3A_718 = vector.shape_cast %swap3A_717 : vector<1x16xf32> to vector<16xf32>
    %swap3A_719 = vector.shape_cast %broadcast_in_dim3A_12 : vector<16xf32> to vector<1x16xf32>
    tpu.vector_store %arg10[%swap3A_715, %swap3A_716], %swap3A_719 {strides = array<i32>} : memref<16x128xf32, #tpu.memory_space<vmem>>, vector<1x16xf32>,
    %swap3A_720 = arith.constant 14 : i32
    %swap3A_721 = arith.index_cast %swap3A_720 : i32 to index
    %swap3A_722 = arith.constant 96 : index
    %swap3A_723 = tpu.vector_load %arg10[%swap3A_721, %swap3A_722] {strides = array<i32>} : memref<16x128xf32, #tpu.memory_space<vmem>>, vector<1x16xf32>,
    %swap3A_724 = vector.shape_cast %swap3A_723 : vector<1x16xf32> to vector<16xf32>
    %swap3A_725 = vector.shape_cast %broadcast_in_dim3A_12 : vector<16xf32> to vector<1x16xf32>
    tpu.vector_store %arg10[%swap3A_721, %swap3A_722], %swap3A_725 {strides = array<i32>} : memref<16x128xf32, #tpu.memory_space<vmem>>, vector<1x16xf32>,
    %swap3A_726 = arith.constant 14 : i32
    %swap3A_727 = arith.index_cast %swap3A_726 : i32 to index
    %swap3A_728 = arith.constant 112 : index
    %swap3A_729 = tpu.vector_load %arg10[%swap3A_727, %swap3A_728] {strides = array<i32>} : memref<16x128xf32, #tpu.memory_space<vmem>>, vector<1x16xf32>,
    %swap3A_730 = vector.shape_cast %swap3A_729 : vector<1x16xf32> to vector<16xf32>
    %swap3A_731 = vector.shape_cast %broadcast_in_dim3A_12 : vector<16xf32> to vector<1x16xf32>
    tpu.vector_store %arg10[%swap3A_727, %swap3A_728], %swap3A_731 {strides = array<i32>} : memref<16x128xf32, #tpu.memory_space<vmem>>, vector<1x16xf32>,
    %swap3A_732 = arith.constant 15 : i32
    %swap3A_733 = arith.index_cast %swap3A_732 : i32 to index
    %swap3A_734 = arith.constant 0 : index
    %swap3A_735 = tpu.vector_load %arg10[%swap3A_733, %swap3A_734] {strides = array<i32>} : memref<16x128xf32, #tpu.memory_space<vmem>>, vector<1x16xf32>,
    %swap3A_736 = vector.shape_cast %swap3A_735 : vector<1x16xf32> to vector<16xf32>
    %swap3A_737 = vector.shape_cast %broadcast_in_dim3A_12 : vector<16xf32> to vector<1x16xf32>
    tpu.vector_store %arg10[%swap3A_733, %swap3A_734], %swap3A_737 {strides = array<i32>} : memref<16x128xf32, #tpu.memory_space<vmem>>, vector<1x16xf32>,
    %swap3A_738 = arith.constant 15 : i32
    %swap3A_739 = arith.index_cast %swap3A_738 : i32 to index
    %swap3A_740 = arith.constant 16 : index
    %swap3A_741 = tpu.vector_load %arg10[%swap3A_739, %swap3A_740] {strides = array<i32>} : memref<16x128xf32, #tpu.memory_space<vmem>>, vector<1x16xf32>,
    %swap3A_742 = vector.shape_cast %swap3A_741 : vector<1x16xf32> to vector<16xf32>
    %swap3A_743 = vector.shape_cast %broadcast_in_dim3A_12 : vector<16xf32> to vector<1x16xf32>
    tpu.vector_store %arg10[%swap3A_739, %swap3A_740], %swap3A_743 {strides = array<i32>} : memref<16x128xf32, #tpu.memory_space<vmem>>, vector<1x16xf32>,
    %swap3A_744 = arith.constant 15 : i32
    %swap3A_745 = arith.index_cast %swap3A_744 : i32 to index
    %swap3A_746 = arith.constant 32 : index
    %swap3A_747 = tpu.vector_load %arg10[%swap3A_745, %swap3A_746] {strides = array<i32>} : memref<16x128xf32, #tpu.memory_space<vmem>>, vector<1x16xf32>,
    %swap3A_748 = vector.shape_cast %swap3A_747 : vector<1x16xf32> to vector<16xf32>
    %swap3A_749 = vector.shape_cast %broadcast_in_dim3A_12 : vector<16xf32> to vector<1x16xf32>
    tpu.vector_store %arg10[%swap3A_745, %swap3A_746], %swap3A_749 {strides = array<i32>} : memref<16x128xf32, #tpu.memory_space<vmem>>, vector<1x16xf32>,
    %swap3A_750 = arith.constant 15 : i32
    %swap3A_751 = arith.index_cast %swap3A_750 : i32 to index
    %swap3A_752 = arith.constant 48 : index
    %swap3A_753 = tpu.vector_load %arg10[%swap3A_751, %swap3A_752] {strides = array<i32>} : memref<16x128xf32, #tpu.memory_space<vmem>>, vector<1x16xf32>,
    %swap3A_754 = vector.shape_cast %swap3A_753 : vector<1x16xf32> to vector<16xf32>
    %swap3A_755 = vector.shape_cast %broadcast_in_dim3A_12 : vector<16xf32> to vector<1x16xf32>
    tpu.vector_store %arg10[%swap3A_751, %swap3A_752], %swap3A_755 {strides = array<i32>} : memref<16x128xf32, #tpu.memory_space<vmem>>, vector<1x16xf32>,
    %swap3A_756 = arith.constant 15 : i32
    %swap3A_757 = arith.index_cast %swap3A_756 : i32 to index
    %swap3A_758 = arith.constant 64 : index
    %swap3A_759 = tpu.vector_load %arg10[%swap3A_757, %swap3A_758] {strides = array<i32>} : memref<16x128xf32, #tpu.memory_space<vmem>>, vector<1x16xf32>,
    %swap3A_760 = vector.shape_cast %swap3A_759 : vector<1x16xf32> to vector<16xf32>
    %swap3A_761 = vector.shape_cast %broadcast_in_dim3A_12 : vector<16xf32> to vector<1x16xf32>
    tpu.vector_store %arg10[%swap3A_757, %swap3A_758], %swap3A_761 {strides = array<i32>} : memref<16x128xf32, #tpu.memory_space<vmem>>, vector<1x16xf32>,
    %swap3A_762 = arith.constant 15 : i32
    %swap3A_763 = arith.index_cast %swap3A_762 : i32 to index
    %swap3A_764 = arith.constant 80 : index
    %swap3A_765 = tpu.vector_load %arg10[%swap3A_763, %swap3A_764] {strides = array<i32>} : memref<16x128xf32, #tpu.memory_space<vmem>>, vector<1x16xf32>,
    %swap3A_766 = vector.shape_cast %swap3A_765 : vector<1x16xf32> to vector<16xf32>
    %swap3A_767 = vector.shape_cast %broadcast_in_dim3A_12 : vector<16xf32> to vector<1x16xf32>
    tpu.vector_store %arg10[%swap3A_763, %swap3A_764], %swap3A_767 {strides = array<i32>} : memref<16x128xf32, #tpu.memory_space<vmem>>, vector<1x16xf32>,
    %swap3A_768 = arith.constant 15 : i32
    %swap3A_769 = arith.index_cast %swap3A_768 : i32 to index
    %swap3A_770 = arith.constant 96 : index
    %swap3A_771 = tpu.vector_load %arg10[%swap3A_769, %swap3A_770] {strides = array<i32>} : memref<16x128xf32, #tpu.memory_space<vmem>>, vector<1x16xf32>,
    %swap3A_772 = vector.shape_cast %swap3A_771 : vector<1x16xf32> to vector<16xf32>
    %swap3A_773 = vector.shape_cast %broadcast_in_dim3A_12 : vector<16xf32> to vector<1x16xf32>
    tpu.vector_store %arg10[%swap3A_769, %swap3A_770], %swap3A_773 {strides = array<i32>} : memref<16x128xf32, #tpu.memory_space<vmem>>, vector<1x16xf32>,
    %swap3A_774 = arith.constant 15 : i32
    %swap3A_775 = arith.index_cast %swap3A_774 : i32 to index
    %swap3A_776 = arith.constant 112 : index
    %swap3A_777 = tpu.vector_load %arg10[%swap3A_775, %swap3A_776] {strides = array<i32>} : memref<16x128xf32, #tpu.memory_space<vmem>>, vector<1x16xf32>,
    %swap3A_778 = vector.shape_cast %swap3A_777 : vector<1x16xf32> to vector<16xf32>
    %swap3A_779 = vector.shape_cast %broadcast_in_dim3A_12 : vector<16xf32> to vector<1x16xf32>
    tpu.vector_store %arg10[%swap3A_775, %swap3A_776], %swap3A_779 {strides = array<i32>} : memref<16x128xf32, #tpu.memory_space<vmem>>, vector<1x16xf32>,
    %scan3A = arith.constant 0 : i32
    %scan3A_780 = arith.constant 0 : i32
    %scan3A_781 = arith.constant 40 : i32
    %scan3A_782 = arith.addi %scan3A_780, %scan3A_781 : i32
    %scan3A_783 = arith.constant 1 : i32
    scf.for %scan3A_892 = %scan3A_780 to %scan3A_782 step %scan3A_783  : i32 {
      %mul3A_893 = arith.constant 640 : i32
      %mul3A_894 = arith.muli %arg1, %mul3A_893 : i32
      %mul3A_895 = arith.constant 16 : i32
      %mul3A_896 = arith.muli %scan3A_892, %mul3A_895 : i32
      %add3A_897 = arith.addi %mul3A_894, %mul3A_896 : i32
      %dma_start3A_898 = arith.constant 0 : i32
      %dma_start3A_899 = tpu.memref_slice %arg11[%add3A_897, %dma_start3A_898] : memref<10240x128xf32, #tpu.memory_space<vmem_shared>> -> memref<16x128xf32, #tpu.memory_space<vmem_shared>>
      %dma_start3A_900 = arith.constant 0 : i32
      %dma_start3A_901 = tpu.memref_slice %arg11[%add3A_897, %dma_start3A_900] : memref<10240x128xf32, #tpu.memory_space<vmem_shared>> -> memref<16x128xf32, #tpu.memory_space<vmem_shared>>
      tpu.enqueue_dma source(%arg10 : memref<16x128xf32, #tpu.memory_space<vmem>>) target(%dma_start3A_901 : memref<16x128xf32, #tpu.memory_space<vmem_shared>>) target_semaphore(%arg13 : memref<!tpu.dma_semaphore, #tpu.memory_space<semaphore_mem>>)
    }
    %scan3A_784 = arith.constant 40 : i32
    %scan3A_785 = arith.constant 0 : i32
    %scan3A_786 = arith.constant 0 : i32
    %scan3A_787 = arith.constant 40 : i32
    %scan3A_788 = arith.addi %scan3A_786, %scan3A_787 : i32
    %scan3A_789 = arith.constant 1 : i32
    scf.for %scan3A_892 = %scan3A_786 to %scan3A_788 step %scan3A_789  : i32 {
      %mul3A_893 = arith.constant 640 : i32
      %mul3A_894 = arith.muli %arg1, %mul3A_893 : i32
      %mul3A_895 = arith.constant 16 : i32
      %mul3A_896 = arith.muli %scan3A_892, %mul3A_895 : i32
      %add3A_897 = arith.addi %mul3A_894, %mul3A_896 : i32
      %dma_wait3A_898 = arith.constant 0 : i32
      %dma_wait3A_899 = tpu.memref_slice %arg11[%add3A_897, %dma_wait3A_898] : memref<10240x128xf32, #tpu.memory_space<vmem_shared>> -> memref<16x128xf32, #tpu.memory_space<vmem_shared>>
      %dma_wait3A_900 = arith.constant 0 : i32
      %dma_wait3A_901 = tpu.memref_slice %arg11[%add3A_897, %dma_wait3A_900] : memref<10240x128xf32, #tpu.memory_space<vmem_shared>> -> memref<16x128xf32, #tpu.memory_space<vmem_shared>>
      tpu.wait_dma2 semaphore(%arg13 : memref<!tpu.dma_semaphore, #tpu.memory_space<semaphore_mem>>) src(%arg10 : memref<16x128xf32, #tpu.memory_space<vmem>>) dst(%dma_wait3A_901 : memref<16x128xf32, #tpu.memory_space<vmem_shared>>)
    }
    %scan3A_790 = arith.constant 40 : i32
    %lt3A_791 = arith.constant 31 : i32
    %lt3A_792 = arith.cmpi slt, %add3A, %lt3A_791 : i32
    %convert_element_type3A_793 = arith.extui %lt3A_792 : i1 to i32
    %cond3A_794 = arith.constant 0 : i32
    %cond3A_795 = arith.cmpi ne, %convert_element_type3A_793, %cond3A_794 : i32
    scf.if %cond3A_795 {
      %dma_wait3A_892 = arith.constant 0 : i32
      %dma_wait3A_893 = tpu.memref_slice %arg2[%dma_wait3A_892, %mul3A_4] : memref<2x320000xi32, #tpu.memory_space<hbm>> -> memref<1x10240xi32, #tpu.memory_space<hbm>>
      %dma_wait3A_894 = tpu.memref_squeeze %dma_wait3A_893 : memref<1x10240xi32, #tpu.memory_space<hbm>> -> memref<10240xi32, #tpu.memory_space<hbm>>
      %dma_wait3A_895 = tpu.memref_slice %arg2[%dma_wait3A_892, %mul3A_4] : memref<2x320000xi32, #tpu.memory_space<hbm>> -> memref<1x10240xi32, #tpu.memory_space<hbm>>
      %dma_wait3A_896 = tpu.memref_squeeze %dma_wait3A_895 : memref<1x10240xi32, #tpu.memory_space<hbm>> -> memref<10240xi32, #tpu.memory_space<hbm>>
      tpu.wait_dma2 semaphore(%arg12 : memref<!tpu.dma_semaphore, #tpu.memory_space<semaphore_mem>>) src(%dma_wait3A_896 : memref<10240xi32, #tpu.memory_space<hbm>>) dst(%arg5 : memref<10240xi32, #tpu.memory_space<vmem>>)
    } else {
    }
    %eq3A_796 = arith.constant 31 : i32
    %eq3A_797 = arith.cmpi eq, %add3A, %eq3A_796 : i32
    %convert_element_type3A_798 = arith.extui %eq3A_797 : i1 to i32
    %cond3A_799 = arith.constant 0 : i32
    %cond3A_800 = arith.cmpi ne, %convert_element_type3A_798, %cond3A_799 : i32
    scf.if %cond3A_800 {
      %dma_wait3A_892 = arith.constant 0 : i32
      %dma_wait3A_893 = arith.constant 0 : i32
      %dma_wait3A_894 = tpu.memref_slice %arg5[%dma_wait3A_893] : memref<10240xi32, #tpu.memory_space<vmem>> -> memref<2560xi32, #tpu.memory_space<vmem>>
      %dma_wait3A_895 = arith.constant 317440 : i32
      %dma_wait3A_896 = tpu.memref_slice %arg2[%dma_wait3A_892, %dma_wait3A_895] : memref<2x320000xi32, #tpu.memory_space<hbm>> -> memref<1x2560xi32, #tpu.memory_space<hbm>>
      %dma_wait3A_897 = tpu.memref_squeeze %dma_wait3A_896 : memref<1x2560xi32, #tpu.memory_space<hbm>> -> memref<2560xi32, #tpu.memory_space<hbm>>
      %dma_wait3A_898 = arith.constant 0 : i32
      %dma_wait3A_899 = tpu.memref_slice %arg5[%dma_wait3A_898] : memref<10240xi32, #tpu.memory_space<vmem>> -> memref<2560xi32, #tpu.memory_space<vmem>>
      %dma_wait3A_900 = arith.constant 317440 : i32
      %dma_wait3A_901 = tpu.memref_slice %arg2[%dma_wait3A_892, %dma_wait3A_900] : memref<2x320000xi32, #tpu.memory_space<hbm>> -> memref<1x2560xi32, #tpu.memory_space<hbm>>
      %dma_wait3A_902 = tpu.memref_squeeze %dma_wait3A_901 : memref<1x2560xi32, #tpu.memory_space<hbm>> -> memref<2560xi32, #tpu.memory_space<hbm>>
      tpu.wait_dma2 semaphore(%arg12 : memref<!tpu.dma_semaphore, #tpu.memory_space<semaphore_mem>>) src(%dma_wait3A_902 : memref<2560xi32, #tpu.memory_space<hbm>>) dst(%dma_wait3A_899 : memref<2560xi32, #tpu.memory_space<vmem>>)
    } else {
    }
    %add3A_801 = arith.constant 0 : i32
    %add3A_802 = arith.addi %mul3A_4, %add3A_801 : i32
    %dma_start3A = arith.constant 1 : i32
    %dma_start3A_803 = tpu.memref_slice %arg2[%dma_start3A, %add3A_802] : memref<2x320000xi32, #tpu.memory_space<hbm>> -> memref<1x128xi32, #tpu.memory_space<hbm>>
    %dma_start3A_804 = tpu.memref_squeeze %dma_start3A_803 : memref<1x128xi32, #tpu.memory_space<hbm>> -> memref<128xi32, #tpu.memory_space<hbm>>
    %dma_start3A_805 = tpu.memref_slice %arg2[%dma_start3A, %add3A_802] : memref<2x320000xi32, #tpu.memory_space<hbm>> -> memref<1x128xi32, #tpu.memory_space<hbm>>
    %dma_start3A_806 = tpu.memref_squeeze %dma_start3A_805 : memref<1x128xi32, #tpu.memory_space<hbm>> -> memref<128xi32, #tpu.memory_space<hbm>>
    tpu.enqueue_dma source(%dma_start3A_806 : memref<128xi32, #tpu.memory_space<hbm>>) target(%arg6 : memref<128xi32, #tpu.memory_space<vmem>>) target_semaphore(%arg14 : memref<!tpu.dma_semaphore, #tpu.memory_space<semaphore_mem>>)
    %dma_start3A_807 = arith.constant 0 : i32
    %dma_start3A_808 = tpu.memref_slice %arg5[%dma_start3A_807] : memref<10240xi32, #tpu.memory_space<vmem>> -> memref<128xi32, #tpu.memory_space<vmem>>
    %dma_start3A_809 = arith.constant 0 : i32
    %dma_start3A_810 = arith.constant 0 : i32
    %dma_start3A_811 = tpu.memref_slice %arg3[%dma_start3A_809, %dma_start3A_810] : memref<10000x128xf32, #tpu.memory_space<hbm>> -> memref<10000x128xf32, #tpu.memory_space<hbm>>
    tpu.enqueue_indirect_dma source(%dma_start3A_811 : memref<10000x128xf32, #tpu.memory_space<hbm>>) target(%arg8 : memref<128x128xf32, #tpu.memory_space<vmem>>) offsets(%dma_start3A_808 : memref<128xi32, #tpu.memory_space<vmem>>) semaphore(%arg14 : memref<!tpu.dma_semaphore, #tpu.memory_space<semaphore_mem>>)
    %add3A_812 = arith.constant 128 : i32
    %add3A_813 = arith.addi %mul3A_4, %add3A_812 : i32
    %dma_start3A_814 = arith.constant 1 : i32
    %dma_start3A_815 = tpu.memref_slice %arg2[%dma_start3A_814, %add3A_813] : memref<2x320000xi32, #tpu.memory_space<hbm>> -> memref<1x128xi32, #tpu.memory_space<hbm>>
    %dma_start3A_816 = tpu.memref_squeeze %dma_start3A_815 : memref<1x128xi32, #tpu.memory_space<hbm>> -> memref<128xi32, #tpu.memory_space<hbm>>
    %dma_start3A_817 = tpu.memref_slice %arg2[%dma_start3A_814, %add3A_813] : memref<2x320000xi32, #tpu.memory_space<hbm>> -> memref<1x128xi32, #tpu.memory_space<hbm>>
    %dma_start3A_818 = tpu.memref_squeeze %dma_start3A_817 : memref<1x128xi32, #tpu.memory_space<hbm>> -> memref<128xi32, #tpu.memory_space<hbm>>
    tpu.enqueue_dma source(%dma_start3A_818 : memref<128xi32, #tpu.memory_space<hbm>>) target(%arg7 : memref<128xi32, #tpu.memory_space<vmem>>) target_semaphore(%arg15 : memref<!tpu.dma_semaphore, #tpu.memory_space<semaphore_mem>>)
    %dma_start3A_819 = arith.constant 128 : i32
    %dma_start3A_820 = tpu.memref_slice %arg5[%dma_start3A_819] : memref<10240xi32, #tpu.memory_space<vmem>> -> memref<128xi32, #tpu.memory_space<vmem>>
    %dma_start3A_821 = arith.constant 0 : i32
    %dma_start3A_822 = arith.constant 0 : i32
    %dma_start3A_823 = tpu.memref_slice %arg3[%dma_start3A_821, %dma_start3A_822] : memref<10000x128xf32, #tpu.memory_space<hbm>> -> memref<10000x128xf32, #tpu.memory_space<hbm>>
    tpu.enqueue_indirect_dma source(%dma_start3A_823 : memref<10000x128xf32, #tpu.memory_space<hbm>>) target(%arg9 : memref<128x128xf32, #tpu.memory_space<vmem>>) offsets(%dma_start3A_820 : memref<128xi32, #tpu.memory_space<vmem>>) semaphore(%arg15 : memref<!tpu.dma_semaphore, #tpu.memory_space<semaphore_mem>>)
    %barrier3A = arith.constant 0 : index
    tpu.barrier barrier_id(%barrier3A)
    %sub3A = arith.constant 2 : i32
    %sub3A_824 = arith.subi %select_n3A, %sub3A : i32
    %jit3A_825 = arith.constant 2 : i32
    %div3A = arith.divsi %sub3A_824, %jit3A_825 : i32
    %sign3A = arith.constant 0 : i32
    %sign3A_826 = arith.cmpi sgt, %sub3A_824, %sign3A : i32
    %sign3A_827 = arith.extui %sign3A_826 : i1 to i32
    %sign3A_828 = arith.constant 0 : i32
    %sign3A_829 = arith.cmpi slt, %sub3A_824, %sign3A_828 : i32
    %sign3A_830 = arith.extui %sign3A_829 : i1 to i32
    %sign3A_831 = arith.subi %sign3A_827, %sign3A_830 : i32
    %sign3A_832 = arith.constant 0 : i32
    %sign3A_833 = arith.cmpi sgt, %jit3A_825, %sign3A_832 : i32
    %sign3A_834 = arith.extui %sign3A_833 : i1 to i32
    %sign3A_835 = arith.constant 0 : i32
    %sign3A_836 = arith.cmpi slt, %jit3A_825, %sign3A_835 : i32
    %sign3A_837 = arith.extui %sign3A_836 : i1 to i32
    %sign3A_838 = arith.subi %sign3A_834, %sign3A_837 : i32
    %ne3A = arith.cmpi ne, %sign3A_831, %sign3A_838 : i32
    %rem3A = arith.remsi %sub3A_824, %jit3A_825 : i32
    %ne3A_839 = arith.constant 0 : i32
    %ne3A_840 = arith.cmpi ne, %rem3A, %ne3A_839 : i32
    %and3A = arith.andi %ne3A, %ne3A_840 : i1
    %sub3A_841 = arith.constant 1 : i32
    %sub3A_842 = arith.subi %div3A, %sub3A_841 : i32
    %select_n3A_843 = arith.select %and3A, %sub3A_842, %div3A : i32
    %while3A = arith.constant 0 : i32
    %while3A_844 = arith.constant 0 : i32
    %while3A_845 = arith.subi %select_n3A_843, %while3A_844 : i32
    %while3A_846 = arith.addi %while3A_844, %while3A_845 : i32
    %while3A_847 = arith.constant 1 : i32
    %while3A_848 = arith.divsi %while3A_845, %while3A_847 : i32
    %while3A_849 = arith.muli %while3A_848, %while3A_847 : i32
    %while3A_850 = arith.addi %while3A_844, %while3A_849 : i32
    %while3A_851 = arith.constant 1 : i32
    scf.for %while3A_892 = %while3A_844 to %while3A_850 step %while3A_851  : i32 {
      %mul3A_893 = arith.constant 2 : i32
      %mul3A_894 = arith.muli %mul3A_893, %while3A_892 : i32
      %mul3A_895 = arith.constant 128 : i32
      %mul3A_896 = arith.muli %mul3A_894, %mul3A_895 : i32
      %add3A_897 = arith.addi %mul3A_4, %mul3A_896 : i32
      %dma_wait3A_898 = arith.constant 1 : i32
      %dma_wait3A_899 = tpu.memref_slice %arg2[%dma_wait3A_898, %add3A_897] : memref<2x320000xi32, #tpu.memory_space<hbm>> -> memref<1x128xi32, #tpu.memory_space<hbm>>
      %dma_wait3A_900 = tpu.memref_squeeze %dma_wait3A_899 : memref<1x128xi32, #tpu.memory_space<hbm>> -> memref<128xi32, #tpu.memory_space<hbm>>
      %dma_wait3A_901 = tpu.memref_slice %arg2[%dma_wait3A_898, %add3A_897] : memref<2x320000xi32, #tpu.memory_space<hbm>> -> memref<1x128xi32, #tpu.memory_space<hbm>>
      %dma_wait3A_902 = tpu.memref_squeeze %dma_wait3A_901 : memref<1x128xi32, #tpu.memory_space<hbm>> -> memref<128xi32, #tpu.memory_space<hbm>>
      tpu.wait_dma2 semaphore(%arg14 : memref<!tpu.dma_semaphore, #tpu.memory_space<semaphore_mem>>) src(%dma_wait3A_902 : memref<128xi32, #tpu.memory_space<hbm>>) dst(%arg6 : memref<128xi32, #tpu.memory_space<vmem>>)
      %mul3A_903 = arith.constant 128 : i32
      %mul3A_904 = arith.muli %mul3A_894, %mul3A_903 : i32
      %dma_wait3A_905 = tpu.memref_slice %arg5[%mul3A_904] : memref<10240xi32, #tpu.memory_space<vmem>> -> memref<128xi32, #tpu.memory_space<vmem>>
      %dma_wait3A_906 = arith.constant 0 : i32
      %dma_wait3A_907 = arith.constant 0 : i32
      %dma_wait3A_908 = tpu.memref_slice %arg3[%dma_wait3A_906, %dma_wait3A_907] : memref<10000x128xf32, #tpu.memory_space<hbm>> -> memref<10000x128xf32, #tpu.memory_space<hbm>>
      tpu.wait_indirect_dma semaphore(%arg14 : memref<!tpu.dma_semaphore, #tpu.memory_space<semaphore_mem>>) src(%dma_wait3A_908 : memref<10000x128xf32, #tpu.memory_space<hbm>>) dst(%arg8 : memref<128x128xf32, #tpu.memory_space<vmem>>)
      "tpu.region"() ({
        %run_scoped3A = tpu.sem_alloc : memref<!tpu.dma_semaphore, #tpu.memory_space<semaphore_mem>>
        %dma_start3A_957 = arith.constant 0 : i32
        %dma_start3A_958 = arith.constant 0 : i32
        %dma_start3A_959 = tpu.memref_slice %arg11[%dma_start3A_957, %dma_start3A_958] : memref<10240x128xf32, #tpu.memory_space<vmem_shared>> -> memref<10240x128xf32, #tpu.memory_space<vmem_shared>>
        tpu.enqueue_indirect_dma source(%arg8 : memref<128x128xf32, #tpu.memory_space<vmem>>) target(%dma_start3A_959 : memref<10240x128xf32, #tpu.memory_space<vmem_shared>>) offsets(%arg6 : memref<128xi32, #tpu.memory_space<vmem>>) semaphore(%run_scoped3A : memref<!tpu.dma_semaphore, #tpu.memory_space<semaphore_mem>>) {add = true}
        %dma_wait3A_960 = arith.constant 0 : i32
        %dma_wait3A_961 = arith.constant 0 : i32
        %dma_wait3A_962 = tpu.memref_slice %arg11[%dma_wait3A_960, %dma_wait3A_961] : memref<10240x128xf32, #tpu.memory_space<vmem_shared>> -> memref<10240x128xf32, #tpu.memory_space<vmem_shared>>
        tpu.wait_indirect_dma semaphore(%run_scoped3A : memref<!tpu.dma_semaphore, #tpu.memory_space<semaphore_mem>>) src(%arg8 : memref<128x128xf32, #tpu.memory_space<vmem>>) dst(%dma_wait3A_962 : memref<10240x128xf32, #tpu.memory_space<vmem_shared>>)
        tpu.yield
      }) : () -> ()
      %add3A_909 = arith.constant 2 : i32
      %add3A_910 = arith.addi %mul3A_894, %add3A_909 : i32
      %mul3A_911 = arith.constant 128 : i32
      %mul3A_912 = arith.muli %add3A_910, %mul3A_911 : i32
      %add3A_913 = arith.addi %mul3A_4, %mul3A_912 : i32
      %dma_start3A_914 = arith.constant 1 : i32
      %dma_start3A_915 = tpu.memref_slice %arg2[%dma_start3A_914, %add3A_913] : memref<2x320000xi32, #tpu.memory_space<hbm>> -> memref<1x128xi32, #tpu.memory_space<hbm>>
      %dma_start3A_916 = tpu.memref_squeeze %dma_start3A_915 : memref<1x128xi32, #tpu.memory_space<hbm>> -> memref<128xi32, #tpu.memory_space<hbm>>
      %dma_start3A_917 = tpu.memref_slice %arg2[%dma_start3A_914, %add3A_913] : memref<2x320000xi32, #tpu.memory_space<hbm>> -> memref<1x128xi32, #tpu.memory_space<hbm>>
      %dma_start3A_918 = tpu.memref_squeeze %dma_start3A_917 : memref<1x128xi32, #tpu.memory_space<hbm>> -> memref<128xi32, #tpu.memory_space<hbm>>
      tpu.enqueue_dma source(%dma_start3A_918 : memref<128xi32, #tpu.memory_space<hbm>>) target(%arg6 : memref<128xi32, #tpu.memory_space<vmem>>) target_semaphore(%arg14 : memref<!tpu.dma_semaphore, #tpu.memory_space<semaphore_mem>>)
      %mul3A_919 = arith.constant 128 : i32
      %mul3A_920 = arith.muli %add3A_910, %mul3A_919 : i32
      %dma_start3A_921 = tpu.memref_slice %arg5[%mul3A_920] : memref<10240xi32, #tpu.memory_space<vmem>> -> memref<128xi32, #tpu.memory_space<vmem>>
      %dma_start3A_922 = arith.constant 0 : i32
      %dma_start3A_923 = arith.constant 0 : i32
      %dma_start3A_924 = tpu.memref_slice %arg3[%dma_start3A_922, %dma_start3A_923] : memref<10000x128xf32, #tpu.memory_space<hbm>> -> memref<10000x128xf32, #tpu.memory_space<hbm>>
      tpu.enqueue_indirect_dma source(%dma_start3A_924 : memref<10000x128xf32, #tpu.memory_space<hbm>>) target(%arg8 : memref<128x128xf32, #tpu.memory_space<vmem>>) offsets(%dma_start3A_921 : memref<128xi32, #tpu.memory_space<vmem>>) semaphore(%arg14 : memref<!tpu.dma_semaphore, #tpu.memory_space<semaphore_mem>>)
      %add3A_925 = arith.constant 1 : i32
      %add3A_926 = arith.addi %mul3A_894, %add3A_925 : i32
      %mul3A_927 = arith.constant 128 : i32
      %mul3A_928 = arith.muli %add3A_926, %mul3A_927 : i32
      %add3A_929 = arith.addi %mul3A_4, %mul3A_928 : i32
      %dma_wait3A_930 = arith.constant 1 : i32
      %dma_wait3A_931 = tpu.memref_slice %arg2[%dma_wait3A_930, %add3A_929] : memref<2x320000xi32, #tpu.memory_space<hbm>> -> memref<1x128xi32, #tpu.memory_space<hbm>>
      %dma_wait3A_932 = tpu.memref_squeeze %dma_wait3A_931 : memref<1x128xi32, #tpu.memory_space<hbm>> -> memref<128xi32, #tpu.memory_space<hbm>>
      %dma_wait3A_933 = tpu.memref_slice %arg2[%dma_wait3A_930, %add3A_929] : memref<2x320000xi32, #tpu.memory_space<hbm>> -> memref<1x128xi32, #tpu.memory_space<hbm>>
      %dma_wait3A_934 = tpu.memref_squeeze %dma_wait3A_933 : memref<1x128xi32, #tpu.memory_space<hbm>> -> memref<128xi32, #tpu.memory_space<hbm>>
      tpu.wait_dma2 semaphore(%arg15 : memref<!tpu.dma_semaphore, #tpu.memory_space<semaphore_mem>>) src(%dma_wait3A_934 : memref<128xi32, #tpu.memory_space<hbm>>) dst(%arg7 : memref<128xi32, #tpu.memory_space<vmem>>)
      %mul3A_935 = arith.constant 128 : i32
      %mul3A_936 = arith.muli %add3A_926, %mul3A_935 : i32
      %dma_wait3A_937 = tpu.memref_slice %arg5[%mul3A_936] : memref<10240xi32, #tpu.memory_space<vmem>> -> memref<128xi32, #tpu.memory_space<vmem>>
      %dma_wait3A_938 = arith.constant 0 : i32
      %dma_wait3A_939 = arith.constant 0 : i32
      %dma_wait3A_940 = tpu.memref_slice %arg3[%dma_wait3A_938, %dma_wait3A_939] : memref<10000x128xf32, #tpu.memory_space<hbm>> -> memref<10000x128xf32, #tpu.memory_space<hbm>>
      tpu.wait_indirect_dma semaphore(%arg15 : memref<!tpu.dma_semaphore, #tpu.memory_space<semaphore_mem>>) src(%dma_wait3A_940 : memref<10000x128xf32, #tpu.memory_space<hbm>>) dst(%arg9 : memref<128x128xf32, #tpu.memory_space<vmem>>)
      "tpu.region"() ({
        %run_scoped3A = tpu.sem_alloc : memref<!tpu.dma_semaphore, #tpu.memory_space<semaphore_mem>>
        %dma_start3A_957 = arith.constant 0 : i32
        %dma_start3A_958 = arith.constant 0 : i32
        %dma_start3A_959 = tpu.memref_slice %arg11[%dma_start3A_957, %dma_start3A_958] : memref<10240x128xf32, #tpu.memory_space<vmem_shared>> -> memref<10240x128xf32, #tpu.memory_space<vmem_shared>>
        tpu.enqueue_indirect_dma source(%arg9 : memref<128x128xf32, #tpu.memory_space<vmem>>) target(%dma_start3A_959 : memref<10240x128xf32, #tpu.memory_space<vmem_shared>>) offsets(%arg7 : memref<128xi32, #tpu.memory_space<vmem>>) semaphore(%run_scoped3A : memref<!tpu.dma_semaphore, #tpu.memory_space<semaphore_mem>>) {add = true}
        %dma_wait3A_960 = arith.constant 0 : i32
        %dma_wait3A_961 = arith.constant 0 : i32
        %dma_wait3A_962 = tpu.memref_slice %arg11[%dma_wait3A_960, %dma_wait3A_961] : memref<10240x128xf32, #tpu.memory_space<vmem_shared>> -> memref<10240x128xf32, #tpu.memory_space<vmem_shared>>
        tpu.wait_indirect_dma semaphore(%run_scoped3A : memref<!tpu.dma_semaphore, #tpu.memory_space<semaphore_mem>>) src(%arg9 : memref<128x128xf32, #tpu.memory_space<vmem>>) dst(%dma_wait3A_962 : memref<10240x128xf32, #tpu.memory_space<vmem_shared>>)
        tpu.yield
      }) : () -> ()
      %add3A_941 = arith.constant 3 : i32
      %add3A_942 = arith.addi %mul3A_894, %add3A_941 : i32
      %mul3A_943 = arith.constant 128 : i32
      %mul3A_944 = arith.muli %add3A_942, %mul3A_943 : i32
      %add3A_945 = arith.addi %mul3A_4, %mul3A_944 : i32
      %dma_start3A_946 = arith.constant 1 : i32
      %dma_start3A_947 = tpu.memref_slice %arg2[%dma_start3A_946, %add3A_945] : memref<2x320000xi32, #tpu.memory_space<hbm>> -> memref<1x128xi32, #tpu.memory_space<hbm>>
      %dma_start3A_948 = tpu.memref_squeeze %dma_start3A_947 : memref<1x128xi32, #tpu.memory_space<hbm>> -> memref<128xi32, #tpu.memory_space<hbm>>
      %dma_start3A_949 = tpu.memref_slice %arg2[%dma_start3A_946, %add3A_945] : memref<2x320000xi32, #tpu.memory_space<hbm>> -> memref<1x128xi32, #tpu.memory_space<hbm>>
      %dma_start3A_950 = tpu.memref_squeeze %dma_start3A_949 : memref<1x128xi32, #tpu.memory_space<hbm>> -> memref<128xi32, #tpu.memory_space<hbm>>
      tpu.enqueue_dma source(%dma_start3A_950 : memref<128xi32, #tpu.memory_space<hbm>>) target(%arg7 : memref<128xi32, #tpu.memory_space<vmem>>) target_semaphore(%arg15 : memref<!tpu.dma_semaphore, #tpu.memory_space<semaphore_mem>>)
      %mul3A_951 = arith.constant 128 : i32
      %mul3A_952 = arith.muli %add3A_942, %mul3A_951 : i32
      %dma_start3A_953 = tpu.memref_slice %arg5[%mul3A_952] : memref<10240xi32, #tpu.memory_space<vmem>> -> memref<128xi32, #tpu.memory_space<vmem>>
      %dma_start3A_954 = arith.constant 0 : i32
      %dma_start3A_955 = arith.constant 0 : i32
      %dma_start3A_956 = tpu.memref_slice %arg3[%dma_start3A_954, %dma_start3A_955] : memref<10000x128xf32, #tpu.memory_space<hbm>> -> memref<10000x128xf32, #tpu.memory_space<hbm>>
      tpu.enqueue_indirect_dma source(%dma_start3A_956 : memref<10000x128xf32, #tpu.memory_space<hbm>>) target(%arg9 : memref<128x128xf32, #tpu.memory_space<vmem>>) offsets(%dma_start3A_953 : memref<128xi32, #tpu.memory_space<vmem>>) semaphore(%arg15 : memref<!tpu.dma_semaphore, #tpu.memory_space<semaphore_mem>>)
    }
    %while3A_852 = arith.constant 1 : i32
    scf.for %while3A_892 = %while3A_850 to %while3A_846 step %while3A_852  : i32 {
      %mul3A_893 = arith.constant 2 : i32
      %mul3A_894 = arith.muli %mul3A_893, %while3A_892 : i32
      %mul3A_895 = arith.constant 128 : i32
      %mul3A_896 = arith.muli %mul3A_894, %mul3A_895 : i32
      %add3A_897 = arith.addi %mul3A_4, %mul3A_896 : i32
      %dma_wait3A_898 = arith.constant 1 : i32
      %dma_wait3A_899 = tpu.memref_slice %arg2[%dma_wait3A_898, %add3A_897] : memref<2x320000xi32, #tpu.memory_space<hbm>> -> memref<1x128xi32, #tpu.memory_space<hbm>>
      %dma_wait3A_900 = tpu.memref_squeeze %dma_wait3A_899 : memref<1x128xi32, #tpu.memory_space<hbm>> -> memref<128xi32, #tpu.memory_space<hbm>>
      %dma_wait3A_901 = tpu.memref_slice %arg2[%dma_wait3A_898, %add3A_897] : memref<2x320000xi32, #tpu.memory_space<hbm>> -> memref<1x128xi32, #tpu.memory_space<hbm>>
      %dma_wait3A_902 = tpu.memref_squeeze %dma_wait3A_901 : memref<1x128xi32, #tpu.memory_space<hbm>> -> memref<128xi32, #tpu.memory_space<hbm>>
      tpu.wait_dma2 semaphore(%arg14 : memref<!tpu.dma_semaphore, #tpu.memory_space<semaphore_mem>>) src(%dma_wait3A_902 : memref<128xi32, #tpu.memory_space<hbm>>) dst(%arg6 : memref<128xi32, #tpu.memory_space<vmem>>)
      %mul3A_903 = arith.constant 128 : i32
      %mul3A_904 = arith.muli %mul3A_894, %mul3A_903 : i32
      %dma_wait3A_905 = tpu.memref_slice %arg5[%mul3A_904] : memref<10240xi32, #tpu.memory_space<vmem>> -> memref<128xi32, #tpu.memory_space<vmem>>
      %dma_wait3A_906 = arith.constant 0 : i32
      %dma_wait3A_907 = arith.constant 0 : i32
      %dma_wait3A_908 = tpu.memref_slice %arg3[%dma_wait3A_906, %dma_wait3A_907] : memref<10000x128xf32, #tpu.memory_space<hbm>> -> memref<10000x128xf32, #tpu.memory_space<hbm>>
      tpu.wait_indirect_dma semaphore(%arg14 : memref<!tpu.dma_semaphore, #tpu.memory_space<semaphore_mem>>) src(%dma_wait3A_908 : memref<10000x128xf32, #tpu.memory_space<hbm>>) dst(%arg8 : memref<128x128xf32, #tpu.memory_space<vmem>>)
      "tpu.region"() ({
        %run_scoped3A = tpu.sem_alloc : memref<!tpu.dma_semaphore, #tpu.memory_space<semaphore_mem>>
        %dma_start3A_957 = arith.constant 0 : i32
        %dma_start3A_958 = arith.constant 0 : i32
        %dma_start3A_959 = tpu.memref_slice %arg11[%dma_start3A_957, %dma_start3A_958] : memref<10240x128xf32, #tpu.memory_space<vmem_shared>> -> memref<10240x128xf32, #tpu.memory_space<vmem_shared>>
        tpu.enqueue_indirect_dma source(%arg8 : memref<128x128xf32, #tpu.memory_space<vmem>>) target(%dma_start3A_959 : memref<10240x128xf32, #tpu.memory_space<vmem_shared>>) offsets(%arg6 : memref<128xi32, #tpu.memory_space<vmem>>) semaphore(%run_scoped3A : memref<!tpu.dma_semaphore, #tpu.memory_space<semaphore_mem>>) {add = true}
        %dma_wait3A_960 = arith.constant 0 : i32
        %dma_wait3A_961 = arith.constant 0 : i32
        %dma_wait3A_962 = tpu.memref_slice %arg11[%dma_wait3A_960, %dma_wait3A_961] : memref<10240x128xf32, #tpu.memory_space<vmem_shared>> -> memref<10240x128xf32, #tpu.memory_space<vmem_shared>>
        tpu.wait_indirect_dma semaphore(%run_scoped3A : memref<!tpu.dma_semaphore, #tpu.memory_space<semaphore_mem>>) src(%arg8 : memref<128x128xf32, #tpu.memory_space<vmem>>) dst(%dma_wait3A_962 : memref<10240x128xf32, #tpu.memory_space<vmem_shared>>)
        tpu.yield
      }) : () -> ()
      %add3A_909 = arith.constant 2 : i32
      %add3A_910 = arith.addi %mul3A_894, %add3A_909 : i32
      %mul3A_911 = arith.constant 128 : i32
      %mul3A_912 = arith.muli %add3A_910, %mul3A_911 : i32
      %add3A_913 = arith.addi %mul3A_4, %mul3A_912 : i32
      %dma_start3A_914 = arith.constant 1 : i32
      %dma_start3A_915 = tpu.memref_slice %arg2[%dma_start3A_914, %add3A_913] : memref<2x320000xi32, #tpu.memory_space<hbm>> -> memref<1x128xi32, #tpu.memory_space<hbm>>
      %dma_start3A_916 = tpu.memref_squeeze %dma_start3A_915 : memref<1x128xi32, #tpu.memory_space<hbm>> -> memref<128xi32, #tpu.memory_space<hbm>>
      %dma_start3A_917 = tpu.memref_slice %arg2[%dma_start3A_914, %add3A_913] : memref<2x320000xi32, #tpu.memory_space<hbm>> -> memref<1x128xi32, #tpu.memory_space<hbm>>
      %dma_start3A_918 = tpu.memref_squeeze %dma_start3A_917 : memref<1x128xi32, #tpu.memory_space<hbm>> -> memref<128xi32, #tpu.memory_space<hbm>>
      tpu.enqueue_dma source(%dma_start3A_918 : memref<128xi32, #tpu.memory_space<hbm>>) target(%arg6 : memref<128xi32, #tpu.memory_space<vmem>>) target_semaphore(%arg14 : memref<!tpu.dma_semaphore, #tpu.memory_space<semaphore_mem>>)
      %mul3A_919 = arith.constant 128 : i32
      %mul3A_920 = arith.muli %add3A_910, %mul3A_919 : i32
      %dma_start3A_921 = tpu.memref_slice %arg5[%mul3A_920] : memref<10240xi32, #tpu.memory_space<vmem>> -> memref<128xi32, #tpu.memory_space<vmem>>
      %dma_start3A_922 = arith.constant 0 : i32
      %dma_start3A_923 = arith.constant 0 : i32
      %dma_start3A_924 = tpu.memref_slice %arg3[%dma_start3A_922, %dma_start3A_923] : memref<10000x128xf32, #tpu.memory_space<hbm>> -> memref<10000x128xf32, #tpu.memory_space<hbm>>
      tpu.enqueue_indirect_dma source(%dma_start3A_924 : memref<10000x128xf32, #tpu.memory_space<hbm>>) target(%arg8 : memref<128x128xf32, #tpu.memory_space<vmem>>) offsets(%dma_start3A_921 : memref<128xi32, #tpu.memory_space<vmem>>) semaphore(%arg14 : memref<!tpu.dma_semaphore, #tpu.memory_space<semaphore_mem>>)
      %add3A_925 = arith.constant 1 : i32
      %add3A_926 = arith.addi %mul3A_894, %add3A_925 : i32
      %mul3A_927 = arith.constant 128 : i32
      %mul3A_928 = arith.muli %add3A_926, %mul3A_927 : i32
      %add3A_929 = arith.addi %mul3A_4, %mul3A_928 : i32
      %dma_wait3A_930 = arith.constant 1 : i32
      %dma_wait3A_931 = tpu.memref_slice %arg2[%dma_wait3A_930, %add3A_929] : memref<2x320000xi32, #tpu.memory_space<hbm>> -> memref<1x128xi32, #tpu.memory_space<hbm>>
      %dma_wait3A_932 = tpu.memref_squeeze %dma_wait3A_931 : memref<1x128xi32, #tpu.memory_space<hbm>> -> memref<128xi32, #tpu.memory_space<hbm>>
      %dma_wait3A_933 = tpu.memref_slice %arg2[%dma_wait3A_930, %add3A_929] : memref<2x320000xi32, #tpu.memory_space<hbm>> -> memref<1x128xi32, #tpu.memory_space<hbm>>
      %dma_wait3A_934 = tpu.memref_squeeze %dma_wait3A_933 : memref<1x128xi32, #tpu.memory_space<hbm>> -> memref<128xi32, #tpu.memory_space<hbm>>
      tpu.wait_dma2 semaphore(%arg15 : memref<!tpu.dma_semaphore, #tpu.memory_space<semaphore_mem>>) src(%dma_wait3A_934 : memref<128xi32, #tpu.memory_space<hbm>>) dst(%arg7 : memref<128xi32, #tpu.memory_space<vmem>>)
      %mul3A_935 = arith.constant 128 : i32
      %mul3A_936 = arith.muli %add3A_926, %mul3A_935 : i32
      %dma_wait3A_937 = tpu.memref_slice %arg5[%mul3A_936] : memref<10240xi32, #tpu.memory_space<vmem>> -> memref<128xi32, #tpu.memory_space<vmem>>
      %dma_wait3A_938 = arith.constant 0 : i32
      %dma_wait3A_939 = arith.constant 0 : i32
      %dma_wait3A_940 = tpu.memref_slice %arg3[%dma_wait3A_938, %dma_wait3A_939] : memref<10000x128xf32, #tpu.memory_space<hbm>> -> memref<10000x128xf32, #tpu.memory_space<hbm>>
      tpu.wait_indirect_dma semaphore(%arg15 : memref<!tpu.dma_semaphore, #tpu.memory_space<semaphore_mem>>) src(%dma_wait3A_940 : memref<10000x128xf32, #tpu.memory_space<hbm>>) dst(%arg9 : memref<128x128xf32, #tpu.memory_space<vmem>>)
      "tpu.region"() ({
        %run_scoped3A = tpu.sem_alloc : memref<!tpu.dma_semaphore, #tpu.memory_space<semaphore_mem>>
        %dma_start3A_957 = arith.constant 0 : i32
        %dma_start3A_958 = arith.constant 0 : i32
        %dma_start3A_959 = tpu.memref_slice %arg11[%dma_start3A_957, %dma_start3A_958] : memref<10240x128xf32, #tpu.memory_space<vmem_shared>> -> memref<10240x128xf32, #tpu.memory_space<vmem_shared>>
        tpu.enqueue_indirect_dma source(%arg9 : memref<128x128xf32, #tpu.memory_space<vmem>>) target(%dma_start3A_959 : memref<10240x128xf32, #tpu.memory_space<vmem_shared>>) offsets(%arg7 : memref<128xi32, #tpu.memory_space<vmem>>) semaphore(%run_scoped3A : memref<!tpu.dma_semaphore, #tpu.memory_space<semaphore_mem>>) {add = true}
        %dma_wait3A_960 = arith.constant 0 : i32
        %dma_wait3A_961 = arith.constant 0 : i32
        %dma_wait3A_962 = tpu.memref_slice %arg11[%dma_wait3A_960, %dma_wait3A_961] : memref<10240x128xf32, #tpu.memory_space<vmem_shared>> -> memref<10240x128xf32, #tpu.memory_space<vmem_shared>>
        tpu.wait_indirect_dma semaphore(%run_scoped3A : memref<!tpu.dma_semaphore, #tpu.memory_space<semaphore_mem>>) src(%arg9 : memref<128x128xf32, #tpu.memory_space<vmem>>) dst(%dma_wait3A_962 : memref<10240x128xf32, #tpu.memory_space<vmem_shared>>)
        tpu.yield
      }) : () -> ()
      %add3A_941 = arith.constant 3 : i32
      %add3A_942 = arith.addi %mul3A_894, %add3A_941 : i32
      %mul3A_943 = arith.constant 128 : i32
      %mul3A_944 = arith.muli %add3A_942, %mul3A_943 : i32
      %add3A_945 = arith.addi %mul3A_4, %mul3A_944 : i32
      %dma_start3A_946 = arith.constant 1 : i32
      %dma_start3A_947 = tpu.memref_slice %arg2[%dma_start3A_946, %add3A_945] : memref<2x320000xi32, #tpu.memory_space<hbm>> -> memref<1x128xi32, #tpu.memory_space<hbm>>
      %dma_start3A_948 = tpu.memref_squeeze %dma_start3A_947 : memref<1x128xi32, #tpu.memory_space<hbm>> -> memref<128xi32, #tpu.memory_space<hbm>>
      %dma_start3A_949 = tpu.memref_slice %arg2[%dma_start3A_946, %add3A_945] : memref<2x320000xi32, #tpu.memory_space<hbm>> -> memref<1x128xi32, #tpu.memory_space<hbm>>
      %dma_start3A_950 = tpu.memref_squeeze %dma_start3A_949 : memref<1x128xi32, #tpu.memory_space<hbm>> -> memref<128xi32, #tpu.memory_space<hbm>>
      tpu.enqueue_dma source(%dma_start3A_950 : memref<128xi32, #tpu.memory_space<hbm>>) target(%arg7 : memref<128xi32, #tpu.memory_space<vmem>>) target_semaphore(%arg15 : memref<!tpu.dma_semaphore, #tpu.memory_space<semaphore_mem>>)
      %mul3A_951 = arith.constant 128 : i32
      %mul3A_952 = arith.muli %add3A_942, %mul3A_951 : i32
      %dma_start3A_953 = tpu.memref_slice %arg5[%mul3A_952] : memref<10240xi32, #tpu.memory_space<vmem>> -> memref<128xi32, #tpu.memory_space<vmem>>
      %dma_start3A_954 = arith.constant 0 : i32
      %dma_start3A_955 = arith.constant 0 : i32
      %dma_start3A_956 = tpu.memref_slice %arg3[%dma_start3A_954, %dma_start3A_955] : memref<10000x128xf32, #tpu.memory_space<hbm>> -> memref<10000x128xf32, #tpu.memory_space<hbm>>
      tpu.enqueue_indirect_dma source(%dma_start3A_956 : memref<10000x128xf32, #tpu.memory_space<hbm>>) target(%arg9 : memref<128x128xf32, #tpu.memory_space<vmem>>) offsets(%dma_start3A_953 : memref<128xi32, #tpu.memory_space<vmem>>) semaphore(%arg15 : memref<!tpu.dma_semaphore, #tpu.memory_space<semaphore_mem>>)
    }
    %sub3A_853 = arith.constant 2 : i32
    %sub3A_854 = arith.subi %select_n3A, %sub3A_853 : i32
    %mul3A_855 = arith.constant 128 : i32
    %mul3A_856 = arith.muli %sub3A_854, %mul3A_855 : i32
    %add3A_857 = arith.addi %mul3A_4, %mul3A_856 : i32
    %dma_wait3A = arith.constant 1 : i32
    %dma_wait3A_858 = tpu.memref_slice %arg2[%dma_wait3A, %add3A_857] : memref<2x320000xi32, #tpu.memory_space<hbm>> -> memref<1x128xi32, #tpu.memory_space<hbm>>
    %dma_wait3A_859 = tpu.memref_squeeze %dma_wait3A_858 : memref<1x128xi32, #tpu.memory_space<hbm>> -> memref<128xi32, #tpu.memory_space<hbm>>
    %dma_wait3A_860 = tpu.memref_slice %arg2[%dma_wait3A, %add3A_857] : memref<2x320000xi32, #tpu.memory_space<hbm>> -> memref<1x128xi32, #tpu.memory_space<hbm>>
    %dma_wait3A_861 = tpu.memref_squeeze %dma_wait3A_860 : memref<1x128xi32, #tpu.memory_space<hbm>> -> memref<128xi32, #tpu.memory_space<hbm>>
    tpu.wait_dma2 semaphore(%arg14 : memref<!tpu.dma_semaphore, #tpu.memory_space<semaphore_mem>>) src(%dma_wait3A_861 : memref<128xi32, #tpu.memory_space<hbm>>) dst(%arg6 : memref<128xi32, #tpu.memory_space<vmem>>)
    %mul3A_862 = arith.constant 128 : i32
    %mul3A_863 = arith.muli %sub3A_854, %mul3A_862 : i32
    %dma_wait3A_864 = tpu.memref_slice %arg5[%mul3A_863] : memref<10240xi32, #tpu.memory_space<vmem>> -> memref<128xi32, #tpu.memory_space<vmem>>
    %dma_wait3A_865 = arith.constant 0 : i32
    %dma_wait3A_866 = arith.constant 0 : i32
    %dma_wait3A_867 = tpu.memref_slice %arg3[%dma_wait3A_865, %dma_wait3A_866] : memref<10000x128xf32, #tpu.memory_space<hbm>> -> memref<10000x128xf32, #tpu.memory_space<hbm>>
    tpu.wait_indirect_dma semaphore(%arg14 : memref<!tpu.dma_semaphore, #tpu.memory_space<semaphore_mem>>) src(%dma_wait3A_867 : memref<10000x128xf32, #tpu.memory_space<hbm>>) dst(%arg8 : memref<128x128xf32, #tpu.memory_space<vmem>>)
    "tpu.region"() ({
      %run_scoped3A = tpu.sem_alloc : memref<!tpu.dma_semaphore, #tpu.memory_space<semaphore_mem>>
      %dma_start3A_892 = arith.constant 0 : i32
      %dma_start3A_893 = arith.constant 0 : i32
      %dma_start3A_894 = tpu.memref_slice %arg11[%dma_start3A_892, %dma_start3A_893] : memref<10240x128xf32, #tpu.memory_space<vmem_shared>> -> memref<10240x128xf32, #tpu.memory_space<vmem_shared>>
      tpu.enqueue_indirect_dma source(%arg8 : memref<128x128xf32, #tpu.memory_space<vmem>>) target(%dma_start3A_894 : memref<10240x128xf32, #tpu.memory_space<vmem_shared>>) offsets(%arg6 : memref<128xi32, #tpu.memory_space<vmem>>) semaphore(%run_scoped3A : memref<!tpu.dma_semaphore, #tpu.memory_space<semaphore_mem>>) {add = true}
      %dma_wait3A_895 = arith.constant 0 : i32
      %dma_wait3A_896 = arith.constant 0 : i32
      %dma_wait3A_897 = tpu.memref_slice %arg11[%dma_wait3A_895, %dma_wait3A_896] : memref<10240x128xf32, #tpu.memory_space<vmem_shared>> -> memref<10240x128xf32, #tpu.memory_space<vmem_shared>>
      tpu.wait_indirect_dma semaphore(%run_scoped3A : memref<!tpu.dma_semaphore, #tpu.memory_space<semaphore_mem>>) src(%arg8 : memref<128x128xf32, #tpu.memory_space<vmem>>) dst(%dma_wait3A_897 : memref<10240x128xf32, #tpu.memory_space<vmem_shared>>)
      tpu.yield
    }) : () -> ()
    %sub3A_868 = arith.constant 1 : i32
    %sub3A_869 = arith.subi %select_n3A, %sub3A_868 : i32
    %mul3A_870 = arith.constant 128 : i32
    %mul3A_871 = arith.muli %sub3A_869, %mul3A_870 : i32
    %add3A_872 = arith.addi %mul3A_4, %mul3A_871 : i32
    %dma_wait3A_873 = arith.constant 1 : i32
    %dma_wait3A_874 = tpu.memref_slice %arg2[%dma_wait3A_873, %add3A_872] : memref<2x320000xi32, #tpu.memory_space<hbm>> -> memref<1x128xi32, #tpu.memory_space<hbm>>
    %dma_wait3A_875 = tpu.memref_squeeze %dma_wait3A_874 : memref<1x128xi32, #tpu.memory_space<hbm>> -> memref<128xi32, #tpu.memory_space<hbm>>
    %dma_wait3A_876 = tpu.memref_slice %arg2[%dma_wait3A_873, %add3A_872] : memref<2x320000xi32, #tpu.memory_space<hbm>> -> memref<1x128xi32, #tpu.memory_space<hbm>>
    %dma_wait3A_877 = tpu.memref_squeeze %dma_wait3A_876 : memref<1x128xi32, #tpu.memory_space<hbm>> -> memref<128xi32, #tpu.memory_space<hbm>>
    tpu.wait_dma2 semaphore(%arg15 : memref<!tpu.dma_semaphore, #tpu.memory_space<semaphore_mem>>) src(%dma_wait3A_877 : memref<128xi32, #tpu.memory_space<hbm>>) dst(%arg7 : memref<128xi32, #tpu.memory_space<vmem>>)
    %mul3A_878 = arith.constant 128 : i32
    %mul3A_879 = arith.muli %sub3A_869, %mul3A_878 : i32
    %dma_wait3A_880 = tpu.memref_slice %arg5[%mul3A_879] : memref<10240xi32, #tpu.memory_space<vmem>> -> memref<128xi32, #tpu.memory_space<vmem>>
    %dma_wait3A_881 = arith.constant 0 : i32
    %dma_wait3A_882 = arith.constant 0 : i32
    %dma_wait3A_883 = tpu.memref_slice %arg3[%dma_wait3A_881, %dma_wait3A_882] : memref<10000x128xf32, #tpu.memory_space<hbm>> -> memref<10000x128xf32, #tpu.memory_space<hbm>>
    tpu.wait_indirect_dma semaphore(%arg15 : memref<!tpu.dma_semaphore, #tpu.memory_space<semaphore_mem>>) src(%dma_wait3A_883 : memref<10000x128xf32, #tpu.memory_space<hbm>>) dst(%arg9 : memref<128x128xf32, #tpu.memory_space<vmem>>)
    "tpu.region"() ({
      %run_scoped3A = tpu.sem_alloc : memref<!tpu.dma_semaphore, #tpu.memory_space<semaphore_mem>>
      %dma_start3A_892 = arith.constant 0 : i32
      %dma_start3A_893 = arith.constant 0 : i32
      %dma_start3A_894 = tpu.memref_slice %arg11[%dma_start3A_892, %dma_start3A_893] : memref<10240x128xf32, #tpu.memory_space<vmem_shared>> -> memref<10240x128xf32, #tpu.memory_space<vmem_shared>>
      tpu.enqueue_indirect_dma source(%arg9 : memref<128x128xf32, #tpu.memory_space<vmem>>) target(%dma_start3A_894 : memref<10240x128xf32, #tpu.memory_space<vmem_shared>>) offsets(%arg7 : memref<128xi32, #tpu.memory_space<vmem>>) semaphore(%run_scoped3A : memref<!tpu.dma_semaphore, #tpu.memory_space<semaphore_mem>>) {add = true}
      %dma_wait3A_895 = arith.constant 0 : i32
      %dma_wait3A_896 = arith.constant 0 : i32
      %dma_wait3A_897 = tpu.memref_slice %arg11[%dma_wait3A_895, %dma_wait3A_896] : memref<10240x128xf32, #tpu.memory_space<vmem_shared>> -> memref<10240x128xf32, #tpu.memory_space<vmem_shared>>
      tpu.wait_indirect_dma semaphore(%run_scoped3A : memref<!tpu.dma_semaphore, #tpu.memory_space<semaphore_mem>>) src(%arg9 : memref<128x128xf32, #tpu.memory_space<vmem>>) dst(%dma_wait3A_897 : memref<10240x128xf32, #tpu.memory_space<vmem_shared>>)
      tpu.yield
    }) : () -> ()
    %barrier3A_884 = arith.constant 0 : index
    tpu.barrier barrier_id(%barrier3A_884)
    %mul3A_885 = arith.constant 640 : i32
    %mul3A_886 = arith.muli %arg1, %mul3A_885 : i32
    %mul3A_887 = arith.constant 10240 : i32
    %mul3A_888 = arith.muli %arg0, %mul3A_887 : i32
    %mul3A_889 = arith.constant 640 : i32
    %mul3A_890 = arith.muli %arg1, %mul3A_889 : i32
    %add3A_891 = arith.addi %mul3A_888, %mul3A_890 : i32
    "tpu.region"() ({
      %run_scoped3A = tpu.sem_alloc : memref<!tpu.dma_semaphore, #tpu.memory_space<semaphore_mem>>
      %dma_start3A_892 = arith.constant 0 : i32
      %dma_start3A_893 = tpu.memref_slice %arg4[%add3A_891, %dma_start3A_892] : memref<20480x128xf32, #tpu.memory_space<hbm>> -> memref<640x128xf32, #tpu.memory_space<hbm>>
      %dma_start3A_894 = arith.constant 0 : i32
      %dma_start3A_895 = tpu.memref_slice %arg11[%mul3A_886, %dma_start3A_894] : memref<10240x128xf32, #tpu.memory_space<vmem_shared>> -> memref<640x128xf32, #tpu.memory_space<vmem_shared>>
      tpu.enqueue_dma source(%dma_start3A_895 : memref<640x128xf32, #tpu.memory_space<vmem_shared>>) target(%dma_start3A_893 : memref<640x128xf32, #tpu.memory_space<hbm>>) target_semaphore(%run_scoped3A : memref<!tpu.dma_semaphore, #tpu.memory_space<semaphore_mem>>)
      %dma_wait3A_896 = arith.constant 0 : i32
      %dma_wait3A_897 = tpu.memref_slice %arg4[%add3A_891, %dma_wait3A_896] : memref<20480x128xf32, #tpu.memory_space<hbm>> -> memref<640x128xf32, #tpu.memory_space<hbm>>
      %dma_wait3A_898 = arith.constant 0 : i32
      %dma_wait3A_899 = tpu.memref_slice %arg11[%mul3A_886, %dma_wait3A_898] : memref<10240x128xf32, #tpu.memory_space<vmem_shared>> -> memref<640x128xf32, #tpu.memory_space<vmem_shared>>
      tpu.wait_dma2 semaphore(%run_scoped3A : memref<!tpu.dma_semaphore, #tpu.memory_space<semaphore_mem>>) src(%dma_wait3A_899 : memref<640x128xf32, #tpu.memory_space<vmem_shared>>) dst(%dma_wait3A_897 : memref<640x128xf32, #tpu.memory_space<hbm>>)
      tpu.yield
    }) : () -> ()
    return
  }
}

#map = affine_map<(d0, d1) -> (0, 0)>
#map1 = affine_map<(d0, d1) -> (0)>
module attributes {stable_mosaic.version = 14 : i64} {
  func.func @_deg_call(%arg0: i32, %arg1: i32, %arg2: memref<2x320000xi32, #tpu.memory_space<hbm>>, %arg3: memref<20480xf32, #tpu.memory_space<hbm>>, %arg4: memref<16x128xi32, #tpu.memory_space<vmem>>, %arg5: memref<128xf32, #tpu.memory_space<vmem>>, %arg6: memref<640xf32, #tpu.memory_space<vmem>>, %arg7: memref<10240xf32, #tpu.memory_space<vmem_shared>>, %arg8: memref<!tpu.dma_semaphore, #tpu.memory_space<semaphore_mem>>, %arg9: memref<!tpu.dma_semaphore, #tpu.memory_space<semaphore_mem>>) attributes {dimension_semantics = [#tpu.dimension_semantics<core_parallel>, #tpu.dimension_semantics<subcore_parallel>], iteration_bounds = array<i64: 2, 16>, scalar_prefetch = 0 : i64, scratch_operands = 6 : i64, tpu.core_type = #tpu.core_type<sc_vector_subcore>, window_params = [{transform_indices = #map}, {transform_indices = #map1}]} {
    %mul3A = arith.constant 16 : i32
    %mul3A_0 = arith.muli %arg0, %mul3A : i32
    %add3A = arith.addi %mul3A_0, %arg1 : i32
    %eq3A = arith.constant 31 : i32
    %eq3A_1 = arith.cmpi eq, %add3A, %eq3A : i32
    %jit3A = arith.constant 20 : i32
    %jit3A_2 = arith.constant 80 : i32
    %select_n3A = arith.select %eq3A_1, %jit3A, %jit3A_2 : i32
    %mul3A_3 = arith.constant 10240 : i32
    %mul3A_4 = arith.muli %add3A, %mul3A_3 : i32
    %add3A_5 = arith.constant 0 : i32
    %add3A_6 = arith.addi %mul3A_4, %add3A_5 : i32
    %dma_start3A = arith.constant 1 : i32
    %dma_start3A_7 = arith.constant 0 : i32
    %dma_start3A_8 = arith.constant 0 : i32
    %dma_start3A_9 = tpu.memref_slice %arg4[%dma_start3A_7, %dma_start3A_8] : memref<16x128xi32, #tpu.memory_space<vmem>> -> memref<1x128xi32, #tpu.memory_space<vmem>>
    %dma_start3A_10 = tpu.memref_squeeze %dma_start3A_9 : memref<1x128xi32, #tpu.memory_space<vmem>> -> memref<128xi32, #tpu.memory_space<vmem>>
    %dma_start3A_11 = tpu.memref_slice %arg2[%dma_start3A, %add3A_6] : memref<2x320000xi32, #tpu.memory_space<hbm>> -> memref<1x128xi32, #tpu.memory_space<hbm>>
    %dma_start3A_12 = tpu.memref_squeeze %dma_start3A_11 : memref<1x128xi32, #tpu.memory_space<hbm>> -> memref<128xi32, #tpu.memory_space<hbm>>
    %dma_start3A_13 = arith.constant 0 : i32
    %dma_start3A_14 = tpu.memref_slice %arg4[%dma_start3A_7, %dma_start3A_13] : memref<16x128xi32, #tpu.memory_space<vmem>> -> memref<1x128xi32, #tpu.memory_space<vmem>>
    %dma_start3A_15 = tpu.memref_squeeze %dma_start3A_14 : memref<1x128xi32, #tpu.memory_space<vmem>> -> memref<128xi32, #tpu.memory_space<vmem>>
    %dma_start3A_16 = tpu.memref_slice %arg2[%dma_start3A, %add3A_6] : memref<2x320000xi32, #tpu.memory_space<hbm>> -> memref<1x128xi32, #tpu.memory_space<hbm>>
    %dma_start3A_17 = tpu.memref_squeeze %dma_start3A_16 : memref<1x128xi32, #tpu.memory_space<hbm>> -> memref<128xi32, #tpu.memory_space<hbm>>
    tpu.enqueue_dma source(%dma_start3A_17 : memref<128xi32, #tpu.memory_space<hbm>>) target(%dma_start3A_15 : memref<128xi32, #tpu.memory_space<vmem>>) target_semaphore(%arg8 : memref<!tpu.dma_semaphore, #tpu.memory_space<semaphore_mem>>)
    %add3A_18 = arith.constant 128 : i32
    %add3A_19 = arith.addi %mul3A_4, %add3A_18 : i32
    %dma_start3A_20 = arith.constant 1 : i32
    %dma_start3A_21 = arith.constant 1 : i32
    %dma_start3A_22 = arith.constant 0 : i32
    %dma_start3A_23 = tpu.memref_slice %arg4[%dma_start3A_21, %dma_start3A_22] : memref<16x128xi32, #tpu.memory_space<vmem>> -> memref<1x128xi32, #tpu.memory_space<vmem>>
    %dma_start3A_24 = tpu.memref_squeeze %dma_start3A_23 : memref<1x128xi32, #tpu.memory_space<vmem>> -> memref<128xi32, #tpu.memory_space<vmem>>
    %dma_start3A_25 = tpu.memref_slice %arg2[%dma_start3A_20, %add3A_19] : memref<2x320000xi32, #tpu.memory_space<hbm>> -> memref<1x128xi32, #tpu.memory_space<hbm>>
    %dma_start3A_26 = tpu.memref_squeeze %dma_start3A_25 : memref<1x128xi32, #tpu.memory_space<hbm>> -> memref<128xi32, #tpu.memory_space<hbm>>
    %dma_start3A_27 = arith.constant 0 : i32
    %dma_start3A_28 = tpu.memref_slice %arg4[%dma_start3A_21, %dma_start3A_27] : memref<16x128xi32, #tpu.memory_space<vmem>> -> memref<1x128xi32, #tpu.memory_space<vmem>>
    %dma_start3A_29 = tpu.memref_squeeze %dma_start3A_28 : memref<1x128xi32, #tpu.memory_space<vmem>> -> memref<128xi32, #tpu.memory_space<vmem>>
    %dma_start3A_30 = tpu.memref_slice %arg2[%dma_start3A_20, %add3A_19] : memref<2x320000xi32, #tpu.memory_space<hbm>> -> memref<1x128xi32, #tpu.memory_space<hbm>>
    %dma_start3A_31 = tpu.memref_squeeze %dma_start3A_30 : memref<1x128xi32, #tpu.memory_space<hbm>> -> memref<128xi32, #tpu.memory_space<hbm>>
    tpu.enqueue_dma source(%dma_start3A_31 : memref<128xi32, #tpu.memory_space<hbm>>) target(%dma_start3A_29 : memref<128xi32, #tpu.memory_space<vmem>>) target_semaphore(%arg8 : memref<!tpu.dma_semaphore, #tpu.memory_space<semaphore_mem>>)
    %add3A_32 = arith.constant 256 : i32
    %add3A_33 = arith.addi %mul3A_4, %add3A_32 : i32
    %dma_start3A_34 = arith.constant 1 : i32
    %dma_start3A_35 = arith.constant 2 : i32
    %dma_start3A_36 = arith.constant 0 : i32
    %dma_start3A_37 = tpu.memref_slice %arg4[%dma_start3A_35, %dma_start3A_36] : memref<16x128xi32, #tpu.memory_space<vmem>> -> memref<1x128xi32, #tpu.memory_space<vmem>>
    %dma_start3A_38 = tpu.memref_squeeze %dma_start3A_37 : memref<1x128xi32, #tpu.memory_space<vmem>> -> memref<128xi32, #tpu.memory_space<vmem>>
    %dma_start3A_39 = tpu.memref_slice %arg2[%dma_start3A_34, %add3A_33] : memref<2x320000xi32, #tpu.memory_space<hbm>> -> memref<1x128xi32, #tpu.memory_space<hbm>>
    %dma_start3A_40 = tpu.memref_squeeze %dma_start3A_39 : memref<1x128xi32, #tpu.memory_space<hbm>> -> memref<128xi32, #tpu.memory_space<hbm>>
    %dma_start3A_41 = arith.constant 0 : i32
    %dma_start3A_42 = tpu.memref_slice %arg4[%dma_start3A_35, %dma_start3A_41] : memref<16x128xi32, #tpu.memory_space<vmem>> -> memref<1x128xi32, #tpu.memory_space<vmem>>
    %dma_start3A_43 = tpu.memref_squeeze %dma_start3A_42 : memref<1x128xi32, #tpu.memory_space<vmem>> -> memref<128xi32, #tpu.memory_space<vmem>>
    %dma_start3A_44 = tpu.memref_slice %arg2[%dma_start3A_34, %add3A_33] : memref<2x320000xi32, #tpu.memory_space<hbm>> -> memref<1x128xi32, #tpu.memory_space<hbm>>
    %dma_start3A_45 = tpu.memref_squeeze %dma_start3A_44 : memref<1x128xi32, #tpu.memory_space<hbm>> -> memref<128xi32, #tpu.memory_space<hbm>>
    tpu.enqueue_dma source(%dma_start3A_45 : memref<128xi32, #tpu.memory_space<hbm>>) target(%dma_start3A_43 : memref<128xi32, #tpu.memory_space<vmem>>) target_semaphore(%arg8 : memref<!tpu.dma_semaphore, #tpu.memory_space<semaphore_mem>>)
    %add3A_46 = arith.constant 384 : i32
    %add3A_47 = arith.addi %mul3A_4, %add3A_46 : i32
    %dma_start3A_48 = arith.constant 1 : i32
    %dma_start3A_49 = arith.constant 3 : i32
    %dma_start3A_50 = arith.constant 0 : i32
    %dma_start3A_51 = tpu.memref_slice %arg4[%dma_start3A_49, %dma_start3A_50] : memref<16x128xi32, #tpu.memory_space<vmem>> -> memref<1x128xi32, #tpu.memory_space<vmem>>
    %dma_start3A_52 = tpu.memref_squeeze %dma_start3A_51 : memref<1x128xi32, #tpu.memory_space<vmem>> -> memref<128xi32, #tpu.memory_space<vmem>>
    %dma_start3A_53 = tpu.memref_slice %arg2[%dma_start3A_48, %add3A_47] : memref<2x320000xi32, #tpu.memory_space<hbm>> -> memref<1x128xi32, #tpu.memory_space<hbm>>
    %dma_start3A_54 = tpu.memref_squeeze %dma_start3A_53 : memref<1x128xi32, #tpu.memory_space<hbm>> -> memref<128xi32, #tpu.memory_space<hbm>>
    %dma_start3A_55 = arith.constant 0 : i32
    %dma_start3A_56 = tpu.memref_slice %arg4[%dma_start3A_49, %dma_start3A_55] : memref<16x128xi32, #tpu.memory_space<vmem>> -> memref<1x128xi32, #tpu.memory_space<vmem>>
    %dma_start3A_57 = tpu.memref_squeeze %dma_start3A_56 : memref<1x128xi32, #tpu.memory_space<vmem>> -> memref<128xi32, #tpu.memory_space<vmem>>
    %dma_start3A_58 = tpu.memref_slice %arg2[%dma_start3A_48, %add3A_47] : memref<2x320000xi32, #tpu.memory_space<hbm>> -> memref<1x128xi32, #tpu.memory_space<hbm>>
    %dma_start3A_59 = tpu.memref_squeeze %dma_start3A_58 : memref<1x128xi32, #tpu.memory_space<hbm>> -> memref<128xi32, #tpu.memory_space<hbm>>
    tpu.enqueue_dma source(%dma_start3A_59 : memref<128xi32, #tpu.memory_space<hbm>>) target(%dma_start3A_57 : memref<128xi32, #tpu.memory_space<vmem>>) target_semaphore(%arg8 : memref<!tpu.dma_semaphore, #tpu.memory_space<semaphore_mem>>)
    %add3A_60 = arith.constant 512 : i32
    %add3A_61 = arith.addi %mul3A_4, %add3A_60 : i32
    %dma_start3A_62 = arith.constant 1 : i32
    %dma_start3A_63 = arith.constant 4 : i32
    %dma_start3A_64 = arith.constant 0 : i32
    %dma_start3A_65 = tpu.memref_slice %arg4[%dma_start3A_63, %dma_start3A_64] : memref<16x128xi32, #tpu.memory_space<vmem>> -> memref<1x128xi32, #tpu.memory_space<vmem>>
    %dma_start3A_66 = tpu.memref_squeeze %dma_start3A_65 : memref<1x128xi32, #tpu.memory_space<vmem>> -> memref<128xi32, #tpu.memory_space<vmem>>
    %dma_start3A_67 = tpu.memref_slice %arg2[%dma_start3A_62, %add3A_61] : memref<2x320000xi32, #tpu.memory_space<hbm>> -> memref<1x128xi32, #tpu.memory_space<hbm>>
    %dma_start3A_68 = tpu.memref_squeeze %dma_start3A_67 : memref<1x128xi32, #tpu.memory_space<hbm>> -> memref<128xi32, #tpu.memory_space<hbm>>
    %dma_start3A_69 = arith.constant 0 : i32
    %dma_start3A_70 = tpu.memref_slice %arg4[%dma_start3A_63, %dma_start3A_69] : memref<16x128xi32, #tpu.memory_space<vmem>> -> memref<1x128xi32, #tpu.memory_space<vmem>>
    %dma_start3A_71 = tpu.memref_squeeze %dma_start3A_70 : memref<1x128xi32, #tpu.memory_space<vmem>> -> memref<128xi32, #tpu.memory_space<vmem>>
    %dma_start3A_72 = tpu.memref_slice %arg2[%dma_start3A_62, %add3A_61] : memref<2x320000xi32, #tpu.memory_space<hbm>> -> memref<1x128xi32, #tpu.memory_space<hbm>>
    %dma_start3A_73 = tpu.memref_squeeze %dma_start3A_72 : memref<1x128xi32, #tpu.memory_space<hbm>> -> memref<128xi32, #tpu.memory_space<hbm>>
    tpu.enqueue_dma source(%dma_start3A_73 : memref<128xi32, #tpu.memory_space<hbm>>) target(%dma_start3A_71 : memref<128xi32, #tpu.memory_space<vmem>>) target_semaphore(%arg8 : memref<!tpu.dma_semaphore, #tpu.memory_space<semaphore_mem>>)
    %add3A_74 = arith.constant 640 : i32
    %add3A_75 = arith.addi %mul3A_4, %add3A_74 : i32
    %dma_start3A_76 = arith.constant 1 : i32
    %dma_start3A_77 = arith.constant 5 : i32
    %dma_start3A_78 = arith.constant 0 : i32
    %dma_start3A_79 = tpu.memref_slice %arg4[%dma_start3A_77, %dma_start3A_78] : memref<16x128xi32, #tpu.memory_space<vmem>> -> memref<1x128xi32, #tpu.memory_space<vmem>>
    %dma_start3A_80 = tpu.memref_squeeze %dma_start3A_79 : memref<1x128xi32, #tpu.memory_space<vmem>> -> memref<128xi32, #tpu.memory_space<vmem>>
    %dma_start3A_81 = tpu.memref_slice %arg2[%dma_start3A_76, %add3A_75] : memref<2x320000xi32, #tpu.memory_space<hbm>> -> memref<1x128xi32, #tpu.memory_space<hbm>>
    %dma_start3A_82 = tpu.memref_squeeze %dma_start3A_81 : memref<1x128xi32, #tpu.memory_space<hbm>> -> memref<128xi32, #tpu.memory_space<hbm>>
    %dma_start3A_83 = arith.constant 0 : i32
    %dma_start3A_84 = tpu.memref_slice %arg4[%dma_start3A_77, %dma_start3A_83] : memref<16x128xi32, #tpu.memory_space<vmem>> -> memref<1x128xi32, #tpu.memory_space<vmem>>
    %dma_start3A_85 = tpu.memref_squeeze %dma_start3A_84 : memref<1x128xi32, #tpu.memory_space<vmem>> -> memref<128xi32, #tpu.memory_space<vmem>>
    %dma_start3A_86 = tpu.memref_slice %arg2[%dma_start3A_76, %add3A_75] : memref<2x320000xi32, #tpu.memory_space<hbm>> -> memref<1x128xi32, #tpu.memory_space<hbm>>
    %dma_start3A_87 = tpu.memref_squeeze %dma_start3A_86 : memref<1x128xi32, #tpu.memory_space<hbm>> -> memref<128xi32, #tpu.memory_space<hbm>>
    tpu.enqueue_dma source(%dma_start3A_87 : memref<128xi32, #tpu.memory_space<hbm>>) target(%dma_start3A_85 : memref<128xi32, #tpu.memory_space<vmem>>) target_semaphore(%arg8 : memref<!tpu.dma_semaphore, #tpu.memory_space<semaphore_mem>>)
    %add3A_88 = arith.constant 768 : i32
    %add3A_89 = arith.addi %mul3A_4, %add3A_88 : i32
    %dma_start3A_90 = arith.constant 1 : i32
    %dma_start3A_91 = arith.constant 6 : i32
    %dma_start3A_92 = arith.constant 0 : i32
    %dma_start3A_93 = tpu.memref_slice %arg4[%dma_start3A_91, %dma_start3A_92] : memref<16x128xi32, #tpu.memory_space<vmem>> -> memref<1x128xi32, #tpu.memory_space<vmem>>
    %dma_start3A_94 = tpu.memref_squeeze %dma_start3A_93 : memref<1x128xi32, #tpu.memory_space<vmem>> -> memref<128xi32, #tpu.memory_space<vmem>>
    %dma_start3A_95 = tpu.memref_slice %arg2[%dma_start3A_90, %add3A_89] : memref<2x320000xi32, #tpu.memory_space<hbm>> -> memref<1x128xi32, #tpu.memory_space<hbm>>
    %dma_start3A_96 = tpu.memref_squeeze %dma_start3A_95 : memref<1x128xi32, #tpu.memory_space<hbm>> -> memref<128xi32, #tpu.memory_space<hbm>>
    %dma_start3A_97 = arith.constant 0 : i32
    %dma_start3A_98 = tpu.memref_slice %arg4[%dma_start3A_91, %dma_start3A_97] : memref<16x128xi32, #tpu.memory_space<vmem>> -> memref<1x128xi32, #tpu.memory_space<vmem>>
    %dma_start3A_99 = tpu.memref_squeeze %dma_start3A_98 : memref<1x128xi32, #tpu.memory_space<vmem>> -> memref<128xi32, #tpu.memory_space<vmem>>
    %dma_start3A_100 = tpu.memref_slice %arg2[%dma_start3A_90, %add3A_89] : memref<2x320000xi32, #tpu.memory_space<hbm>> -> memref<1x128xi32, #tpu.memory_space<hbm>>
    %dma_start3A_101 = tpu.memref_squeeze %dma_start3A_100 : memref<1x128xi32, #tpu.memory_space<hbm>> -> memref<128xi32, #tpu.memory_space<hbm>>
    tpu.enqueue_dma source(%dma_start3A_101 : memref<128xi32, #tpu.memory_space<hbm>>) target(%dma_start3A_99 : memref<128xi32, #tpu.memory_space<vmem>>) target_semaphore(%arg8 : memref<!tpu.dma_semaphore, #tpu.memory_space<semaphore_mem>>)
    %add3A_102 = arith.constant 896 : i32
    %add3A_103 = arith.addi %mul3A_4, %add3A_102 : i32
    %dma_start3A_104 = arith.constant 1 : i32
    %dma_start3A_105 = arith.constant 7 : i32
    %dma_start3A_106 = arith.constant 0 : i32
    %dma_start3A_107 = tpu.memref_slice %arg4[%dma_start3A_105, %dma_start3A_106] : memref<16x128xi32, #tpu.memory_space<vmem>> -> memref<1x128xi32, #tpu.memory_space<vmem>>
    %dma_start3A_108 = tpu.memref_squeeze %dma_start3A_107 : memref<1x128xi32, #tpu.memory_space<vmem>> -> memref<128xi32, #tpu.memory_space<vmem>>
    %dma_start3A_109 = tpu.memref_slice %arg2[%dma_start3A_104, %add3A_103] : memref<2x320000xi32, #tpu.memory_space<hbm>> -> memref<1x128xi32, #tpu.memory_space<hbm>>
    %dma_start3A_110 = tpu.memref_squeeze %dma_start3A_109 : memref<1x128xi32, #tpu.memory_space<hbm>> -> memref<128xi32, #tpu.memory_space<hbm>>
    %dma_start3A_111 = arith.constant 0 : i32
    %dma_start3A_112 = tpu.memref_slice %arg4[%dma_start3A_105, %dma_start3A_111] : memref<16x128xi32, #tpu.memory_space<vmem>> -> memref<1x128xi32, #tpu.memory_space<vmem>>
    %dma_start3A_113 = tpu.memref_squeeze %dma_start3A_112 : memref<1x128xi32, #tpu.memory_space<vmem>> -> memref<128xi32, #tpu.memory_space<vmem>>
    %dma_start3A_114 = tpu.memref_slice %arg2[%dma_start3A_104, %add3A_103] : memref<2x320000xi32, #tpu.memory_space<hbm>> -> memref<1x128xi32, #tpu.memory_space<hbm>>
    %dma_start3A_115 = tpu.memref_squeeze %dma_start3A_114 : memref<1x128xi32, #tpu.memory_space<hbm>> -> memref<128xi32, #tpu.memory_space<hbm>>
    tpu.enqueue_dma source(%dma_start3A_115 : memref<128xi32, #tpu.memory_space<hbm>>) target(%dma_start3A_113 : memref<128xi32, #tpu.memory_space<vmem>>) target_semaphore(%arg8 : memref<!tpu.dma_semaphore, #tpu.memory_space<semaphore_mem>>)
    %broadcast_in_dim3A = arith.constant 0.000000e+00 : f32
    %broadcast_in_dim3A_116 = vector.broadcast %broadcast_in_dim3A : f32 to vector<16xf32>
    %broadcast_in_dim3A_117 = arith.constant 1.000000e+00 : f32
    %broadcast_in_dim3A_118 = vector.broadcast %broadcast_in_dim3A_117 : f32 to vector<16xf32>
    %swap3A = arith.constant 0 : index
    %swap3A_119 = tpu.vector_load %arg5[%swap3A] {strides = array<i32>} : memref<128xf32, #tpu.memory_space<vmem>>, vector<16xf32>,
    %swap3A_120 = vector.shape_cast %swap3A_119 : vector<16xf32> to vector<16xf32>
    %swap3A_121 = vector.shape_cast %broadcast_in_dim3A_118 : vector<16xf32> to vector<16xf32>
    tpu.vector_store %arg5[%swap3A], %swap3A_121 {strides = array<i32>} : memref<128xf32, #tpu.memory_space<vmem>>, vector<16xf32>,
    %swap3A_122 = arith.constant 16 : index
    %swap3A_123 = tpu.vector_load %arg5[%swap3A_122] {strides = array<i32>} : memref<128xf32, #tpu.memory_space<vmem>>, vector<16xf32>,
    %swap3A_124 = vector.shape_cast %swap3A_123 : vector<16xf32> to vector<16xf32>
    %swap3A_125 = vector.shape_cast %broadcast_in_dim3A_118 : vector<16xf32> to vector<16xf32>
    tpu.vector_store %arg5[%swap3A_122], %swap3A_125 {strides = array<i32>} : memref<128xf32, #tpu.memory_space<vmem>>, vector<16xf32>,
    %swap3A_126 = arith.constant 32 : index
    %swap3A_127 = tpu.vector_load %arg5[%swap3A_126] {strides = array<i32>} : memref<128xf32, #tpu.memory_space<vmem>>, vector<16xf32>,
    %swap3A_128 = vector.shape_cast %swap3A_127 : vector<16xf32> to vector<16xf32>
    %swap3A_129 = vector.shape_cast %broadcast_in_dim3A_118 : vector<16xf32> to vector<16xf32>
    tpu.vector_store %arg5[%swap3A_126], %swap3A_129 {strides = array<i32>} : memref<128xf32, #tpu.memory_space<vmem>>, vector<16xf32>,
    %swap3A_130 = arith.constant 48 : index
    %swap3A_131 = tpu.vector_load %arg5[%swap3A_130] {strides = array<i32>} : memref<128xf32, #tpu.memory_space<vmem>>, vector<16xf32>,
    %swap3A_132 = vector.shape_cast %swap3A_131 : vector<16xf32> to vector<16xf32>
    %swap3A_133 = vector.shape_cast %broadcast_in_dim3A_118 : vector<16xf32> to vector<16xf32>
    tpu.vector_store %arg5[%swap3A_130], %swap3A_133 {strides = array<i32>} : memref<128xf32, #tpu.memory_space<vmem>>, vector<16xf32>,
    %swap3A_134 = arith.constant 64 : index
    %swap3A_135 = tpu.vector_load %arg5[%swap3A_134] {strides = array<i32>} : memref<128xf32, #tpu.memory_space<vmem>>, vector<16xf32>,
    %swap3A_136 = vector.shape_cast %swap3A_135 : vector<16xf32> to vector<16xf32>
    %swap3A_137 = vector.shape_cast %broadcast_in_dim3A_118 : vector<16xf32> to vector<16xf32>
    tpu.vector_store %arg5[%swap3A_134], %swap3A_137 {strides = array<i32>} : memref<128xf32, #tpu.memory_space<vmem>>, vector<16xf32>,
    %swap3A_138 = arith.constant 80 : index
    %swap3A_139 = tpu.vector_load %arg5[%swap3A_138] {strides = array<i32>} : memref<128xf32, #tpu.memory_space<vmem>>, vector<16xf32>,
    %swap3A_140 = vector.shape_cast %swap3A_139 : vector<16xf32> to vector<16xf32>
    %swap3A_141 = vector.shape_cast %broadcast_in_dim3A_118 : vector<16xf32> to vector<16xf32>
    tpu.vector_store %arg5[%swap3A_138], %swap3A_141 {strides = array<i32>} : memref<128xf32, #tpu.memory_space<vmem>>, vector<16xf32>,
    %swap3A_142 = arith.constant 96 : index
    %swap3A_143 = tpu.vector_load %arg5[%swap3A_142] {strides = array<i32>} : memref<128xf32, #tpu.memory_space<vmem>>, vector<16xf32>,
    %swap3A_144 = vector.shape_cast %swap3A_143 : vector<16xf32> to vector<16xf32>
    %swap3A_145 = vector.shape_cast %broadcast_in_dim3A_118 : vector<16xf32> to vector<16xf32>
    tpu.vector_store %arg5[%swap3A_142], %swap3A_145 {strides = array<i32>} : memref<128xf32, #tpu.memory_space<vmem>>, vector<16xf32>,
    %swap3A_146 = arith.constant 112 : index
    %swap3A_147 = tpu.vector_load %arg5[%swap3A_146] {strides = array<i32>} : memref<128xf32, #tpu.memory_space<vmem>>, vector<16xf32>,
    %swap3A_148 = vector.shape_cast %swap3A_147 : vector<16xf32> to vector<16xf32>
    %swap3A_149 = vector.shape_cast %broadcast_in_dim3A_118 : vector<16xf32> to vector<16xf32>
    tpu.vector_store %arg5[%swap3A_146], %swap3A_149 {strides = array<i32>} : memref<128xf32, #tpu.memory_space<vmem>>, vector<16xf32>,
    %swap3A_150 = arith.constant 0 : index
    %swap3A_151 = tpu.vector_load %arg6[%swap3A_150] {strides = array<i32>} : memref<640xf32, #tpu.memory_space<vmem>>, vector<16xf32>,
    %swap3A_152 = vector.shape_cast %swap3A_151 : vector<16xf32> to vector<16xf32>
    %swap3A_153 = vector.shape_cast %broadcast_in_dim3A_116 : vector<16xf32> to vector<16xf32>
    tpu.vector_store %arg6[%swap3A_150], %swap3A_153 {strides = array<i32>} : memref<640xf32, #tpu.memory_space<vmem>>, vector<16xf32>,
    %swap3A_154 = arith.constant 16 : index
    %swap3A_155 = tpu.vector_load %arg6[%swap3A_154] {strides = array<i32>} : memref<640xf32, #tpu.memory_space<vmem>>, vector<16xf32>,
    %swap3A_156 = vector.shape_cast %swap3A_155 : vector<16xf32> to vector<16xf32>
    %swap3A_157 = vector.shape_cast %broadcast_in_dim3A_116 : vector<16xf32> to vector<16xf32>
    tpu.vector_store %arg6[%swap3A_154], %swap3A_157 {strides = array<i32>} : memref<640xf32, #tpu.memory_space<vmem>>, vector<16xf32>,
    %swap3A_158 = arith.constant 32 : index
    %swap3A_159 = tpu.vector_load %arg6[%swap3A_158] {strides = array<i32>} : memref<640xf32, #tpu.memory_space<vmem>>, vector<16xf32>,
    %swap3A_160 = vector.shape_cast %swap3A_159 : vector<16xf32> to vector<16xf32>
    %swap3A_161 = vector.shape_cast %broadcast_in_dim3A_116 : vector<16xf32> to vector<16xf32>
    tpu.vector_store %arg6[%swap3A_158], %swap3A_161 {strides = array<i32>} : memref<640xf32, #tpu.memory_space<vmem>>, vector<16xf32>,
    %swap3A_162 = arith.constant 48 : index
    %swap3A_163 = tpu.vector_load %arg6[%swap3A_162] {strides = array<i32>} : memref<640xf32, #tpu.memory_space<vmem>>, vector<16xf32>,
    %swap3A_164 = vector.shape_cast %swap3A_163 : vector<16xf32> to vector<16xf32>
    %swap3A_165 = vector.shape_cast %broadcast_in_dim3A_116 : vector<16xf32> to vector<16xf32>
    tpu.vector_store %arg6[%swap3A_162], %swap3A_165 {strides = array<i32>} : memref<640xf32, #tpu.memory_space<vmem>>, vector<16xf32>,
    %swap3A_166 = arith.constant 64 : index
    %swap3A_167 = tpu.vector_load %arg6[%swap3A_166] {strides = array<i32>} : memref<640xf32, #tpu.memory_space<vmem>>, vector<16xf32>,
    %swap3A_168 = vector.shape_cast %swap3A_167 : vector<16xf32> to vector<16xf32>
    %swap3A_169 = vector.shape_cast %broadcast_in_dim3A_116 : vector<16xf32> to vector<16xf32>
    tpu.vector_store %arg6[%swap3A_166], %swap3A_169 {strides = array<i32>} : memref<640xf32, #tpu.memory_space<vmem>>, vector<16xf32>,
    %swap3A_170 = arith.constant 80 : index
    %swap3A_171 = tpu.vector_load %arg6[%swap3A_170] {strides = array<i32>} : memref<640xf32, #tpu.memory_space<vmem>>, vector<16xf32>,
    %swap3A_172 = vector.shape_cast %swap3A_171 : vector<16xf32> to vector<16xf32>
    %swap3A_173 = vector.shape_cast %broadcast_in_dim3A_116 : vector<16xf32> to vector<16xf32>
    tpu.vector_store %arg6[%swap3A_170], %swap3A_173 {strides = array<i32>} : memref<640xf32, #tpu.memory_space<vmem>>, vector<16xf32>,
    %swap3A_174 = arith.constant 96 : index
    %swap3A_175 = tpu.vector_load %arg6[%swap3A_174] {strides = array<i32>} : memref<640xf32, #tpu.memory_space<vmem>>, vector<16xf32>,
    %swap3A_176 = vector.shape_cast %swap3A_175 : vector<16xf32> to vector<16xf32>
    %swap3A_177 = vector.shape_cast %broadcast_in_dim3A_116 : vector<16xf32> to vector<16xf32>
    tpu.vector_store %arg6[%swap3A_174], %swap3A_177 {strides = array<i32>} : memref<640xf32, #tpu.memory_space<vmem>>, vector<16xf32>,
    %swap3A_178 = arith.constant 112 : index
    %swap3A_179 = tpu.vector_load %arg6[%swap3A_178] {strides = array<i32>} : memref<640xf32, #tpu.memory_space<vmem>>, vector<16xf32>,
    %swap3A_180 = vector.shape_cast %swap3A_179 : vector<16xf32> to vector<16xf32>
    %swap3A_181 = vector.shape_cast %broadcast_in_dim3A_116 : vector<16xf32> to vector<16xf32>
    tpu.vector_store %arg6[%swap3A_178], %swap3A_181 {strides = array<i32>} : memref<640xf32, #tpu.memory_space<vmem>>, vector<16xf32>,
    %swap3A_182 = arith.constant 128 : index
    %swap3A_183 = tpu.vector_load %arg6[%swap3A_182] {strides = array<i32>} : memref<640xf32, #tpu.memory_space<vmem>>, vector<16xf32>,
    %swap3A_184 = vector.shape_cast %swap3A_183 : vector<16xf32> to vector<16xf32>
    %swap3A_185 = vector.shape_cast %broadcast_in_dim3A_116 : vector<16xf32> to vector<16xf32>
    tpu.vector_store %arg6[%swap3A_182], %swap3A_185 {strides = array<i32>} : memref<640xf32, #tpu.memory_space<vmem>>, vector<16xf32>,
    %swap3A_186 = arith.constant 144 : index
    %swap3A_187 = tpu.vector_load %arg6[%swap3A_186] {strides = array<i32>} : memref<640xf32, #tpu.memory_space<vmem>>, vector<16xf32>,
    %swap3A_188 = vector.shape_cast %swap3A_187 : vector<16xf32> to vector<16xf32>
    %swap3A_189 = vector.shape_cast %broadcast_in_dim3A_116 : vector<16xf32> to vector<16xf32>
    tpu.vector_store %arg6[%swap3A_186], %swap3A_189 {strides = array<i32>} : memref<640xf32, #tpu.memory_space<vmem>>, vector<16xf32>,
    %swap3A_190 = arith.constant 160 : index
    %swap3A_191 = tpu.vector_load %arg6[%swap3A_190] {strides = array<i32>} : memref<640xf32, #tpu.memory_space<vmem>>, vector<16xf32>,
    %swap3A_192 = vector.shape_cast %swap3A_191 : vector<16xf32> to vector<16xf32>
    %swap3A_193 = vector.shape_cast %broadcast_in_dim3A_116 : vector<16xf32> to vector<16xf32>
    tpu.vector_store %arg6[%swap3A_190], %swap3A_193 {strides = array<i32>} : memref<640xf32, #tpu.memory_space<vmem>>, vector<16xf32>,
    %swap3A_194 = arith.constant 176 : index
    %swap3A_195 = tpu.vector_load %arg6[%swap3A_194] {strides = array<i32>} : memref<640xf32, #tpu.memory_space<vmem>>, vector<16xf32>,
    %swap3A_196 = vector.shape_cast %swap3A_195 : vector<16xf32> to vector<16xf32>
    %swap3A_197 = vector.shape_cast %broadcast_in_dim3A_116 : vector<16xf32> to vector<16xf32>
    tpu.vector_store %arg6[%swap3A_194], %swap3A_197 {strides = array<i32>} : memref<640xf32, #tpu.memory_space<vmem>>, vector<16xf32>,
    %swap3A_198 = arith.constant 192 : index
    %swap3A_199 = tpu.vector_load %arg6[%swap3A_198] {strides = array<i32>} : memref<640xf32, #tpu.memory_space<vmem>>, vector<16xf32>,
    %swap3A_200 = vector.shape_cast %swap3A_199 : vector<16xf32> to vector<16xf32>
    %swap3A_201 = vector.shape_cast %broadcast_in_dim3A_116 : vector<16xf32> to vector<16xf32>
    tpu.vector_store %arg6[%swap3A_198], %swap3A_201 {strides = array<i32>} : memref<640xf32, #tpu.memory_space<vmem>>, vector<16xf32>,
    %swap3A_202 = arith.constant 208 : index
    %swap3A_203 = tpu.vector_load %arg6[%swap3A_202] {strides = array<i32>} : memref<640xf32, #tpu.memory_space<vmem>>, vector<16xf32>,
    %swap3A_204 = vector.shape_cast %swap3A_203 : vector<16xf32> to vector<16xf32>
    %swap3A_205 = vector.shape_cast %broadcast_in_dim3A_116 : vector<16xf32> to vector<16xf32>
    tpu.vector_store %arg6[%swap3A_202], %swap3A_205 {strides = array<i32>} : memref<640xf32, #tpu.memory_space<vmem>>, vector<16xf32>,
    %swap3A_206 = arith.constant 224 : index
    %swap3A_207 = tpu.vector_load %arg6[%swap3A_206] {strides = array<i32>} : memref<640xf32, #tpu.memory_space<vmem>>, vector<16xf32>,
    %swap3A_208 = vector.shape_cast %swap3A_207 : vector<16xf32> to vector<16xf32>
    %swap3A_209 = vector.shape_cast %broadcast_in_dim3A_116 : vector<16xf32> to vector<16xf32>
    tpu.vector_store %arg6[%swap3A_206], %swap3A_209 {strides = array<i32>} : memref<640xf32, #tpu.memory_space<vmem>>, vector<16xf32>,
    %swap3A_210 = arith.constant 240 : index
    %swap3A_211 = tpu.vector_load %arg6[%swap3A_210] {strides = array<i32>} : memref<640xf32, #tpu.memory_space<vmem>>, vector<16xf32>,
    %swap3A_212 = vector.shape_cast %swap3A_211 : vector<16xf32> to vector<16xf32>
    %swap3A_213 = vector.shape_cast %broadcast_in_dim3A_116 : vector<16xf32> to vector<16xf32>
    tpu.vector_store %arg6[%swap3A_210], %swap3A_213 {strides = array<i32>} : memref<640xf32, #tpu.memory_space<vmem>>, vector<16xf32>,
    %swap3A_214 = arith.constant 256 : index
    %swap3A_215 = tpu.vector_load %arg6[%swap3A_214] {strides = array<i32>} : memref<640xf32, #tpu.memory_space<vmem>>, vector<16xf32>,
    %swap3A_216 = vector.shape_cast %swap3A_215 : vector<16xf32> to vector<16xf32>
    %swap3A_217 = vector.shape_cast %broadcast_in_dim3A_116 : vector<16xf32> to vector<16xf32>
    tpu.vector_store %arg6[%swap3A_214], %swap3A_217 {strides = array<i32>} : memref<640xf32, #tpu.memory_space<vmem>>, vector<16xf32>,
    %swap3A_218 = arith.constant 272 : index
    %swap3A_219 = tpu.vector_load %arg6[%swap3A_218] {strides = array<i32>} : memref<640xf32, #tpu.memory_space<vmem>>, vector<16xf32>,
    %swap3A_220 = vector.shape_cast %swap3A_219 : vector<16xf32> to vector<16xf32>
    %swap3A_221 = vector.shape_cast %broadcast_in_dim3A_116 : vector<16xf32> to vector<16xf32>
    tpu.vector_store %arg6[%swap3A_218], %swap3A_221 {strides = array<i32>} : memref<640xf32, #tpu.memory_space<vmem>>, vector<16xf32>,
    %swap3A_222 = arith.constant 288 : index
    %swap3A_223 = tpu.vector_load %arg6[%swap3A_222] {strides = array<i32>} : memref<640xf32, #tpu.memory_space<vmem>>, vector<16xf32>,
    %swap3A_224 = vector.shape_cast %swap3A_223 : vector<16xf32> to vector<16xf32>
    %swap3A_225 = vector.shape_cast %broadcast_in_dim3A_116 : vector<16xf32> to vector<16xf32>
    tpu.vector_store %arg6[%swap3A_222], %swap3A_225 {strides = array<i32>} : memref<640xf32, #tpu.memory_space<vmem>>, vector<16xf32>,
    %swap3A_226 = arith.constant 304 : index
    %swap3A_227 = tpu.vector_load %arg6[%swap3A_226] {strides = array<i32>} : memref<640xf32, #tpu.memory_space<vmem>>, vector<16xf32>,
    %swap3A_228 = vector.shape_cast %swap3A_227 : vector<16xf32> to vector<16xf32>
    %swap3A_229 = vector.shape_cast %broadcast_in_dim3A_116 : vector<16xf32> to vector<16xf32>
    tpu.vector_store %arg6[%swap3A_226], %swap3A_229 {strides = array<i32>} : memref<640xf32, #tpu.memory_space<vmem>>, vector<16xf32>,
    %swap3A_230 = arith.constant 320 : index
    %swap3A_231 = tpu.vector_load %arg6[%swap3A_230] {strides = array<i32>} : memref<640xf32, #tpu.memory_space<vmem>>, vector<16xf32>,
    %swap3A_232 = vector.shape_cast %swap3A_231 : vector<16xf32> to vector<16xf32>
    %swap3A_233 = vector.shape_cast %broadcast_in_dim3A_116 : vector<16xf32> to vector<16xf32>
    tpu.vector_store %arg6[%swap3A_230], %swap3A_233 {strides = array<i32>} : memref<640xf32, #tpu.memory_space<vmem>>, vector<16xf32>,
    %swap3A_234 = arith.constant 336 : index
    %swap3A_235 = tpu.vector_load %arg6[%swap3A_234] {strides = array<i32>} : memref<640xf32, #tpu.memory_space<vmem>>, vector<16xf32>,
    %swap3A_236 = vector.shape_cast %swap3A_235 : vector<16xf32> to vector<16xf32>
    %swap3A_237 = vector.shape_cast %broadcast_in_dim3A_116 : vector<16xf32> to vector<16xf32>
    tpu.vector_store %arg6[%swap3A_234], %swap3A_237 {strides = array<i32>} : memref<640xf32, #tpu.memory_space<vmem>>, vector<16xf32>,
    %swap3A_238 = arith.constant 352 : index
    %swap3A_239 = tpu.vector_load %arg6[%swap3A_238] {strides = array<i32>} : memref<640xf32, #tpu.memory_space<vmem>>, vector<16xf32>,
    %swap3A_240 = vector.shape_cast %swap3A_239 : vector<16xf32> to vector<16xf32>
    %swap3A_241 = vector.shape_cast %broadcast_in_dim3A_116 : vector<16xf32> to vector<16xf32>
    tpu.vector_store %arg6[%swap3A_238], %swap3A_241 {strides = array<i32>} : memref<640xf32, #tpu.memory_space<vmem>>, vector<16xf32>,
    %swap3A_242 = arith.constant 368 : index
    %swap3A_243 = tpu.vector_load %arg6[%swap3A_242] {strides = array<i32>} : memref<640xf32, #tpu.memory_space<vmem>>, vector<16xf32>,
    %swap3A_244 = vector.shape_cast %swap3A_243 : vector<16xf32> to vector<16xf32>
    %swap3A_245 = vector.shape_cast %broadcast_in_dim3A_116 : vector<16xf32> to vector<16xf32>
    tpu.vector_store %arg6[%swap3A_242], %swap3A_245 {strides = array<i32>} : memref<640xf32, #tpu.memory_space<vmem>>, vector<16xf32>,
    %swap3A_246 = arith.constant 384 : index
    %swap3A_247 = tpu.vector_load %arg6[%swap3A_246] {strides = array<i32>} : memref<640xf32, #tpu.memory_space<vmem>>, vector<16xf32>,
    %swap3A_248 = vector.shape_cast %swap3A_247 : vector<16xf32> to vector<16xf32>
    %swap3A_249 = vector.shape_cast %broadcast_in_dim3A_116 : vector<16xf32> to vector<16xf32>
    tpu.vector_store %arg6[%swap3A_246], %swap3A_249 {strides = array<i32>} : memref<640xf32, #tpu.memory_space<vmem>>, vector<16xf32>,
    %swap3A_250 = arith.constant 400 : index
    %swap3A_251 = tpu.vector_load %arg6[%swap3A_250] {strides = array<i32>} : memref<640xf32, #tpu.memory_space<vmem>>, vector<16xf32>,
    %swap3A_252 = vector.shape_cast %swap3A_251 : vector<16xf32> to vector<16xf32>
    %swap3A_253 = vector.shape_cast %broadcast_in_dim3A_116 : vector<16xf32> to vector<16xf32>
    tpu.vector_store %arg6[%swap3A_250], %swap3A_253 {strides = array<i32>} : memref<640xf32, #tpu.memory_space<vmem>>, vector<16xf32>,
    %swap3A_254 = arith.constant 416 : index
    %swap3A_255 = tpu.vector_load %arg6[%swap3A_254] {strides = array<i32>} : memref<640xf32, #tpu.memory_space<vmem>>, vector<16xf32>,
    %swap3A_256 = vector.shape_cast %swap3A_255 : vector<16xf32> to vector<16xf32>
    %swap3A_257 = vector.shape_cast %broadcast_in_dim3A_116 : vector<16xf32> to vector<16xf32>
    tpu.vector_store %arg6[%swap3A_254], %swap3A_257 {strides = array<i32>} : memref<640xf32, #tpu.memory_space<vmem>>, vector<16xf32>,
    %swap3A_258 = arith.constant 432 : index
    %swap3A_259 = tpu.vector_load %arg6[%swap3A_258] {strides = array<i32>} : memref<640xf32, #tpu.memory_space<vmem>>, vector<16xf32>,
    %swap3A_260 = vector.shape_cast %swap3A_259 : vector<16xf32> to vector<16xf32>
    %swap3A_261 = vector.shape_cast %broadcast_in_dim3A_116 : vector<16xf32> to vector<16xf32>
    tpu.vector_store %arg6[%swap3A_258], %swap3A_261 {strides = array<i32>} : memref<640xf32, #tpu.memory_space<vmem>>, vector<16xf32>,
    %swap3A_262 = arith.constant 448 : index
    %swap3A_263 = tpu.vector_load %arg6[%swap3A_262] {strides = array<i32>} : memref<640xf32, #tpu.memory_space<vmem>>, vector<16xf32>,
    %swap3A_264 = vector.shape_cast %swap3A_263 : vector<16xf32> to vector<16xf32>
    %swap3A_265 = vector.shape_cast %broadcast_in_dim3A_116 : vector<16xf32> to vector<16xf32>
    tpu.vector_store %arg6[%swap3A_262], %swap3A_265 {strides = array<i32>} : memref<640xf32, #tpu.memory_space<vmem>>, vector<16xf32>,
    %swap3A_266 = arith.constant 464 : index
    %swap3A_267 = tpu.vector_load %arg6[%swap3A_266] {strides = array<i32>} : memref<640xf32, #tpu.memory_space<vmem>>, vector<16xf32>,
    %swap3A_268 = vector.shape_cast %swap3A_267 : vector<16xf32> to vector<16xf32>
    %swap3A_269 = vector.shape_cast %broadcast_in_dim3A_116 : vector<16xf32> to vector<16xf32>
    tpu.vector_store %arg6[%swap3A_266], %swap3A_269 {strides = array<i32>} : memref<640xf32, #tpu.memory_space<vmem>>, vector<16xf32>,
    %swap3A_270 = arith.constant 480 : index
    %swap3A_271 = tpu.vector_load %arg6[%swap3A_270] {strides = array<i32>} : memref<640xf32, #tpu.memory_space<vmem>>, vector<16xf32>,
    %swap3A_272 = vector.shape_cast %swap3A_271 : vector<16xf32> to vector<16xf32>
    %swap3A_273 = vector.shape_cast %broadcast_in_dim3A_116 : vector<16xf32> to vector<16xf32>
    tpu.vector_store %arg6[%swap3A_270], %swap3A_273 {strides = array<i32>} : memref<640xf32, #tpu.memory_space<vmem>>, vector<16xf32>,
    %swap3A_274 = arith.constant 496 : index
    %swap3A_275 = tpu.vector_load %arg6[%swap3A_274] {strides = array<i32>} : memref<640xf32, #tpu.memory_space<vmem>>, vector<16xf32>,
    %swap3A_276 = vector.shape_cast %swap3A_275 : vector<16xf32> to vector<16xf32>
    %swap3A_277 = vector.shape_cast %broadcast_in_dim3A_116 : vector<16xf32> to vector<16xf32>
    tpu.vector_store %arg6[%swap3A_274], %swap3A_277 {strides = array<i32>} : memref<640xf32, #tpu.memory_space<vmem>>, vector<16xf32>,
    %swap3A_278 = arith.constant 512 : index
    %swap3A_279 = tpu.vector_load %arg6[%swap3A_278] {strides = array<i32>} : memref<640xf32, #tpu.memory_space<vmem>>, vector<16xf32>,
    %swap3A_280 = vector.shape_cast %swap3A_279 : vector<16xf32> to vector<16xf32>
    %swap3A_281 = vector.shape_cast %broadcast_in_dim3A_116 : vector<16xf32> to vector<16xf32>
    tpu.vector_store %arg6[%swap3A_278], %swap3A_281 {strides = array<i32>} : memref<640xf32, #tpu.memory_space<vmem>>, vector<16xf32>,
    %swap3A_282 = arith.constant 528 : index
    %swap3A_283 = tpu.vector_load %arg6[%swap3A_282] {strides = array<i32>} : memref<640xf32, #tpu.memory_space<vmem>>, vector<16xf32>,
    %swap3A_284 = vector.shape_cast %swap3A_283 : vector<16xf32> to vector<16xf32>
    %swap3A_285 = vector.shape_cast %broadcast_in_dim3A_116 : vector<16xf32> to vector<16xf32>
    tpu.vector_store %arg6[%swap3A_282], %swap3A_285 {strides = array<i32>} : memref<640xf32, #tpu.memory_space<vmem>>, vector<16xf32>,
    %swap3A_286 = arith.constant 544 : index
    %swap3A_287 = tpu.vector_load %arg6[%swap3A_286] {strides = array<i32>} : memref<640xf32, #tpu.memory_space<vmem>>, vector<16xf32>,
    %swap3A_288 = vector.shape_cast %swap3A_287 : vector<16xf32> to vector<16xf32>
    %swap3A_289 = vector.shape_cast %broadcast_in_dim3A_116 : vector<16xf32> to vector<16xf32>
    tpu.vector_store %arg6[%swap3A_286], %swap3A_289 {strides = array<i32>} : memref<640xf32, #tpu.memory_space<vmem>>, vector<16xf32>,
    %swap3A_290 = arith.constant 560 : index
    %swap3A_291 = tpu.vector_load %arg6[%swap3A_290] {strides = array<i32>} : memref<640xf32, #tpu.memory_space<vmem>>, vector<16xf32>,
    %swap3A_292 = vector.shape_cast %swap3A_291 : vector<16xf32> to vector<16xf32>
    %swap3A_293 = vector.shape_cast %broadcast_in_dim3A_116 : vector<16xf32> to vector<16xf32>
    tpu.vector_store %arg6[%swap3A_290], %swap3A_293 {strides = array<i32>} : memref<640xf32, #tpu.memory_space<vmem>>, vector<16xf32>,
    %swap3A_294 = arith.constant 576 : index
    %swap3A_295 = tpu.vector_load %arg6[%swap3A_294] {strides = array<i32>} : memref<640xf32, #tpu.memory_space<vmem>>, vector<16xf32>,
    %swap3A_296 = vector.shape_cast %swap3A_295 : vector<16xf32> to vector<16xf32>
    %swap3A_297 = vector.shape_cast %broadcast_in_dim3A_116 : vector<16xf32> to vector<16xf32>
    tpu.vector_store %arg6[%swap3A_294], %swap3A_297 {strides = array<i32>} : memref<640xf32, #tpu.memory_space<vmem>>, vector<16xf32>,
    %swap3A_298 = arith.constant 592 : index
    %swap3A_299 = tpu.vector_load %arg6[%swap3A_298] {strides = array<i32>} : memref<640xf32, #tpu.memory_space<vmem>>, vector<16xf32>,
    %swap3A_300 = vector.shape_cast %swap3A_299 : vector<16xf32> to vector<16xf32>
    %swap3A_301 = vector.shape_cast %broadcast_in_dim3A_116 : vector<16xf32> to vector<16xf32>
    tpu.vector_store %arg6[%swap3A_298], %swap3A_301 {strides = array<i32>} : memref<640xf32, #tpu.memory_space<vmem>>, vector<16xf32>,
    %swap3A_302 = arith.constant 608 : index
    %swap3A_303 = tpu.vector_load %arg6[%swap3A_302] {strides = array<i32>} : memref<640xf32, #tpu.memory_space<vmem>>, vector<16xf32>,
    %swap3A_304 = vector.shape_cast %swap3A_303 : vector<16xf32> to vector<16xf32>
    %swap3A_305 = vector.shape_cast %broadcast_in_dim3A_116 : vector<16xf32> to vector<16xf32>
    tpu.vector_store %arg6[%swap3A_302], %swap3A_305 {strides = array<i32>} : memref<640xf32, #tpu.memory_space<vmem>>, vector<16xf32>,
    %swap3A_306 = arith.constant 624 : index
    %swap3A_307 = tpu.vector_load %arg6[%swap3A_306] {strides = array<i32>} : memref<640xf32, #tpu.memory_space<vmem>>, vector<16xf32>,
    %swap3A_308 = vector.shape_cast %swap3A_307 : vector<16xf32> to vector<16xf32>
    %swap3A_309 = vector.shape_cast %broadcast_in_dim3A_116 : vector<16xf32> to vector<16xf32>
    tpu.vector_store %arg6[%swap3A_306], %swap3A_309 {strides = array<i32>} : memref<640xf32, #tpu.memory_space<vmem>>, vector<16xf32>,
    %mul3A_310 = arith.constant 640 : i32
    %mul3A_311 = arith.muli %arg1, %mul3A_310 : i32
    "tpu.region"() ({
      %run_scoped3A = tpu.sem_alloc : memref<!tpu.dma_semaphore, #tpu.memory_space<semaphore_mem>>
      %dma_start3A_334 = tpu.memref_slice %arg7[%mul3A_311] : memref<10240xf32, #tpu.memory_space<vmem_shared>> -> memref<640xf32, #tpu.memory_space<vmem_shared>>
      %dma_start3A_335 = tpu.memref_slice %arg7[%mul3A_311] : memref<10240xf32, #tpu.memory_space<vmem_shared>> -> memref<640xf32, #tpu.memory_space<vmem_shared>>
      tpu.enqueue_dma source(%arg6 : memref<640xf32, #tpu.memory_space<vmem>>) target(%dma_start3A_335 : memref<640xf32, #tpu.memory_space<vmem_shared>>) target_semaphore(%run_scoped3A : memref<!tpu.dma_semaphore, #tpu.memory_space<semaphore_mem>>)
      %dma_wait3A = tpu.memref_slice %arg7[%mul3A_311] : memref<10240xf32, #tpu.memory_space<vmem_shared>> -> memref<640xf32, #tpu.memory_space<vmem_shared>>
      %dma_wait3A_336 = tpu.memref_slice %arg7[%mul3A_311] : memref<10240xf32, #tpu.memory_space<vmem_shared>> -> memref<640xf32, #tpu.memory_space<vmem_shared>>
      tpu.wait_dma2 semaphore(%run_scoped3A : memref<!tpu.dma_semaphore, #tpu.memory_space<semaphore_mem>>) src(%arg6 : memref<640xf32, #tpu.memory_space<vmem>>) dst(%dma_wait3A_336 : memref<640xf32, #tpu.memory_space<vmem_shared>>)
      tpu.yield
    }) : () -> ()
    %barrier3A = arith.constant 0 : index
    tpu.barrier barrier_id(%barrier3A)
    %while3A = arith.constant 0 : i32
    %while3A_312 = arith.constant 0 : i32
    %while3A_313 = arith.subi %select_n3A, %while3A_312 : i32
    %while3A_314 = arith.addi %while3A_312, %while3A_313 : i32
    %while3A_315 = arith.constant 1 : i32
    %while3A_316 = arith.divsi %while3A_313, %while3A_315 : i32
    %while3A_317 = arith.muli %while3A_316, %while3A_315 : i32
    %while3A_318 = arith.addi %while3A_312, %while3A_317 : i32
    %while3A_319 = arith.constant 1 : i32
    scf.for %while3A_334 = %while3A_312 to %while3A_318 step %while3A_319  : i32 {
      %rem3A = arith.constant 16 : i32
      %rem3A_335 = arith.remsi %while3A_334, %rem3A : i32
      %ge3A = arith.constant 8 : i32
      %ge3A_336 = arith.cmpi sge, %while3A_334, %ge3A : i32
      %convert_element_type3A = arith.extui %ge3A_336 : i1 to i32
      %cond3A = arith.constant 0 : i32
      %cond3A_337 = arith.cmpi ne, %convert_element_type3A, %cond3A : i32
      scf.if %cond3A_337 {
        %dma_wait3A_361 = arith.constant 0 : i32
        %dma_wait3A_362 = tpu.memref_slice %arg4[%rem3A_335, %dma_wait3A_361] : memref<16x128xi32, #tpu.memory_space<vmem>> -> memref<1x128xi32, #tpu.memory_space<vmem>>
        %dma_wait3A_363 = tpu.memref_squeeze %dma_wait3A_362 : memref<1x128xi32, #tpu.memory_space<vmem>> -> memref<128xi32, #tpu.memory_space<vmem>>
        %dma_wait3A_364 = arith.constant 0 : i32
        %dma_wait3A_365 = tpu.memref_slice %arg7[%dma_wait3A_364] : memref<10240xf32, #tpu.memory_space<vmem_shared>> -> memref<10240xf32, #tpu.memory_space<vmem_shared>>
        tpu.wait_indirect_dma semaphore(%arg9 : memref<!tpu.dma_semaphore, #tpu.memory_space<semaphore_mem>>) src(%arg5 : memref<128xf32, #tpu.memory_space<vmem>>) dst(%dma_wait3A_365 : memref<10240xf32, #tpu.memory_space<vmem_shared>>)
      } else {
      }
      %mul3A_338 = arith.constant 128 : i32
      %mul3A_339 = arith.muli %while3A_334, %mul3A_338 : i32
      %add3A_340 = arith.addi %mul3A_4, %mul3A_339 : i32
      %dma_wait3A = arith.constant 1 : i32
      %dma_wait3A_341 = arith.constant 0 : i32
      %dma_wait3A_342 = tpu.memref_slice %arg4[%rem3A_335, %dma_wait3A_341] : memref<16x128xi32, #tpu.memory_space<vmem>> -> memref<1x128xi32, #tpu.memory_space<vmem>>
      %dma_wait3A_343 = tpu.memref_squeeze %dma_wait3A_342 : memref<1x128xi32, #tpu.memory_space<vmem>> -> memref<128xi32, #tpu.memory_space<vmem>>
      %dma_wait3A_344 = tpu.memref_slice %arg2[%dma_wait3A, %add3A_340] : memref<2x320000xi32, #tpu.memory_space<hbm>> -> memref<1x128xi32, #tpu.memory_space<hbm>>
      %dma_wait3A_345 = tpu.memref_squeeze %dma_wait3A_344 : memref<1x128xi32, #tpu.memory_space<hbm>> -> memref<128xi32, #tpu.memory_space<hbm>>
      %dma_wait3A_346 = arith.constant 0 : i32
      %dma_wait3A_347 = tpu.memref_slice %arg4[%rem3A_335, %dma_wait3A_346] : memref<16x128xi32, #tpu.memory_space<vmem>> -> memref<1x128xi32, #tpu.memory_space<vmem>>
      %dma_wait3A_348 = tpu.memref_squeeze %dma_wait3A_347 : memref<1x128xi32, #tpu.memory_space<vmem>> -> memref<128xi32, #tpu.memory_space<vmem>>
      %dma_wait3A_349 = tpu.memref_slice %arg2[%dma_wait3A, %add3A_340] : memref<2x320000xi32, #tpu.memory_space<hbm>> -> memref<1x128xi32, #tpu.memory_space<hbm>>
      %dma_wait3A_350 = tpu.memref_squeeze %dma_wait3A_349 : memref<1x128xi32, #tpu.memory_space<hbm>> -> memref<128xi32, #tpu.memory_space<hbm>>
      tpu.wait_dma2 semaphore(%arg8 : memref<!tpu.dma_semaphore, #tpu.memory_space<semaphore_mem>>) src(%dma_wait3A_350 : memref<128xi32, #tpu.memory_space<hbm>>) dst(%dma_wait3A_348 : memref<128xi32, #tpu.memory_space<vmem>>)
      %dma_start3A_351 = arith.constant 0 : i32
      %dma_start3A_352 = tpu.memref_slice %arg4[%rem3A_335, %dma_start3A_351] : memref<16x128xi32, #tpu.memory_space<vmem>> -> memref<1x128xi32, #tpu.memory_space<vmem>>
      %dma_start3A_353 = tpu.memref_squeeze %dma_start3A_352 : memref<1x128xi32, #tpu.memory_space<vmem>> -> memref<128xi32, #tpu.memory_space<vmem>>
      %dma_start3A_354 = arith.constant 0 : i32
      %dma_start3A_355 = tpu.memref_slice %arg7[%dma_start3A_354] : memref<10240xf32, #tpu.memory_space<vmem_shared>> -> memref<10240xf32, #tpu.memory_space<vmem_shared>>
      tpu.enqueue_indirect_dma source(%arg5 : memref<128xf32, #tpu.memory_space<vmem>>) target(%dma_start3A_355 : memref<10240xf32, #tpu.memory_space<vmem_shared>>) offsets(%dma_start3A_353 : memref<128xi32, #tpu.memory_space<vmem>>) semaphore(%arg9 : memref<!tpu.dma_semaphore, #tpu.memory_space<semaphore_mem>>) {add = true}
      %add3A_356 = arith.constant 8 : i32
      %add3A_357 = arith.addi %while3A_334, %add3A_356 : i32
      %lt3A = arith.cmpi slt, %add3A_357, %select_n3A : i32
      %convert_element_type3A_358 = arith.extui %lt3A : i1 to i32
      %cond3A_359 = arith.constant 0 : i32
      %cond3A_360 = arith.cmpi ne, %convert_element_type3A_358, %cond3A_359 : i32
      scf.if %cond3A_360 {
        %add3A_361 = arith.constant 8 : i32
        %add3A_362 = arith.addi %while3A_334, %add3A_361 : i32
        %rem3A_363 = arith.constant 16 : i32
        %rem3A_364 = arith.remsi %add3A_362, %rem3A_363 : i32
        %add3A_365 = arith.constant 8 : i32
        %add3A_366 = arith.addi %while3A_334, %add3A_365 : i32
        %mul3A_367 = arith.constant 128 : i32
        %mul3A_368 = arith.muli %add3A_366, %mul3A_367 : i32
        %add3A_369 = arith.addi %mul3A_4, %mul3A_368 : i32
        %dma_start3A_370 = arith.constant 1 : i32
        %dma_start3A_371 = arith.constant 0 : i32
        %dma_start3A_372 = tpu.memref_slice %arg4[%rem3A_364, %dma_start3A_371] : memref<16x128xi32, #tpu.memory_space<vmem>> -> memref<1x128xi32, #tpu.memory_space<vmem>>
        %dma_start3A_373 = tpu.memref_squeeze %dma_start3A_372 : memref<1x128xi32, #tpu.memory_space<vmem>> -> memref<128xi32, #tpu.memory_space<vmem>>
        %dma_start3A_374 = tpu.memref_slice %arg2[%dma_start3A_370, %add3A_369] : memref<2x320000xi32, #tpu.memory_space<hbm>> -> memref<1x128xi32, #tpu.memory_space<hbm>>
        %dma_start3A_375 = tpu.memref_squeeze %dma_start3A_374 : memref<1x128xi32, #tpu.memory_space<hbm>> -> memref<128xi32, #tpu.memory_space<hbm>>
        %dma_start3A_376 = arith.constant 0 : i32
        %dma_start3A_377 = tpu.memref_slice %arg4[%rem3A_364, %dma_start3A_376] : memref<16x128xi32, #tpu.memory_space<vmem>> -> memref<1x128xi32, #tpu.memory_space<vmem>>
        %dma_start3A_378 = tpu.memref_squeeze %dma_start3A_377 : memref<1x128xi32, #tpu.memory_space<vmem>> -> memref<128xi32, #tpu.memory_space<vmem>>
        %dma_start3A_379 = tpu.memref_slice %arg2[%dma_start3A_370, %add3A_369] : memref<2x320000xi32, #tpu.memory_space<hbm>> -> memref<1x128xi32, #tpu.memory_space<hbm>>
        %dma_start3A_380 = tpu.memref_squeeze %dma_start3A_379 : memref<1x128xi32, #tpu.memory_space<hbm>> -> memref<128xi32, #tpu.memory_space<hbm>>
        tpu.enqueue_dma source(%dma_start3A_380 : memref<128xi32, #tpu.memory_space<hbm>>) target(%dma_start3A_378 : memref<128xi32, #tpu.memory_space<vmem>>) target_semaphore(%arg8 : memref<!tpu.dma_semaphore, #tpu.memory_space<semaphore_mem>>)
      } else {
      }
    }
    %while3A_320 = arith.constant 1 : i32
    scf.for %while3A_334 = %while3A_318 to %while3A_314 step %while3A_320  : i32 {
      %rem3A = arith.constant 16 : i32
      %rem3A_335 = arith.remsi %while3A_334, %rem3A : i32
      %ge3A = arith.constant 8 : i32
      %ge3A_336 = arith.cmpi sge, %while3A_334, %ge3A : i32
      %convert_element_type3A = arith.extui %ge3A_336 : i1 to i32
      %cond3A = arith.constant 0 : i32
      %cond3A_337 = arith.cmpi ne, %convert_element_type3A, %cond3A : i32
      scf.if %cond3A_337 {
        %dma_wait3A_361 = arith.constant 0 : i32
        %dma_wait3A_362 = tpu.memref_slice %arg4[%rem3A_335, %dma_wait3A_361] : memref<16x128xi32, #tpu.memory_space<vmem>> -> memref<1x128xi32, #tpu.memory_space<vmem>>
        %dma_wait3A_363 = tpu.memref_squeeze %dma_wait3A_362 : memref<1x128xi32, #tpu.memory_space<vmem>> -> memref<128xi32, #tpu.memory_space<vmem>>
        %dma_wait3A_364 = arith.constant 0 : i32
        %dma_wait3A_365 = tpu.memref_slice %arg7[%dma_wait3A_364] : memref<10240xf32, #tpu.memory_space<vmem_shared>> -> memref<10240xf32, #tpu.memory_space<vmem_shared>>
        tpu.wait_indirect_dma semaphore(%arg9 : memref<!tpu.dma_semaphore, #tpu.memory_space<semaphore_mem>>) src(%arg5 : memref<128xf32, #tpu.memory_space<vmem>>) dst(%dma_wait3A_365 : memref<10240xf32, #tpu.memory_space<vmem_shared>>)
      } else {
      }
      %mul3A_338 = arith.constant 128 : i32
      %mul3A_339 = arith.muli %while3A_334, %mul3A_338 : i32
      %add3A_340 = arith.addi %mul3A_4, %mul3A_339 : i32
      %dma_wait3A = arith.constant 1 : i32
      %dma_wait3A_341 = arith.constant 0 : i32
      %dma_wait3A_342 = tpu.memref_slice %arg4[%rem3A_335, %dma_wait3A_341] : memref<16x128xi32, #tpu.memory_space<vmem>> -> memref<1x128xi32, #tpu.memory_space<vmem>>
      %dma_wait3A_343 = tpu.memref_squeeze %dma_wait3A_342 : memref<1x128xi32, #tpu.memory_space<vmem>> -> memref<128xi32, #tpu.memory_space<vmem>>
      %dma_wait3A_344 = tpu.memref_slice %arg2[%dma_wait3A, %add3A_340] : memref<2x320000xi32, #tpu.memory_space<hbm>> -> memref<1x128xi32, #tpu.memory_space<hbm>>
      %dma_wait3A_345 = tpu.memref_squeeze %dma_wait3A_344 : memref<1x128xi32, #tpu.memory_space<hbm>> -> memref<128xi32, #tpu.memory_space<hbm>>
      %dma_wait3A_346 = arith.constant 0 : i32
      %dma_wait3A_347 = tpu.memref_slice %arg4[%rem3A_335, %dma_wait3A_346] : memref<16x128xi32, #tpu.memory_space<vmem>> -> memref<1x128xi32, #tpu.memory_space<vmem>>
      %dma_wait3A_348 = tpu.memref_squeeze %dma_wait3A_347 : memref<1x128xi32, #tpu.memory_space<vmem>> -> memref<128xi32, #tpu.memory_space<vmem>>
      %dma_wait3A_349 = tpu.memref_slice %arg2[%dma_wait3A, %add3A_340] : memref<2x320000xi32, #tpu.memory_space<hbm>> -> memref<1x128xi32, #tpu.memory_space<hbm>>
      %dma_wait3A_350 = tpu.memref_squeeze %dma_wait3A_349 : memref<1x128xi32, #tpu.memory_space<hbm>> -> memref<128xi32, #tpu.memory_space<hbm>>
      tpu.wait_dma2 semaphore(%arg8 : memref<!tpu.dma_semaphore, #tpu.memory_space<semaphore_mem>>) src(%dma_wait3A_350 : memref<128xi32, #tpu.memory_space<hbm>>) dst(%dma_wait3A_348 : memref<128xi32, #tpu.memory_space<vmem>>)
      %dma_start3A_351 = arith.constant 0 : i32
      %dma_start3A_352 = tpu.memref_slice %arg4[%rem3A_335, %dma_start3A_351] : memref<16x128xi32, #tpu.memory_space<vmem>> -> memref<1x128xi32, #tpu.memory_space<vmem>>
      %dma_start3A_353 = tpu.memref_squeeze %dma_start3A_352 : memref<1x128xi32, #tpu.memory_space<vmem>> -> memref<128xi32, #tpu.memory_space<vmem>>
      %dma_start3A_354 = arith.constant 0 : i32
      %dma_start3A_355 = tpu.memref_slice %arg7[%dma_start3A_354] : memref<10240xf32, #tpu.memory_space<vmem_shared>> -> memref<10240xf32, #tpu.memory_space<vmem_shared>>
      tpu.enqueue_indirect_dma source(%arg5 : memref<128xf32, #tpu.memory_space<vmem>>) target(%dma_start3A_355 : memref<10240xf32, #tpu.memory_space<vmem_shared>>) offsets(%dma_start3A_353 : memref<128xi32, #tpu.memory_space<vmem>>) semaphore(%arg9 : memref<!tpu.dma_semaphore, #tpu.memory_space<semaphore_mem>>) {add = true}
      %add3A_356 = arith.constant 8 : i32
      %add3A_357 = arith.addi %while3A_334, %add3A_356 : i32
      %lt3A = arith.cmpi slt, %add3A_357, %select_n3A : i32
      %convert_element_type3A_358 = arith.extui %lt3A : i1 to i32
      %cond3A_359 = arith.constant 0 : i32
      %cond3A_360 = arith.cmpi ne, %convert_element_type3A_358, %cond3A_359 : i32
      scf.if %cond3A_360 {
        %add3A_361 = arith.constant 8 : i32
        %add3A_362 = arith.addi %while3A_334, %add3A_361 : i32
        %rem3A_363 = arith.constant 16 : i32
        %rem3A_364 = arith.remsi %add3A_362, %rem3A_363 : i32
        %add3A_365 = arith.constant 8 : i32
        %add3A_366 = arith.addi %while3A_334, %add3A_365 : i32
        %mul3A_367 = arith.constant 128 : i32
        %mul3A_368 = arith.muli %add3A_366, %mul3A_367 : i32
        %add3A_369 = arith.addi %mul3A_4, %mul3A_368 : i32
        %dma_start3A_370 = arith.constant 1 : i32
        %dma_start3A_371 = arith.constant 0 : i32
        %dma_start3A_372 = tpu.memref_slice %arg4[%rem3A_364, %dma_start3A_371] : memref<16x128xi32, #tpu.memory_space<vmem>> -> memref<1x128xi32, #tpu.memory_space<vmem>>
        %dma_start3A_373 = tpu.memref_squeeze %dma_start3A_372 : memref<1x128xi32, #tpu.memory_space<vmem>> -> memref<128xi32, #tpu.memory_space<vmem>>
        %dma_start3A_374 = tpu.memref_slice %arg2[%dma_start3A_370, %add3A_369] : memref<2x320000xi32, #tpu.memory_space<hbm>> -> memref<1x128xi32, #tpu.memory_space<hbm>>
        %dma_start3A_375 = tpu.memref_squeeze %dma_start3A_374 : memref<1x128xi32, #tpu.memory_space<hbm>> -> memref<128xi32, #tpu.memory_space<hbm>>
        %dma_start3A_376 = arith.constant 0 : i32
        %dma_start3A_377 = tpu.memref_slice %arg4[%rem3A_364, %dma_start3A_376] : memref<16x128xi32, #tpu.memory_space<vmem>> -> memref<1x128xi32, #tpu.memory_space<vmem>>
        %dma_start3A_378 = tpu.memref_squeeze %dma_start3A_377 : memref<1x128xi32, #tpu.memory_space<vmem>> -> memref<128xi32, #tpu.memory_space<vmem>>
        %dma_start3A_379 = tpu.memref_slice %arg2[%dma_start3A_370, %add3A_369] : memref<2x320000xi32, #tpu.memory_space<hbm>> -> memref<1x128xi32, #tpu.memory_space<hbm>>
        %dma_start3A_380 = tpu.memref_squeeze %dma_start3A_379 : memref<1x128xi32, #tpu.memory_space<hbm>> -> memref<128xi32, #tpu.memory_space<hbm>>
        tpu.enqueue_dma source(%dma_start3A_380 : memref<128xi32, #tpu.memory_space<hbm>>) target(%dma_start3A_378 : memref<128xi32, #tpu.memory_space<vmem>>) target_semaphore(%arg8 : memref<!tpu.dma_semaphore, #tpu.memory_space<semaphore_mem>>)
      } else {
      }
    }
    %scan3A = arith.constant 0 : i32
    %scan3A_321 = arith.constant 0 : i32
    %scan3A_322 = arith.constant 8 : i32
    %scan3A_323 = arith.addi %scan3A_321, %scan3A_322 : i32
    %scan3A_324 = arith.constant 1 : i32
    scf.for %scan3A_334 = %scan3A_321 to %scan3A_323 step %scan3A_324  : i32 {
      %dma_wait3A = arith.constant 0 : i32
      %dma_wait3A_335 = arith.constant 0 : i32
      %dma_wait3A_336 = tpu.memref_slice %arg4[%dma_wait3A, %dma_wait3A_335] : memref<16x128xi32, #tpu.memory_space<vmem>> -> memref<1x128xi32, #tpu.memory_space<vmem>>
      %dma_wait3A_337 = tpu.memref_squeeze %dma_wait3A_336 : memref<1x128xi32, #tpu.memory_space<vmem>> -> memref<128xi32, #tpu.memory_space<vmem>>
      %dma_wait3A_338 = arith.constant 0 : i32
      %dma_wait3A_339 = tpu.memref_slice %arg7[%dma_wait3A_338] : memref<10240xf32, #tpu.memory_space<vmem_shared>> -> memref<10240xf32, #tpu.memory_space<vmem_shared>>
      tpu.wait_indirect_dma semaphore(%arg9 : memref<!tpu.dma_semaphore, #tpu.memory_space<semaphore_mem>>) src(%arg5 : memref<128xf32, #tpu.memory_space<vmem>>) dst(%dma_wait3A_339 : memref<10240xf32, #tpu.memory_space<vmem_shared>>)
    }
    %scan3A_325 = arith.constant 8 : i32
    %barrier3A_326 = arith.constant 0 : index
    tpu.barrier barrier_id(%barrier3A_326)
    %mul3A_327 = arith.constant 640 : i32
    %mul3A_328 = arith.muli %arg1, %mul3A_327 : i32
    %mul3A_329 = arith.constant 10240 : i32
    %mul3A_330 = arith.muli %arg0, %mul3A_329 : i32
    %mul3A_331 = arith.constant 640 : i32
    %mul3A_332 = arith.muli %arg1, %mul3A_331 : i32
    %add3A_333 = arith.addi %mul3A_330, %mul3A_332 : i32
    "tpu.region"() ({
      %run_scoped3A = tpu.sem_alloc : memref<!tpu.dma_semaphore, #tpu.memory_space<semaphore_mem>>
      %dma_start3A_334 = tpu.memref_slice %arg3[%add3A_333] : memref<20480xf32, #tpu.memory_space<hbm>> -> memref<640xf32, #tpu.memory_space<hbm>>
      %dma_start3A_335 = tpu.memref_slice %arg7[%mul3A_328] : memref<10240xf32, #tpu.memory_space<vmem_shared>> -> memref<640xf32, #tpu.memory_space<vmem_shared>>
      tpu.enqueue_dma source(%dma_start3A_335 : memref<640xf32, #tpu.memory_space<vmem_shared>>) target(%dma_start3A_334 : memref<640xf32, #tpu.memory_space<hbm>>) target_semaphore(%run_scoped3A : memref<!tpu.dma_semaphore, #tpu.memory_space<semaphore_mem>>)
      %dma_wait3A = tpu.memref_slice %arg3[%add3A_333] : memref<20480xf32, #tpu.memory_space<hbm>> -> memref<640xf32, #tpu.memory_space<hbm>>
      %dma_wait3A_336 = tpu.memref_slice %arg7[%mul3A_328] : memref<10240xf32, #tpu.memory_space<vmem_shared>> -> memref<640xf32, #tpu.memory_space<vmem_shared>>
      tpu.wait_dma2 semaphore(%run_scoped3A : memref<!tpu.dma_semaphore, #tpu.memory_space<semaphore_mem>>) src(%dma_wait3A_336 : memref<640xf32, #tpu.memory_space<vmem_shared>>) dst(%dma_wait3A : memref<640xf32, #tpu.memory_space<hbm>>)
      tpu.yield
    }) : () -> ()
    return
  }
}

module attributes {stable_mosaic.version = 14 : i64} {
  func.func @_lin_body(%arg0: memref<10000x128xf32, #tpu.memory_space<vmem>>, %arg1: memref<128x128xf32, #tpu.memory_space<vmem>>, %arg2: memref<20480xf32, #tpu.memory_space<vmem>>, %arg3: memref<10000x128xf32, #tpu.memory_space<vmem>>, %arg4: memref<10240xf32, #tpu.memory_space<vmem>>) attributes {dimension_semantics = [], scalar_prefetch = 0 : i64, scratch_operands = 0 : i64, tpu.core_type = #tpu.core_type<tc>} {
    %get3A = arith.constant 0 : index
    %get3A_0 = vector.load %arg2[%get3A] : memref<20480xf32, #tpu.memory_space<vmem>>, vector<10240xf32>
    %get3A_1 = arith.constant 10240 : index
    %get3A_2 = vector.load %arg2[%get3A_1] : memref<20480xf32, #tpu.memory_space<vmem>>, vector<10240xf32>
    %add3A = arith.addf %get3A_0, %get3A_2 : vector<10240xf32>
    %gt3A = arith.constant 0.000000e+00 : f32
    %gt3A_3 = vector.broadcast %gt3A : f32 to vector<10240xf32>
    %gt3A_4 = arith.cmpf ogt, %add3A, %gt3A_3 : vector<10240xf32>
    %rsqrt3A = math.rsqrt %add3A : vector<10240xf32>
    %jit3A = arith.constant 0.000000e+00 : f32
    %broadcast_in_dim3A = vector.broadcast %jit3A : f32 to vector<10240xf32>
    %select_n3A = arith.select %gt3A_4, %rsqrt3A, %broadcast_in_dim3A : vector<10240xi1>, vector<10240xf32>
    %swap3A = arith.constant 0 : index
    %swap3A_5 = vector.load %arg4[%swap3A] : memref<10240xf32, #tpu.memory_space<vmem>>, vector<10240xf32>
    tpu.vector_store %arg4[%swap3A], %select_n3A {strides = array<i32>} : memref<10240xf32, #tpu.memory_space<vmem>>, vector<10240xf32>,
    %get3A_6 = arith.constant 0 : index
    %get3A_7 = arith.constant 0 : index
    %get3A_8 = vector.load %arg0[%get3A_6, %get3A_7] : memref<10000x128xf32, #tpu.memory_space<vmem>>, vector<10000x128xf32>
    %get3A_9 = arith.constant 0 : index
    %get3A_10 = arith.constant 0 : index
    %get3A_11 = vector.load %arg1[%get3A_9, %get3A_10] : memref<128x128xf32, #tpu.memory_space<vmem>>, vector<128x128xf32>
    %dot_general3A = arith.constant dense<0.000000e+00> : vector<10000x128xf32>
    %dot_general3A_12 = tpu.matmul %get3A_8, %get3A_11, %dot_general3A {dimension_numbers = #tpu.dot_dimension_numbers<[1], [1], [0], [0], [0, 0, 1, 0], [], []>, transpose_lhs_hint = false} : vector<10000x128xf32>, vector<128x128xf32>, vector<10000x128xf32> -> vector<10000x128xf32>
    %slice3A = vector.extract_strided_slice %select_n3A {offsets = [0], sizes = [10000], strides = [1]} : vector<10240xf32> to vector<10000xf32>
    %broadcast_in_dim3A_13 = vector.shape_cast %slice3A : vector<10000xf32> to vector<10000x1xf32>
    %mul3A = vector.broadcast %broadcast_in_dim3A_13 : vector<10000x1xf32> to vector<10000x128xf32>
    %mul3A_14 = arith.mulf %dot_general3A_12, %mul3A : vector<10000x128xf32>
    %swap3A_15 = arith.constant 0 : index
    %swap3A_16 = arith.constant 0 : index
    %swap3A_17 = vector.load %arg3[%swap3A_15, %swap3A_16] : memref<10000x128xf32, #tpu.memory_space<vmem>>, vector<10000x128xf32>
    tpu.vector_store %arg3[%swap3A_15, %swap3A_16], %mul3A_14 {strides = array<i32>} : memref<10000x128xf32, #tpu.memory_space<vmem>>, vector<10000x128xf32>,
    return
  }
}

module attributes {stable_mosaic.version = 14 : i64} {
  func.func @_bn_body(%arg0: memref<20480x128xf32, #tpu.memory_space<vmem>>, %arg1: memref<10240xf32, #tpu.memory_space<vmem>>, %arg2: memref<128xf32, #tpu.memory_space<vmem>>, %arg3: memref<128xf32, #tpu.memory_space<vmem>>, %arg4: memref<128xf32, #tpu.memory_space<vmem>>, %arg5: memref<10000x128xf32, #tpu.memory_space<vmem>>, %arg6: memref<10000x128xf32, #tpu.memory_space<vmem>>) attributes {dimension_semantics = [], scalar_prefetch = 0 : i64, scratch_operands = 0 : i64, tpu.core_type = #tpu.core_type<tc>} {
    %get3A = arith.constant 0 : index
    %get3A_0 = arith.constant 0 : index
    %get3A_1 = vector.load %arg0[%get3A, %get3A_0] : memref<20480x128xf32, #tpu.memory_space<vmem>>, vector<10000x128xf32>
    %get3A_2 = arith.constant 10240 : index
    %get3A_3 = arith.constant 0 : index
    %get3A_4 = vector.load %arg0[%get3A_2, %get3A_3] : memref<20480x128xf32, #tpu.memory_space<vmem>>, vector<10000x128xf32>
    %add3A = arith.addf %get3A_1, %get3A_4 : vector<10000x128xf32>
    %get3A_5 = arith.constant 0 : index
    %get3A_6 = vector.load %arg1[%get3A_5] : memref<10240xf32, #tpu.memory_space<vmem>>, vector<10000xf32>
    %broadcast_in_dim3A = vector.shape_cast %get3A_6 : vector<10000xf32> to vector<10000x1xf32>
    %mul3A = vector.broadcast %broadcast_in_dim3A : vector<10000x1xf32> to vector<10000x128xf32>
    %mul3A_7 = arith.mulf %add3A, %mul3A : vector<10000x128xf32>
    %get3A_8 = arith.constant 0 : index
    %get3A_9 = vector.load %arg2[%get3A_8] : memref<128xf32, #tpu.memory_space<vmem>>, vector<128xf32>
    %broadcast_in_dim3A_10 = vector.shape_cast %get3A_9 : vector<128xf32> to vector<1x128xf32>
    %add3A_11 = vector.broadcast %broadcast_in_dim3A_10 : vector<1x128xf32> to vector<10000x128xf32>
    %add3A_12 = arith.addf %mul3A_7, %add3A_11 : vector<10000x128xf32>
    %broadcast_in_dim3A_13 = arith.constant 1.000000e+00 : f32
    %broadcast_in_dim3A_14 = vector.broadcast %broadcast_in_dim3A_13 : f32 to vector<1x10000xf32>
    %dot_general3A = arith.constant dense<0.000000e+00> : vector<1x128xf32>
    %dot_general3A_15 = tpu.matmul %broadcast_in_dim3A_14, %add3A_12, %dot_general3A {dimension_numbers = #tpu.dot_dimension_numbers<[1], [0], [0], [1], [0, 0, 1, 1], [], []>, transpose_lhs_hint = false} : vector<1x10000xf32>, vector<10000x128xf32>, vector<1x128xf32> -> vector<1x128xf32>
    %mul3A_16 = arith.constant 9.99999974E-5 : f32
    %mul3A_17 = vector.broadcast %mul3A_16 : f32 to vector<1x128xf32>
    %mul3A_18 = arith.mulf %dot_general3A_15, %mul3A_17 : vector<1x128xf32>
    %mul3A_19 = arith.mulf %add3A_12, %add3A_12 : vector<10000x128xf32>
    %dot_general3A_20 = arith.constant dense<0.000000e+00> : vector<1x128xf32>
    %dot_general3A_21 = tpu.matmul %broadcast_in_dim3A_14, %mul3A_19, %dot_general3A_20 {dimension_numbers = #tpu.dot_dimension_numbers<[1], [0], [0], [1], [0, 0, 1, 1], [], []>, transpose_lhs_hint = false} : vector<1x10000xf32>, vector<10000x128xf32>, vector<1x128xf32> -> vector<1x128xf32>
    %mul3A_22 = arith.constant 9.99999974E-5 : f32
    %mul3A_23 = vector.broadcast %mul3A_22 : f32 to vector<1x128xf32>
    %mul3A_24 = arith.mulf %dot_general3A_21, %mul3A_23 : vector<1x128xf32>
    %mul3A_25 = arith.mulf %mul3A_18, %mul3A_18 : vector<1x128xf32>
    %sub3A = arith.subf %mul3A_24, %mul3A_25 : vector<1x128xf32>
    %sub3A_26 = vector.broadcast %mul3A_18 : vector<1x128xf32> to vector<10000x128xf32>
    %sub3A_27 = arith.subf %add3A_12, %sub3A_26 : vector<10000x128xf32>
    %add3A_28 = arith.constant 9.99999974E-6 : f32
    %add3A_29 = vector.broadcast %add3A_28 : f32 to vector<1x128xf32>
    %add3A_30 = arith.addf %sub3A, %add3A_29 : vector<1x128xf32>
    %rsqrt3A = math.rsqrt %add3A_30 : vector<1x128xf32>
    %get3A_31 = arith.constant 0 : index
    %get3A_32 = vector.load %arg3[%get3A_31] : memref<128xf32, #tpu.memory_space<vmem>>, vector<128xf32>
    %broadcast_in_dim3A_33 = vector.shape_cast %get3A_32 : vector<128xf32> to vector<1x128xf32>
    %mul3A_34 = arith.mulf %rsqrt3A, %broadcast_in_dim3A_33 : vector<1x128xf32>
    %mul3A_35 = vector.broadcast %mul3A_34 : vector<1x128xf32> to vector<10000x128xf32>
    %mul3A_36 = arith.mulf %sub3A_27, %mul3A_35 : vector<10000x128xf32>
    %get3A_37 = arith.constant 0 : index
    %get3A_38 = vector.load %arg4[%get3A_37] : memref<128xf32, #tpu.memory_space<vmem>>, vector<128xf32>
    %broadcast_in_dim3A_39 = vector.shape_cast %get3A_38 : vector<128xf32> to vector<1x128xf32>
    %add3A_40 = vector.broadcast %broadcast_in_dim3A_39 : vector<1x128xf32> to vector<10000x128xf32>
    %add3A_41 = arith.addf %mul3A_36, %add3A_40 : vector<10000x128xf32>
    %get3A_42 = arith.constant 0 : index
    %get3A_43 = arith.constant 0 : index
    %get3A_44 = vector.load %arg5[%get3A_42, %get3A_43] : memref<10000x128xf32, #tpu.memory_space<vmem>>, vector<10000x128xf32>
    %add3A_45 = arith.addf %add3A_41, %get3A_44 : vector<10000x128xf32>
    %swap3A = arith.constant 0 : index
    %swap3A_46 = arith.constant 0 : index
    %swap3A_47 = vector.load %arg6[%swap3A, %swap3A_46] : memref<10000x128xf32, #tpu.memory_space<vmem>>, vector<10000x128xf32>
    tpu.vector_store %arg6[%swap3A, %swap3A_46], %add3A_45 {strides = array<i32>} : memref<10000x128xf32, #tpu.memory_space<vmem>>, vector<10000x128xf32>,
    return
  }
}

</mosaic_0001>

<sc_bundles>
// kernel: kernel.6.cloned.1.call-start
scs
__scs_entry_jumppad:
0x0: {  	(pc) =	sbr.rel $0x88, $3  }
0x1: {  	(tag) =	ssettag $0x0;
	lr =	simm.s32 $0x1  }
0x2: {  	[smem:$0x3F9B] =	sst lr;
	_ =	strace $0xD0000000  }
0x3: {  	_ = 	snop  }
0x4: {  	_ = 	snop  }
0x5: {  	_ = 	snop  }
0x6: {  	_ = 	snop  }
0x7: {  	_ = 	snop  }
__scs_overlays_trampoline_lowered:
0x8: {  	[smem:$0x3FAA] =	sst s0  }
0x9: {  	[smem:$0x3FAB] =	sst s1  }
0xa: {  	[smem:$0x3FAC] =	sst s2  }
0xb: {  	[smem:$0x3FAD] =	sst s3  }
0xc: {  	[smem:$0x3FAE] =	sst s4  }
0xd: {  	[smem:$0x3FAF] =	sst s5  }
0xe: {  	[smem:$0x3FB0] =	sst s6  }
0xf: {  	[smem:$0x3FB1] =	sst s7  }
0x10: {  	[smem:$0x3FB2] =	sst s8  }
0x11: {  	[smem:$0x3FB3] =	sst s9;
	s0 =	simm.s32 @!p0 $0x0  }
0x12: {  	s1 =	sld [smem:$0x3F99];
	s0 =	simm.s32 @p0 $0x1  }
0x13: {  	[smem:$0x3FB4] =	sst s0;
	s0 =	simm.s32 @!p1 $0x0  }
0x14: {  	s2 =	sld [smem:$0x3F98];
	s0 =	simm.s32 @p1 $0x1  }
0x15: {  	[smem:$0x3FB5] =	sst s0;
	s0 =	simm.s32 @!p2 $0x0  }
0x16: {  	s3 =	sld [smem:$0x3FDB];
	s0 =	simm.s32 @p2 $0x1  }
0x17: {  	s4 =	simm.s32 $0x1BF5;
	[smem:$0x3FB7] =	sst s0  }
0x18: {  	s0 =	sld [smem:$0x3F9A];
	_ =	swait.ge [sflag:s4], $0x0  }
0x19: {  	s7 =	sld [smem:$0x3F9B]  }
0x1a: {  	s8 =	sadd.s32 $0xFFFFE003, lr  }
0x1b: {  	s9 =	sadd.s32 $0xFFFFFEF7, lr;
	s5 =	simm.s32 $0xFFFFFFFF;
	p2 =	slt.u32 s8, $0xFFFFF086  }
0x1c: {  	p1 =	slt.u32 s9, $0xF7A;
	s5 =	simm.s32 @!p2 $0x0  }
0x1d: {  	s5 =	simm.s32 @p1 $0x1;
	p0 =	seq.s32 s7, s2  }
0x1e: {  	s7 =	smul.u32 @!p0 $0xF7A, s2;
	p2 =	seq.s32 @!p0 s5, $0x0  }
0x1f: {  	s9 =	smul.u32 $0xF7A, s1;
	s8 =	simm.s32 @!p0 $0x1BF5;
	p2 =	por !p2, p0  }
0x20: {  	[sflag:s8] =	ssyncset.s32 @!p0 $0xFFFFF086;
	s6 =	sadd.s32 @!p0 s3, s7;
	s7 =	simm.s32 @!p0 $0x108  }
0x21: {  	s3 =	sadd.s32 s3, s9;
	s6 =	sadd.s32 @!p0 $0x88, s6;
	s7 =	simm.s32 @p2 $0x1082  }
0x22: {  	[simem:s7], [sflag:s8] =	dma.local @!p0 [hbm:s6], $0xF7A  }
0x23: {  	s9 =	sor.u32 $0xD0000000, s2;
	s6 =	simm.s32 $0x108;
	_ =	swait.ge @!p0 [sflag:s8], $0x0  }
0x24: {  	s3 =	sadd.s32 $0x88, s3;
	s6 =	simm.s32 @!p1 $0x1082;
	[sflag:s4] =	ssyncset.s32 $0xFFFFF086  }
0x25: {  	[simem:s6], [sflag:s4] =	dma.local [hbm:s3], $0xF7A  }
0x26: {  	[smem:$0x3F9B] =	sst s1;
	(tag) =	ssettag s2;
	_ =	strace s9  }
0x27: {  	s1 =	sld [smem:$0x3FAB]  }
0x28: {  	s2 =	sld [smem:$0x3FAC]  }
0x29: {  	s4 =	sld [smem:$0x3FAE]  }
0x2a: {  	p0 =	seq.s32 s5, $0x0;
	s5 =	sld [smem:$0x3FAF]  }
0x2b: {  	s6 =	sld [smem:$0x3FB0]  }
0x2c: {  	s7 =	sld [smem:$0x3FB1]  }
0x2d: {  	s3 =	simm.s32 $0x108;
	s8 =	sld [smem:$0x3FB2]  }
0x2e: {  	s3 =	simm.s32 @!p0 $0x1082;
	s9 =	sld [smem:$0x3FB3]  }
0x2f: {  	lr =	sadd.s32 s0, s3;
	s0 =	sld [smem:$0x3FAA]  }
0x30: {  	s3 =	sld [smem:$0x3FAD]  }
0x31: {  	[smem:$0x3FB6] =	sst s10  }
0x32: {  	s10 =	sld [smem:$0x3FB4];
	_ =	sdelay $0x3  }
0x33: {  	p0 =	seq.s32 s10, $0x1;
	s10 =	sld [smem:$0x3FB6];
	_ =	sdelay $0x3  }
0x34: {  	[smem:$0x3FB6] =	sst s10  }
0x35: {  	s10 =	sld [smem:$0x3FB5];
	_ =	sdelay $0x3  }
0x36: {  	p1 =	seq.s32 s10, $0x1;
	s10 =	sld [smem:$0x3FB6];
	_ =	sdelay $0x3  }
0x37: {  	[smem:$0x3FB6] =	sst s10  }
0x38: {  	s10 =	sld [smem:$0x3FB7]  }
0x39: {  	_ = 	snop;
	(pc) =	sbr.ind lr, $3  }
0x3a: {  	_ = 	snop  }
0x3b: {  	_ = 	snop  }
0x3c: {  	p2 =	seq.s32 s10, $0x1;
	s10 =	sld [smem:$0x3FB6]  }
0x3d: {  	_ =	shalt  }
0x3e: {  	_ =	shalt  }
0x3f: {  	_ =	shalt  }
0x40: {  	_ =	shalt  }
0x41: {  	_ =	shalt  }
0x42: {  	_ =	shalt  }
0x43: {  	_ =	shalt  }
0x44: {  	_ =	shalt  }
0x45: {  	_ =	shalt  }
0x46: {  	_ =	shalt  }
0x47: {  	_ =	shalt  }
0x48: {  	_ =	shalt  }
0x49: {  	_ =	shalt  }
0x4a: {  	_ =	shalt  }
0x4b: {  	_ =	shalt  }
0x4c: {  	_ =	shalt  }
0x4d: {  	_ =	shalt  }
0x4e: {  	_ =	shalt  }
0x4f: {  	_ =	shalt  }
0x50: {  	_ =	shalt  }
0x51: {  	_ =	shalt  }
0x52: {  	_ =	shalt  }
0x53: {  	_ =	shalt  }
0x54: {  	_ =	shalt  }
0x55: {  	_ =	shalt  }
0x56: {  	_ =	shalt  }
0x57: {  	_ =	shalt  }
0x58: {  	_ =	shalt  }
0x59: {  	_ =	shalt  }
0x5a: {  	_ =	shalt  }
0x5b: {  	_ =	shalt  }
0x5c: {  	_ =	shalt  }
0x5d: {  	_ =	shalt  }
0x5e: {  	_ =	shalt  }
0x5f: {  	_ =	shalt  }
0x60: {  	_ =	shalt  }
0x61: {  	_ =	shalt  }
0x62: {  	_ =	shalt  }
0x63: {  	_ =	shalt  }
0x64: {  	_ =	shalt  }
0x65: {  	_ =	shalt  }
0x66: {  	_ =	shalt  }
0x67: {  	_ =	shalt  }
0x68: {  	_ =	shalt  }
0x69: {  	_ =	shalt  }
0x6a: {  	_ =	shalt  }
0x6b: {  	_ =	shalt  }
0x6c: {  	_ =	shalt  }
0x6d: {  	_ =	shalt  }
0x6e: {  	_ =	shalt  }
0x6f: {  	_ =	shalt  }
0x70: {  	_ =	shalt  }
0x71: {  	_ =	shalt  }
0x72: {  	_ =	shalt  }
0x73: {  	_ =	shalt  }
0x74: {  	_ =	shalt  }
0x75: {  	_ =	shalt  }
0x76: {  	_ =	shalt  }
0x77: {  	_ =	shalt  }
0x78: {  	_ =	shalt  }
0x79: {  	_ =	shalt  }
0x7a: {  	_ =	shalt  }
0x7b: {  	_ =	shalt  }
0x7c: {  	_ =	shalt  }
0x7d: {  	_ =	shalt  }
0x7e: {  	_ =	shalt  }
0x7f: {  	_ =	shalt  }
0x80: {  	_ =	shalt  }
0x81: {  	_ =	shalt  }
0x82: {  	_ =	shalt  }
0x83: {  	_ =	shalt  }
0x84: {  	_ =	shalt  }
0x85: {  	_ =	shalt  }
0x86: {  	_ =	shalt  }
0x87: {  	_ =	shalt  }
.Lfunc_end0:
.L_simem_size_0:
called_computation_lowered:
.L_overlay_start_0:
0x88: {  	s2 =	sld [smem:$0x3FD9]  }
0x89: {  	s3 =	sld [smem:$0x3FFE];
	_ =	sdelay $0x1  }
0x8a: {  	s1 =	srdreg.scid  }
0x8b: {  	s0 =	sand.u32 $0x1, s1  }
0x8c: {  	s15 =	sshll.u32 s0, $0xA;
	s2 =	sadd.s32 s3, s2  }
0x8d: {  	s2 =	sadd.s32 s2, s15  }
0x8e: {  	[smem:$0x3FC2] =	sst s2  }
0x8f: {  	_ = 	snop  }
0x90: {  	s2 =	sld [smem:$0x3FD0];
	_ =	sdelay $0x2  }
0x91: {  	s4 =	simm.s32 $0xA;
	s5 =	simm.s32 $0x10;
	s16 =	sld [smem:$0x3FC8]  }
0x92: {  	[smem:s5], [sflag:s4] =	dma.local [hbm:s2], $0x1  }
0x93: {  	_ =	swait.eq [sflag:s4], $0x1  }
0x94: {  	[sflag:s4] =	ssyncset.done $0x0  }
0x95: {  	[sflag:s4] =	ssyncadd.s32 $0xFFFFFFFF  }
0x96: {  	s17 =	sld [smem:$0x10];
	(tm) =	ssettm $0x1  }
0x97: {  	s18 =	sld [smem:$0x3FFB];
	_ =	sdelay $0x3  }
0x98: {  	_ =	strace s18  }
0x99: {  	s4 =	sld [smem:$0x3FFC];
	_ =	sdelay $0x3  }
0x9a: {  	_ =	strace s4  }
0x9b: {  	s4 =	sld [smem:$0x3FFD];
	_ =	sdelay $0x3  }
0x9c: {  	_ =	strace s4  }
0x9d: {  	_ =	strace $0x8FFFFFFF  }
0x9e: {  	s19 =	sld [smem:$0x3FDB];
	_ =	sdelay $0x1  }
0x9f: {  	s20 =	simm.s32 $_scs_section_size  }
0xa0: {  	s6 =	simm.s32 $_size__tile_overlayer_lowered;
	s7 =	simm.s32 $_tile_overlayer_lowered  }
0xa1: {  	s23 =	simm.s32 $0x1BFF;
	s22 =	sshll.u32 s7, $0x1;
	s4 =	sadd.s32 s20, s19  }
0xa2: {  	s8 =	simm.s32 $0x0;
	s21 =	sshll.u32 s6, $0x1;
	s6 =	sadd.s32 s22, s4  }
0xa3: {  	[timem:s8], [sflag:s23] =	dma.local [hbm:s6], s21  }
0xa4: {  	_ =	swait.ge [sflag:s23], s21  }
0xa5: {  	s5 =	ssub.s32 $0x0, s21;
	[sflag:s23] =	ssyncset.done $0x0  }
0xa6: {  	[sflag:s23] =	ssyncadd.s32 s5;
	_ =	sdelay $0x1  }
0xa7: {  	s24 =	simm.s32 $0x1B8B  }
0xa8: {  	_ =	swait.ge [sflag:s24], $0x1  }
0xa9: {  	[sflag:s24] =	ssyncset.done $0x0  }
0xaa: {  	s25 =	simm.s32 $0x1B8E;
	[sflag:s24] =	ssyncadd.s32 $0xFFFFFFFF  }
0xab: {  	s26 =	simm.s32 $execute0_lowered;
	[smem:$0x3FD2] =	sst s25  }
0xac: {  	s5 =	sshll.u32 s26, $0x1;
	_ =	strace $0x80000046;
	[dreg:$0x1] =	wrdreg $0xFFFFFFFF  }
0xad: {  	s28 =	simm.s32 $_size_execute0_lowered;
	s4 =	sadd.s32 s4, s5;
	[dreg:$0x0] =	wrdreg $0x0  }
0xae: {  	s5 =	sshll.u32 s28, $0x1;
	[dreg:$0x2] =	wrdreg s4  }
0xaf: {  	[dreg:$0x3] =	wrdreg s5  }
0xb0: {  	[dreg:$0x4] =	wrdreg $0xC0  }
0xb1: {  	_ =	task [dreg:s8], $0x5FFFF  }
0xb2: {  	[dreg:$0x1] =	wrdreg $0xFFFFFFFF  }
0xb3: {  	[dreg:$0x0] =	wrdreg $0x60  }
0xb4: {  	[dreg:$0x2] =	wrdreg s16  }
0xb5: {  	[dreg:$0x3] =	wrdreg s17  }
0xb6: {  	[dreg:$0x4] =	wrdreg $0xB000  }
0xb7: {  	[dreg:$0x5] =	wrdreg $0x9  }
0xb8: {  	_ =	task.clear_ibuf [dreg:s8], $0x6FFFF;
	_ =	strace $0x90000046  }
0xb9: {  	s29 =	simm.s32 $0x9;
	_ =	strace $0x80000048  }
0xba: {  	_ =	swait.ge [sflag:s29], $0x1  }
0xbb: {  	[sflag:s29] =	ssyncadd.s32 $0xFFFFFFFF  }
0xbc: {  	_ =	strace $0x90000048  }
0xbd: {  	_ =	sfence  }
0xbe: {  	s30 =	sld [smem:$0x0];
	_ =	sdelay $0x2  }
0xbf: {  	s31 =	sshll.u32 s1, $0xD;
	s1 =	sshrl.u32 s1, $0x2  }
0xc0: {  	s3 =	sand.u32 $0x4000, s31;
	s1 =	sadd.s32 s1, s30  }
0xc1: {  	s0 =	sor.u32 s3, s0;
	s1 =	sshll.u32 s1, $0x11  }
0xc2: {  	s0 =	sor.u32 s1, s0  }
0xc3: {  	s0 =	sadd.s32 $0x8F2B, s0  }
0xc4: {  	[sflag:s0] =	ssyncadd.remote.s32 $0x1  }
0xc5: {  	_ =	sfence.sel $0xFFFF  }
0xc6: {  	[dreg:$0x0] =	wrdreg $0xFFFFFFFF;
	(pc) =	sbr.abs _section_cstart, $3  }
0xc7: {  	[dreg:$0x1] =	wrdreg $0xFFFFFFFF  }
0xc8: {  	_ =	task.clear_ibuf [dreg:s8], $0x2FFFF;
	_ =	strace $0x9FFFFFFF  }
0xc9: {  	(tm) =	ssettm $0x7FFFFFFF  }
tec
execute0_lowered:
.L_overlay_start_1:
0x0: {  	(tag) =	ssettag $0x1  }
0x1: {  	s0 =	rddreg [dreg:$0x0]  }
0x2: {  	s2 =	rddreg [dreg:$0x1]  }
0x3: {  	s1 =	rddreg [dreg:$0x2]  }
0x4: {  	s3 =	srdreg.scid;
	s9 =	stileid.u32;
	s20 =	simm.s32 $0x200  }
0x5: {  	s21 =	simm.s32 $0x280;
	s22 =	simm.s32 $0x300;
	s23 =	simm.s32 $0x380  }
0x6: {  	s24 =	simm.s32 $0x880;
	s25 =	simm.s32 $0x3;
	s26 =	simm.s32 $0x1  }
0x7: {  	s28 =	simm.s32 $0x800;
	s29 =	simm.s32 $0x2;
	s13 =	smul.u32 $0x280, s9  }
0x8: {  	s30 =	simm.s32 $0x0;
	s6 =	sand.u32 $0x1, s3;
	s17 =	smul.u32 $0x50, s9  }
0x9: {  	s3 =	simm.s32 $0x0;
	s4 =	sshll.u32 s6, $0x4;
	s14 =	smul.u32 $0x2800, s6  }
0xa: {  	[smem:$0x7FF] =	sst s3;
	s5 =	ssub.s32 $0x2, s6;
	s16 =	smul.u32 $0x500, s6  }
0xb: {  	s4 =	sor.u32 s9, s4;
	_ =	strace $0x80000047;
	s7 =	sshrl.u32 s5, $0x1  }
0xc: {  	s8 =	smul.u32 $0xA00, s4;
	s15 =	ssub.s32 s5, s7;
	p0 =	seq.s32 s4, $0x1F  }
0xd: {  	s4 =	simm.s32 $0x14;
	s14 =	sadd.s32 s13, s14;
	s16 =	sadd.s32 s17, s16  }
0xe: {  	s13 =	sadd.s32 s13, s1;
	s17 =	simm.s32 $0x80;
	s4 =	simm.s32 @!p0 $0x50  }
0xf: {  	s14 =	sshrl.u32 s14, $0x3;
	s16 =	sshll.u32 s16, $0x5;
	s15 =	smax.u32 s15, $0x1  }
0x10: {  	s12 =	sadd.s32 s8, s0;
	s14 =	sadd.s32 s2, s14;
	s0 =	sadd.s32 s16, s0  }
0x11: {  	s5 =	sadd.s32 $0x10, s12;
	s6 =	sadd.s32 $0x30, s12;
	s7 =	sadd.s32 $0x50, s12  }
0x12: {  	s8 =	sadd.s32 $0x70, s12;
	s9 =	sadd.s32 $0x90, s12;
	s10 =	sadd.s32 $0xB0, s12  }
0x13: {  	v0 =	vimm.f32 $1.000000000e+00;
	v1 =	vimm.f32 $0.0e+00;
	s11 =	sadd.s32 $0xD0, s12;
	s12 =	sadd.s32 $0xF0, s12;
	s0 =	sadd.s32 $0x110, s0  }
.LBB2_1:
0x14: {  	[tilespmem:s3], [sflag:$0x1] =	stream.linear.gather [hbm4b:s5+s3], $0x80, $0x38;
	[tilespmem:$0xD80] =	vst v63  }
0x15: {  	_ = 	snop  }
0x16: {  	[tilespmem:s17], [sflag:$0x1] =	stream.linear.gather [hbm4b:s6+s3], $0x80, $0x38;
	[tilespmem:$0xD80] =	vst v63  }
0x17: {  	s2 =	simm.s32 $0x100  }
0x18: {  	[tilespmem:s2], [sflag:$0x1] =	stream.linear.gather [hbm4b:s7+s3], $0x80, $0x38;
	[tilespmem:$0xD80] =	vst v63  }
0x19: {  	s19 =	simm.s32 $0x180  }
0x1a: {  	[tilespmem:s19], [sflag:$0x1] =	stream.linear.gather [hbm4b:s8+s3], $0x80, $0x38;
	[tilespmem:$0xD80] =	vst v63  }
0x1b: {  	_ = 	snop  }
0x1c: {  	[tilespmem:s20], [sflag:$0x1] =	stream.linear.gather [hbm4b:s9+s3], $0x80, $0x38;
	[tilespmem:$0xD80] =	vst v63  }
0x1d: {  	_ = 	snop  }
0x1e: {  	[tilespmem:s21], [sflag:$0x1] =	stream.linear.gather [hbm4b:s10+s3], $0x80, $0x38;
	[tilespmem:$0xD80] =	vst v63  }
0x1f: {  	_ = 	snop  }
0x20: {  	[tilespmem:s22], [sflag:$0x1] =	stream.linear.gather [hbm4b:s11+s3], $0x80, $0x38;
	[tilespmem:$0xD80] =	vst v63  }
0x21: {  	_ = 	snop  }
0x22: {  	[tilespmem:s23], [sflag:$0x1] =	stream.linear.gather [hbm4b:s12+s3], $0x80, $0x38;
	[tilespmem:$0xD80] =	vst v63  }
0x23: {  	[tilespmem:$0x800] =	vst v0  }
0x24: {  	[tilespmem:$0x810] =	vst v0  }
0x25: {  	[tilespmem:$0x820] =	vst v0  }
0x26: {  	[tilespmem:$0x830] =	vst v0  }
0x27: {  	[tilespmem:$0x840] =	vst v0  }
0x28: {  	[tilespmem:$0x850] =	vst v0  }
0x29: {  	[tilespmem:$0x860] =	vst v0  }
0x2a: {  	[tilespmem:$0x870] =	vst v0  }
0x2b: {  	[tilespmem:$0x880] =	vst v1  }
0x2c: {  	[tilespmem:$0x890] =	vst v1  }
0x2d: {  	[tilespmem:$0x8A0] =	vst v1  }
0x2e: {  	[tilespmem:$0x8B0] =	vst v1  }
0x2f: {  	[tilespmem:$0x8C0] =	vst v1  }
0x30: {  	[tilespmem:$0x8D0] =	vst v1  }
0x31: {  	[tilespmem:$0x8E0] =	vst v1  }
0x32: {  	[tilespmem:$0x8F0] =	vst v1  }
0x33: {  	[tilespmem:$0x900] =	vst v1  }
0x34: {  	[tilespmem:$0x910] =	vst v1  }
0x35: {  	[tilespmem:$0x920] =	vst v1  }
0x36: {  	[tilespmem:$0x930] =	vst v1  }
0x37: {  	[tilespmem:$0x940] =	vst v1  }
0x38: {  	[tilespmem:$0x950] =	vst v1  }
0x39: {  	[tilespmem:$0x960] =	vst v1  }
0x3a: {  	[tilespmem:$0x970] =	vst v1  }
0x3b: {  	[tilespmem:$0x980] =	vst v1  }
0x3c: {  	[tilespmem:$0x990] =	vst v1  }
0x3d: {  	[tilespmem:$0x9A0] =	vst v1  }
0x3e: {  	[tilespmem:$0x9B0] =	vst v1  }
0x3f: {  	[tilespmem:$0x9C0] =	vst v1  }
0x40: {  	[tilespmem:$0x9D0] =	vst v1  }
0x41: {  	[tilespmem:$0x9E0] =	vst v1  }
0x42: {  	[tilespmem:$0x9F0] =	vst v1  }
0x43: {  	[tilespmem:$0xA00] =	vst v1  }
0x44: {  	[tilespmem:$0xA10] =	vst v1  }
0x45: {  	[tilespmem:$0xA20] =	vst v1  }
0x46: {  	[tilespmem:$0xA30] =	vst v1  }
0x47: {  	[tilespmem:$0xA40] =	vst v1  }
0x48: {  	[tilespmem:$0xA50] =	vst v1  }
0x49: {  	[tilespmem:$0xA60] =	vst v1  }
0x4a: {  	[tilespmem:$0xA70] =	vst v1  }
0x4b: {  	[tilespmem:$0xA80] =	vst v1  }
0x4c: {  	[tilespmem:$0xA90] =	vst v1  }
0x4d: {  	[tilespmem:$0xAA0] =	vst v1  }
0x4e: {  	[tilespmem:$0xAB0] =	vst v1  }
0x4f: {  	[tilespmem:$0xAC0] =	vst v1  }
0x50: {  	[tilespmem:$0xAD0] =	vst v1  }
0x51: {  	[tilespmem:$0xAE0] =	vst v1  }
0x52: {  	[tilespmem:$0xAF0] =	vst v1  }
0x53: {  	[spmem:s13] =	stream.linear.scatter [tilespmem:s24], [sflag:$0x3], $0x280, $0x38;
	[tilespmem:$0xD80] =	vst v63  }
0x54: {  	_ =	swait.ge [sflag:s25], $0x280  }
0x55: {  	[sflag:s25] =	ssyncset.done $0x0  }
0x56: {  	s31 =	simm.s32 $0x1000;
	[sflag:s25] =	ssyncadd.s32 $0xFFFFFD80  }
0x57: {  	s16 =	smov.u32 s0;
	s2 =	simm.s32 $0x0;
	[bflag:$0x0] =	sbarrier.arrive $0xFFFF  }
.LBB2_2:
0x58: {  	p0 =	slt.u32 s2, $0x8  }
0x59: {  	s18 =	simm.s32 @!p0 $0x2  }
0x5a: {  	_ =	swait.ge @!p0 [sflag:s18], $0x80  }
0x5b: {  	[sflag:s18] =	ssyncset.done @!p0 $0x0  }
0x5c: {  	[sflag:s18] =	ssyncadd.s32 @!p0 $0xFFFFFF80  }
0x5d: {  	s19 =	sadd.s32 $0xFFFFF000, s31;
	_ =	swait.ge [sflag:s26], $0x80  }
0x5e: {  	s2 =	sadd.s32 $0x8, s2;
	s18 =	sand.u32 $0x1E00, s19;
	[sflag:s26] =	ssyncset.done $0x0  }
0x5f: {  	p0 =	sge.u32 s2, s4;
	s18 =	sshrl.u32 s18, $0x2;
	[sflag:s26] =	ssyncadd.s32 $0xFFFFFF80  }
0x60: {  	[spmem:s1] =	stream.indirect.scatter.add.f32 [tilespmem:s28], [sflag:$0x2], $0x1, s18, s17, $0xb8;
	[tilespmem:$0xD80] =	vst v63  }
0x61: {  	s18 =	sand.u32 @!p0 $0x1E00, s31  }
0x62: {  	s2 =	sadd.s32 $0xFFFFFFF9, s2;
	s19 =	simm.s32 @!p0 $0x0;
	s18 =	sshrl.u32 @!p0 s18, $0x2  }
0x63: {  	[tilespmem:s18], [sflag:$0x1] =	stream.linear.gather @!p0 [hbm4b:s16+s19], $0x80, $0x38;
	[tilespmem:$0xD80] =	vst v63  }
0x64: {  	p0 =	sne.s32 s2, s4  }
.Ltmp0:
0x65: {  	_ = 	snop;
	(pc) =	sbr.rel @p0 .LBB2_2-.Ltmp0, $2  }
0x66: {  	_ =	sdelay $0x2  }
0x67: {  	s31 =	sadd.s32 $0x200, s31;
	s16 =	sadd.s32 $0x20, s16  }
0x68: {  	_ =	swait.ge [sflag:s29], $0x80  }
0x69: {  	[sflag:s29] =	ssyncset.done $0x0  }
0x6a: {  	[sflag:s29] =	ssyncadd.s32 $0xFFFFFF80  }
0x6b: {  	_ =	swait.ge [sflag:s29], $0x80  }
0x6c: {  	[sflag:s29] =	ssyncset.done $0x0  }
0x6d: {  	[sflag:s29] =	ssyncadd.s32 $0xFFFFFF80  }
0x6e: {  	_ =	swait.ge [sflag:s29], $0x80  }
0x6f: {  	[sflag:s29] =	ssyncset.done $0x0  }
0x70: {  	[sflag:s29] =	ssyncadd.s32 $0xFFFFFF80  }
0x71: {  	_ =	swait.ge [sflag:s29], $0x80  }
0x72: {  	[sflag:s29] =	ssyncset.done $0x0  }
0x73: {  	[sflag:s29] =	ssyncadd.s32 $0xFFFFFF80  }
0x74: {  	_ =	swait.ge [sflag:s29], $0x80  }
0x75: {  	[sflag:s29] =	ssyncset.done $0x0  }
0x76: {  	[sflag:s29] =	ssyncadd.s32 $0xFFFFFF80  }
0x77: {  	_ =	swait.ge [sflag:s29], $0x80  }
0x78: {  	[sflag:s29] =	ssyncset.done $0x0  }
0x79: {  	[sflag:s29] =	ssyncadd.s32 $0xFFFFFF80  }
0x7a: {  	_ =	swait.ge [sflag:s29], $0x80  }
0x7b: {  	[sflag:s29] =	ssyncset.done $0x0  }
0x7c: {  	[sflag:s29] =	ssyncadd.s32 $0xFFFFFF80  }
0x7d: {  	s2 =	stileid.u32;
	_ =	swait.ge [sflag:s29], $0x80  }
0x7e: {  	s16 =	sshrl.u32 s13, $0x3;
	s30 =	sadd.s32 $0x1, s30;
	[sflag:s29] =	ssyncset.done $0x0  }
0x7f: {  	s2 =	sshll.u32 s2, $0x6;
	p0 =	sne.s32 s30, s15;
	[sflag:s29] =	ssyncadd.s32 $0xFFFFFF80  }
.Ltmp1:
0x80: {  	s2 =	sor.u32 $0x1C03, s2;
	[bflag:$0x0] =	sbarrier.arrive $0xFFFF;
	(pc) =	sbr.rel @p0 .LBB2_1-.Ltmp1, $4  }
0x81: {  	[hbm:s14], [sflag:s2] =	dma.local [spmem:s16], $0x50  }
0x82: {  	_ =	swait.ge [sflag:s25], $0x50  }
0x83: {  	[sflag:s25] =	ssyncset.done $0x0  }
0x84: {  	[sflag:s25] =	ssyncadd.s32 $0xFFFFFFB0  }
0x85: {  	_ =	sfence.sel $0x180000  }
0x86: {  	[bflag:$0x0] =	sbarrier.arrive $0xFFFF  }
0x87: {  	_ =	strace $0x90000047  }
0x88: {  	s0 =	stileid.u32;
	[bflag:$0x2] =	sbarrier.arrive $0xFFFF  }
0x89: {  	p0 =	sne.s32 s0, $0x0;
	s0 =	rddreg [dreg:$0x3]  }
0x8a: {  	s0 =	sadd.s32 @!p0 $0x100000, s0  }
0x8b: {  	[sflag:s0] =	ssyncadd.tile.s32 @!p0 $0x1;
	_ =	shalt  }
.Lfunc_end2:
_tile_overlayer_lowered:
.L_overlay_start_2:
0x8c: {  	(tag) =	ssettag $0x2  }
0x8d: {  	s0 =	rddreg [dreg:$0x0];
	s2 =	stileid.u32  }
0x8e: {  	s1 =	rddreg [dreg:$0x1];
	p0 =	sne.s32 s2, $0x0  }
0x8f: {  	s3 =	rddreg [dreg:$0x2];
	[bflag:$0x3] =	sbarrier.arrive $0xFFFF;
	s2 =	simm.s32 @!p0 $0x1C03  }
0x90: {  	[timem:s3], [sflag:s2] =	dma.local @!p0 [hbm:s0], s1  }
0x91: {  	s0 =	simm.s32 @!p0 $0x3  }
0x92: {  	_ =	swait.ge @!p0 [sflag:s0], s1  }
0x93: {  	s1 =	ssub.s32 @!p0 $0x0, s1;
	[sflag:s0] =	ssyncset.done @!p0 $0x0  }
0x94: {  	[sflag:s0] =	ssyncadd.s32 @!p0 s1  }
0x95: {  	[bflag:$0x3] =	sbarrier.arrive $0xFFFF  }
0x96: {  	_ =	shalt  }

// kernel: kernel.9.cloned.1.call-start
scs
__scs_entry_jumppad:
0x0: {  	(pc) =	sbr.rel $0x88, $3  }
0x1: {  	(tag) =	ssettag $0x0;
	lr =	simm.s32 $0x1  }
0x2: {  	[smem:$0x3F9B] =	sst lr;
	_ =	strace $0xD0000000  }
0x3: {  	_ = 	snop  }
0x4: {  	_ = 	snop  }
0x5: {  	_ = 	snop  }
0x6: {  	_ = 	snop  }
0x7: {  	_ = 	snop  }
__scs_overlays_trampoline_lowered:
0x8: {  	[smem:$0x3FAA] =	sst s0  }
0x9: {  	[smem:$0x3FAB] =	sst s1  }
0xa: {  	[smem:$0x3FAC] =	sst s2  }
0xb: {  	[smem:$0x3FAD] =	sst s3  }
0xc: {  	[smem:$0x3FAE] =	sst s4  }
0xd: {  	[smem:$0x3FAF] =	sst s5  }
0xe: {  	[smem:$0x3FB0] =	sst s6  }
0xf: {  	[smem:$0x3FB1] =	sst s7  }
0x10: {  	[smem:$0x3FB2] =	sst s8  }
0x11: {  	[smem:$0x3FB3] =	sst s9;
	s0 =	simm.s32 @!p0 $0x0  }
0x12: {  	s1 =	sld [smem:$0x3F99];
	s0 =	simm.s32 @p0 $0x1  }
0x13: {  	[smem:$0x3FB4] =	sst s0;
	s0 =	simm.s32 @!p1 $0x0  }
0x14: {  	s2 =	sld [smem:$0x3F98];
	s0 =	simm.s32 @p1 $0x1  }
0x15: {  	[smem:$0x3FB5] =	sst s0;
	s0 =	simm.s32 @!p2 $0x0  }
0x16: {  	s3 =	sld [smem:$0x3FDB];
	s0 =	simm.s32 @p2 $0x1  }
0x17: {  	s4 =	simm.s32 $0x1BF5;
	[smem:$0x3FB7] =	sst s0  }
0x18: {  	s0 =	sld [smem:$0x3F9A];
	_ =	swait.ge [sflag:s4], $0x0  }
0x19: {  	s7 =	sld [smem:$0x3F9B]  }
0x1a: {  	s8 =	sadd.s32 $0xFFFFE003, lr  }
0x1b: {  	s9 =	sadd.s32 $0xFFFFFEF7, lr;
	s5 =	simm.s32 $0xFFFFFFFF;
	p2 =	slt.u32 s8, $0xFFFFF086  }
0x1c: {  	p1 =	slt.u32 s9, $0xF7A;
	s5 =	simm.s32 @!p2 $0x0  }
0x1d: {  	s5 =	simm.s32 @p1 $0x1;
	p0 =	seq.s32 s7, s2  }
0x1e: {  	s7 =	smul.u32 @!p0 $0xF7A, s2;
	p2 =	seq.s32 @!p0 s5, $0x0  }
0x1f: {  	s9 =	smul.u32 $0xF7A, s1;
	s8 =	simm.s32 @!p0 $0x1BF5;
	p2 =	por !p2, p0  }
0x20: {  	[sflag:s8] =	ssyncset.s32 @!p0 $0xFFFFF086;
	s6 =	sadd.s32 @!p0 s3, s7;
	s7 =	simm.s32 @!p0 $0x108  }
0x21: {  	s3 =	sadd.s32 s3, s9;
	s6 =	sadd.s32 @!p0 $0x88, s6;
	s7 =	simm.s32 @p2 $0x1082  }
0x22: {  	[simem:s7], [sflag:s8] =	dma.local @!p0 [hbm:s6], $0xF7A  }
0x23: {  	s9 =	sor.u32 $0xD0000000, s2;
	s6 =	simm.s32 $0x108;
	_ =	swait.ge @!p0 [sflag:s8], $0x0  }
0x24: {  	s3 =	sadd.s32 $0x88, s3;
	s6 =	simm.s32 @!p1 $0x1082;
	[sflag:s4] =	ssyncset.s32 $0xFFFFF086  }
0x25: {  	[simem:s6], [sflag:s4] =	dma.local [hbm:s3], $0xF7A  }
0x26: {  	[smem:$0x3F9B] =	sst s1;
	(tag) =	ssettag s2;
	_ =	strace s9  }
0x27: {  	s1 =	sld [smem:$0x3FAB]  }
0x28: {  	s2 =	sld [smem:$0x3FAC]  }
0x29: {  	s4 =	sld [smem:$0x3FAE]  }
0x2a: {  	p0 =	seq.s32 s5, $0x0;
	s5 =	sld [smem:$0x3FAF]  }
0x2b: {  	s6 =	sld [smem:$0x3FB0]  }
0x2c: {  	s7 =	sld [smem:$0x3FB1]  }
0x2d: {  	s3 =	simm.s32 $0x108;
	s8 =	sld [smem:$0x3FB2]  }
0x2e: {  	s3 =	simm.s32 @!p0 $0x1082;
	s9 =	sld [smem:$0x3FB3]  }
0x2f: {  	lr =	sadd.s32 s0, s3;
	s0 =	sld [smem:$0x3FAA]  }
0x30: {  	s3 =	sld [smem:$0x3FAD]  }
0x31: {  	[smem:$0x3FB6] =	sst s10  }
0x32: {  	s10 =	sld [smem:$0x3FB4];
	_ =	sdelay $0x3  }
0x33: {  	p0 =	seq.s32 s10, $0x1;
	s10 =	sld [smem:$0x3FB6];
	_ =	sdelay $0x3  }
0x34: {  	[smem:$0x3FB6] =	sst s10  }
0x35: {  	s10 =	sld [smem:$0x3FB5];
	_ =	sdelay $0x3  }
0x36: {  	p1 =	seq.s32 s10, $0x1;
	s10 =	sld [smem:$0x3FB6];
	_ =	sdelay $0x3  }
0x37: {  	[smem:$0x3FB6] =	sst s10  }
0x38: {  	s10 =	sld [smem:$0x3FB7]  }
0x39: {  	_ = 	snop;
	(pc) =	sbr.ind lr, $3  }
0x3a: {  	_ = 	snop  }
0x3b: {  	_ = 	snop  }
0x3c: {  	p2 =	seq.s32 s10, $0x1;
	s10 =	sld [smem:$0x3FB6]  }
0x3d: {  	_ =	shalt  }
0x3e: {  	_ =	shalt  }
0x3f: {  	_ =	shalt  }
0x40: {  	_ =	shalt  }
0x41: {  	_ =	shalt  }
0x42: {  	_ =	shalt  }
0x43: {  	_ =	shalt  }
0x44: {  	_ =	shalt  }
0x45: {  	_ =	shalt  }
0x46: {  	_ =	shalt  }
0x47: {  	_ =	shalt  }
0x48: {  	_ =	shalt  }
0x49: {  	_ =	shalt  }
0x4a: {  	_ =	shalt  }
0x4b: {  	_ =	shalt  }
0x4c: {  	_ =	shalt  }
0x4d: {  	_ =	shalt  }
0x4e: {  	_ =	shalt  }
0x4f: {  	_ =	shalt  }
0x50: {  	_ =	shalt  }
0x51: {  	_ =	shalt  }
0x52: {  	_ =	shalt  }
0x53: {  	_ =	shalt  }
0x54: {  	_ =	shalt  }
0x55: {  	_ =	shalt  }
0x56: {  	_ =	shalt  }
0x57: {  	_ =	shalt  }
0x58: {  	_ =	shalt  }
0x59: {  	_ =	shalt  }
0x5a: {  	_ =	shalt  }
0x5b: {  	_ =	shalt  }
0x5c: {  	_ =	shalt  }
0x5d: {  	_ =	shalt  }
0x5e: {  	_ =	shalt  }
0x5f: {  	_ =	shalt  }
0x60: {  	_ =	shalt  }
0x61: {  	_ =	shalt  }
0x62: {  	_ =	shalt  }
0x63: {  	_ =	shalt  }
0x64: {  	_ =	shalt  }
0x65: {  	_ =	shalt  }
0x66: {  	_ =	shalt  }
0x67: {  	_ =	shalt  }
0x68: {  	_ =	shalt  }
0x69: {  	_ =	shalt  }
0x6a: {  	_ =	shalt  }
0x6b: {  	_ =	shalt  }
0x6c: {  	_ =	shalt  }
0x6d: {  	_ =	shalt  }
0x6e: {  	_ =	shalt  }
0x6f: {  	_ =	shalt  }
0x70: {  	_ =	shalt  }
0x71: {  	_ =	shalt  }
0x72: {  	_ =	shalt  }
0x73: {  	_ =	shalt  }
0x74: {  	_ =	shalt  }
0x75: {  	_ =	shalt  }
0x76: {  	_ =	shalt  }
0x77: {  	_ =	shalt  }
0x78: {  	_ =	shalt  }
0x79: {  	_ =	shalt  }
0x7a: {  	_ =	shalt  }
0x7b: {  	_ =	shalt  }
0x7c: {  	_ =	shalt  }
0x7d: {  	_ =	shalt  }
0x7e: {  	_ =	shalt  }
0x7f: {  	_ =	shalt  }
0x80: {  	_ =	shalt  }
0x81: {  	_ =	shalt  }
0x82: {  	_ =	shalt  }
0x83: {  	_ =	shalt  }
0x84: {  	_ =	shalt  }
0x85: {  	_ =	shalt  }
0x86: {  	_ =	shalt  }
0x87: {  	_ =	shalt  }
.Lfunc_end0:
.L_simem_size_0:
called_computation.1_lowered:
.L_overlay_start_0:
0x88: {  	s2 =	sld [smem:$0x3FD9]  }
0x89: {  	s3 =	sld [smem:$0x3FFE];
	_ =	sdelay $0x1  }
0x8a: {  	s1 =	srdreg.scid  }
0x8b: {  	s0 =	sand.u32 $0x1, s1  }
0x8c: {  	s14 =	sshll.u32 s0, $0xA;
	s2 =	sadd.s32 s3, s2  }
0x8d: {  	s2 =	sadd.s32 s2, s14  }
0x8e: {  	[smem:$0x3FC2] =	sst s2  }
0x8f: {  	_ = 	snop  }
0x90: {  	s2 =	sld [smem:$0x3FD0];
	_ =	sdelay $0x2  }
0x91: {  	s4 =	simm.s32 $0xA;
	s5 =	simm.s32 $0x10;
	s15 =	sld [smem:$0x3FC8]  }
0x92: {  	[smem:s5], [sflag:s4] =	dma.local [hbm:s2], $0x1  }
0x93: {  	_ =	swait.eq [sflag:s4], $0x1  }
0x94: {  	[sflag:s4] =	ssyncset.done $0x0  }
0x95: {  	[sflag:s4] =	ssyncadd.s32 $0xFFFFFFFF  }
0x96: {  	s16 =	sld [smem:$0x10];
	(tm) =	ssettm $0x1  }
0x97: {  	s17 =	sld [smem:$0x3FFB];
	_ =	sdelay $0x3  }
0x98: {  	_ =	strace s17  }
0x99: {  	s4 =	sld [smem:$0x3FFC];
	_ =	sdelay $0x3  }
0x9a: {  	_ =	strace s4  }
0x9b: {  	s4 =	sld [smem:$0x3FFD];
	_ =	sdelay $0x3  }
0x9c: {  	_ =	strace s4  }
0x9d: {  	_ =	strace $0x8FFFFFFF  }
0x9e: {  	s18 =	sld [smem:$0x3FDB];
	_ =	sdelay $0x1  }
0x9f: {  	s19 =	simm.s32 $_scs_section_size  }
0xa0: {  	s6 =	simm.s32 $_size__tile_overlayer_lowered;
	s7 =	simm.s32 $_tile_overlayer_lowered  }
0xa1: {  	s22 =	simm.s32 $0x1BFF;
	s21 =	sshll.u32 s7, $0x1;
	s4 =	sadd.s32 s19, s18  }
0xa2: {  	s8 =	simm.s32 $0x0;
	s20 =	sshll.u32 s6, $0x1;
	s6 =	sadd.s32 s21, s4  }
0xa3: {  	[timem:s8], [sflag:s22] =	dma.local [hbm:s6], s20  }
0xa4: {  	_ =	swait.ge [sflag:s22], s20  }
0xa5: {  	s5 =	ssub.s32 $0x0, s20;
	[sflag:s22] =	ssyncset.done $0x0  }
0xa6: {  	[sflag:s22] =	ssyncadd.s32 s5;
	_ =	sdelay $0x1  }
0xa7: {  	s23 =	simm.s32 $0x1B8B  }
0xa8: {  	_ =	swait.ge [sflag:s23], $0x1  }
0xa9: {  	[sflag:s23] =	ssyncset.done $0x0  }
0xaa: {  	s25 =	simm.s32 $0x1B8E;
	s24 =	sld [smem:$0x3FFE];
	[sflag:s23] =	ssyncadd.s32 $0xFFFFFFFF  }
0xab: {  	s26 =	simm.s32 $execute0_lowered;
	[smem:$0x3FD2] =	sst s25  }
0xac: {  	s6 =	sshll.u32 s26, $0x1;
	_ =	strace $0x80000049;
	[dreg:$0x1] =	wrdreg $0xFFFFFFFF  }
0xad: {  	s28 =	simm.s32 $_size_execute0_lowered;
	s4 =	sadd.s32 s4, s6;
	[dreg:$0x0] =	wrdreg $0x0  }
0xae: {  	s6 =	sshll.u32 s28, $0x1;
	[dreg:$0x2] =	wrdreg s4  }
0xaf: {  	[dreg:$0x3] =	wrdreg s6  }
0xb0: {  	[dreg:$0x4] =	wrdreg $0xC0  }
0xb1: {  	_ =	task [dreg:s8], $0x5FFFF  }
0xb2: {  	[dreg:$0x1] =	wrdreg $0xFFFFFFFF  }
0xb3: {  	[dreg:$0x0] =	wrdreg $0x60  }
0xb4: {  	[dreg:$0x2] =	wrdreg s15  }
0xb5: {  	[dreg:$0x3] =	wrdreg s16  }
0xb6: {  	[dreg:$0x4] =	wrdreg s24  }
0xb7: {  	[dreg:$0x5] =	wrdreg $0xB1000  }
0xb8: {  	[dreg:$0x6] =	wrdreg $0x9  }
0xb9: {  	_ =	task.clear_ibuf [dreg:s8], $0x7FFFF;
	_ =	strace $0x90000049  }
0xba: {  	s29 =	simm.s32 $0x9;
	_ =	strace $0x8000004B  }
0xbb: {  	_ =	swait.ge [sflag:s29], $0x1  }
0xbc: {  	[sflag:s29] =	ssyncadd.s32 $0xFFFFFFFF  }
0xbd: {  	_ =	strace $0x9000004B  }
0xbe: {  	_ =	sfence  }
0xbf: {  	s30 =	sld [smem:$0x0];
	_ =	sdelay $0x2  }
0xc0: {  	s31 =	sshll.u32 s1, $0xD;
	s1 =	sshrl.u32 s1, $0x2  }
0xc1: {  	s3 =	sand.u32 $0x4000, s31;
	s1 =	sadd.s32 s1, s30  }
0xc2: {  	s0 =	sor.u32 s3, s0;
	s1 =	sshll.u32 s1, $0x11  }
0xc3: {  	s0 =	sor.u32 s1, s0  }
0xc4: {  	s0 =	sadd.s32 $0x8F2B, s0  }
0xc5: {  	[sflag:s0] =	ssyncadd.remote.s32 $0x1  }
0xc6: {  	_ =	sfence.sel $0xFFFF  }
0xc7: {  	[dreg:$0x0] =	wrdreg $0xFFFFFFFF;
	(pc) =	sbr.abs _section_cstart, $3  }
0xc8: {  	[dreg:$0x1] =	wrdreg $0xFFFFFFFF  }
0xc9: {  	_ =	task.clear_ibuf [dreg:s8], $0x2FFFF;
	_ =	strace $0x9FFFFFFF  }
0xca: {  	(tm) =	ssettm $0x7FFFFFFF  }
0xcb: {  	_ =	shalt  }
tec
execute0_lowered:
.L_overlay_start_1:
0x0: {  	(tag) =	ssettag $0x1  }
0x1: {  	s0 =	rddreg [dreg:$0x0]  }
0x2: {  	s1 =	rddreg [dreg:$0x1]  }
0x3: {  	s3 =	rddreg [dreg:$0x2];
	s4 =	srdreg.scid  }
0x4: {  	s2 =	rddreg [dreg:$0x3];
	s10 =	stileid.u32;
	s5 =	sand.u32 $0x1, s4  }
0x5: {  	s4 =	simm.s32 $0x0;
	s7 =	smul.u32 $0x2800, s10;
	s8 =	sshll.u32 s5, $0x4  }
0x6: {  	s6 =	smul.u32 $0x28000, s5;
	[smem:$0x7FF] =	sst s4;
	s8 =	sor.u32 s10, s8  }
0x7: {  	s25 =	sadd.s32 $0x13600, s0;
	_ =	strace $0x8000004A;
	s9 =	smul.u32 $0xA00, s8  }
0x8: {  	s10 =	smul.u32 $0x50000, s10;
	[dreg:$0x6] =	wrdreg s25;
	s6 =	sadd.s32 s7, s6  }
0x9: {  	p0 =	seq.s32 s8, $0x1F;
	s3 =	sadd.s32 s6, s3;
	s24 =	sadd.s32 s0, s9  }
0xa: {  	s0 =	sadd.s32 $0x10, s0;
	s3 =	sadd.s32 $0x1A00, s3;
	[dreg:$0x5] =	wrdreg s24  }
0xb: {  	s26 =	sshrl.u32 s10, $0x2;
	s9 =	sadd.s32 s9, s0;
	[dreg:$0x9] =	wrdreg s3  }
0xc: {  	s7 =	sadd.s32 s26, s2;
	s8 =	sadd.s32 $0x30, s24;
	[dreg:$0x7] =	wrdreg s9  }
0xd: {  	s10 =	sadd.s32 $0x800, s7;
	[dreg:$0x8] =	wrdreg s8  }
0xe: {  	s11 =	sadd.s32 $0x1000, s7;
	[dreg:$0xb] =	wrdreg s10  }
0xf: {  	s12 =	sadd.s32 $0x1800, s7;
	[dreg:$0xc] =	wrdreg s11  }
0x10: {  	s13 =	sadd.s32 $0x2000, s7;
	[dreg:$0xd] =	wrdreg s12  }
0x11: {  	s14 =	sadd.s32 $0x2800, s7;
	[dreg:$0xe] =	wrdreg s13  }
0x12: {  	s15 =	sadd.s32 $0x3000, s7;
	[dreg:$0xf] =	wrdreg s14  }
0x13: {  	s16 =	sadd.s32 $0x3800, s7;
	[dreg:$0x10] =	wrdreg s15  }
0x14: {  	s17 =	sadd.s32 $0x4000, s7;
	[dreg:$0x11] =	wrdreg s16  }
0x15: {  	s18 =	sadd.s32 $0x4800, s7;
	[dreg:$0x12] =	wrdreg s17  }
0x16: {  	s5 =	ssub.s32 $0x2, s5;
	s21 =	sadd.s32 $0x5000, s7;
	[dreg:$0x13] =	wrdreg s18  }
0x17: {  	s23 =	sshrl.u32 s5, $0x1;
	s22 =	sadd.s32 $0x5800, s7;
	[dreg:$0x14] =	wrdreg s21  }
0x18: {  	s5 =	ssub.s32 s5, s23;
	s25 =	sadd.s32 $0x6000, s7;
	[dreg:$0x15] =	wrdreg s22  }
0x19: {  	s19 =	sor.u32 $0x180, s6;
	s26 =	sadd.s32 $0x6800, s7;
	[dreg:$0x16] =	wrdreg s25  }
0x1a: {  	s20 =	sor.u32 $0x100, s6;
	s6 =	sadd.s32 $0x8000, s7;
	[dreg:$0x17] =	wrdreg s26  }
0x1b: {  	s3 =	sshrl.u32 s19, $0x2;
	s19 =	sadd.s32 $0xD800, s7;
	[dreg:$0x1a] =	wrdreg s6  }
0x1c: {  	s8 =	smax.u32 s5, $0x1;
	[smem:$0x7F8] =	sst s19  }
0x1d: {  	s23 =	sadd.s32 s3, s0;
	s3 =	sadd.s32 $0x7000, s7;
	[dreg:$0xa] =	wrdreg s8  }
0x1e: {  	s10 =	sadd.s32 $0x9000, s7;
	[dreg:$0x18] =	wrdreg s3  }
0x1f: {  	s11 =	sadd.s32 $0x9800, s7;
	[dreg:$0x1c] =	wrdreg s10  }
0x20: {  	s12 =	sadd.s32 $0xA000, s7;
	[dreg:$0x1d] =	wrdreg s11  }
0x21: {  	s13 =	sadd.s32 $0xA800, s7;
	[dreg:$0x1e] =	wrdreg s12  }
0x22: {  	s14 =	sadd.s32 $0xB000, s7;
	[dreg:$0x1f] =	wrdreg s13  }
0x23: {  	s31 =	simm.s32 $0xA900;
	s15 =	sadd.s32 $0xB800, s7;
	[smem:$0x7F3] =	sst s14  }
0x24: {  	s28 =	sadd.s32 $0x12800, s7;
	s16 =	sadd.s32 $0xC000, s7;
	[smem:$0x7F4] =	sst s15  }
0x25: {  	s29 =	sadd.s32 $0x13000, s7;
	s17 =	sadd.s32 $0xC800, s7;
	[smem:$0x7F5] =	sst s16  }
0x26: {  	s30 =	sadd.s32 $0x13800, s7;
	s18 =	sadd.s32 $0xD000, s7;
	[smem:$0x7F6] =	sst s17  }
0x27: {  	s5 =	sshrl.u32 s20, $0x2;
	s20 =	sadd.s32 $0xE000, s7;
	[smem:$0x7F7] =	sst s18  }
0x28: {  	s9 =	simm.s32 $0x9;
	s21 =	sadd.s32 $0xE800, s7;
	[smem:$0x7F9] =	sst s20  }
0x29: {  	s22 =	sadd.s32 $0xF000, s7;
	s25 =	sadd.s32 $0xF800, s7;
	[smem:$0x7FA] =	sst s21  }
0x2a: {  	s26 =	sadd.s32 $0x10000, s7;
	s6 =	simm.s32 $0x80;
	[smem:$0x7FB] =	sst s22  }
0x2b: {  	s9 =	simm.s32 @!p0 $0x27;
	s24 =	sadd.s32 s5, s0;
	[smem:$0x7FC] =	sst s25  }
0x2c: {  	s5 =	sadd.s32 $0x7800, s7;
	s8 =	sadd.s32 $0x8800, s7;
	[smem:$0x7FD] =	sst s26  }
0x2d: {  	s21 =	sadd.s32 $0x10800, s7;
	s22 =	sadd.s32 $0x11000, s7;
	s25 =	sadd.s32 $0x11800, s7  }
0x2e: {  	s26 =	sadd.s32 $0x12000, s7;
	s0 =	simm.s32 $0x2;
	s3 =	simm.s32 $0x2800  }
0x2f: {  	s10 =	simm.s32 $0x2880;
	s11 =	simm.s32 $0x6900;
	s12 =	simm.s32 $0x3  }
0x30: {  	s13 =	simm.s32 $0x5;
	s14 =	simm.s32 $0x4;
	[dreg:$0x19] =	wrdreg s5  }
0x31: {  	v0 =	vimm.f32 $0.0e+00;
	[dreg:$0x1b] =	wrdreg s8;
	s8 =	simm.s32 $0x2900;
	s5 =	simm.s32 $0x0  }
.LBB2_1:
0x32: {  	s15 =	simm.s32 @p0 $0x80  }
0x33: {  	s16 =	simm.s32 @p0 $0x100;
	s17 =	simm.s32 @p0 $0x0;
	s18 =	rddreg [dreg:$0x6]  }
0x34: {  	[tilespmem:s17], [sflag:$0x1] =	stream.strided.gather @p0 [hbm4b:s18+s15], $0xA00, s16, s15, $0x38;
	[tilespmem:$0x1F100] =	vst v63  }
0x35: {  	s15 =	simm.s32 @!p0 $0x80  }
0x36: {  	s16 =	simm.s32 @!p0 $0x100;
	s17 =	simm.s32 @!p0 $0x0;
	s18 =	rddreg [dreg:$0x5]  }
0x37: {  	[tilespmem:s17], [sflag:$0x1] =	stream.strided.gather @!p0 [hbm4b:s18+s15], $0x2800, s16, s15, $0x38;
	[tilespmem:$0x1F100] =	vst v63  }
0x38: {  	[tilespmem:$0xA900] =	vst v0  }
0x39: {  	[tilespmem:$0xA910] =	vst v0  }
0x3a: {  	[tilespmem:$0xA920] =	vst v0  }
0x3b: {  	[tilespmem:$0xA930] =	vst v0  }
0x3c: {  	[tilespmem:$0xA940] =	vst v0  }
0x3d: {  	[tilespmem:$0xA950] =	vst v0  }
0x3e: {  	[tilespmem:$0xA960] =	vst v0  }
0x3f: {  	[tilespmem:$0xA970] =	vst v0  }
0x40: {  	[tilespmem:$0xA980] =	vst v0  }
0x41: {  	[tilespmem:$0xA990] =	vst v0  }
0x42: {  	[tilespmem:$0xA9A0] =	vst v0  }
0x43: {  	[tilespmem:$0xA9B0] =	vst v0  }
0x44: {  	[tilespmem:$0xA9C0] =	vst v0  }
0x45: {  	[tilespmem:$0xA9D0] =	vst v0  }
0x46: {  	[tilespmem:$0xA9E0] =	vst v0  }
0x47: {  	[tilespmem:$0xA9F0] =	vst v0  }
0x48: {  	[tilespmem:$0xAA00] =	vst v0  }
0x49: {  	[tilespmem:$0xAA10] =	vst v0  }
0x4a: {  	[tilespmem:$0xAA20] =	vst v0  }
0x4b: {  	[tilespmem:$0xAA30] =	vst v0  }
0x4c: {  	[tilespmem:$0xAA40] =	vst v0  }
0x4d: {  	[tilespmem:$0xAA50] =	vst v0  }
0x4e: {  	[tilespmem:$0xAA60] =	vst v0  }
0x4f: {  	[tilespmem:$0xAA70] =	vst v0  }
0x50: {  	[tilespmem:$0xAA80] =	vst v0  }
0x51: {  	[tilespmem:$0xAA90] =	vst v0  }
0x52: {  	[tilespmem:$0xAAA0] =	vst v0  }
0x53: {  	[tilespmem:$0xAAB0] =	vst v0  }
0x54: {  	[tilespmem:$0xAAC0] =	vst v0  }
0x55: {  	[tilespmem:$0xAAD0] =	vst v0  }
0x56: {  	[tilespmem:$0xAAE0] =	vst v0  }
0x57: {  	[tilespmem:$0xAAF0] =	vst v0  }
0x58: {  	[tilespmem:$0xAB00] =	vst v0  }
0x59: {  	[tilespmem:$0xAB10] =	vst v0  }
0x5a: {  	[tilespmem:$0xAB20] =	vst v0  }
0x5b: {  	[tilespmem:$0xAB30] =	vst v0  }
0x5c: {  	[tilespmem:$0xAB40] =	vst v0  }
0x5d: {  	[tilespmem:$0xAB50] =	vst v0  }
0x5e: {  	[tilespmem:$0xAB60] =	vst v0  }
0x5f: {  	[tilespmem:$0xAB70] =	vst v0  }
0x60: {  	[tilespmem:$0xAB80] =	vst v0  }
0x61: {  	[tilespmem:$0xAB90] =	vst v0  }
0x62: {  	[tilespmem:$0xABA0] =	vst v0  }
0x63: {  	[tilespmem:$0xABB0] =	vst v0  }
0x64: {  	[tilespmem:$0xABC0] =	vst v0  }
0x65: {  	[tilespmem:$0xABD0] =	vst v0  }
0x66: {  	[tilespmem:$0xABE0] =	vst v0  }
0x67: {  	[tilespmem:$0xABF0] =	vst v0  }
0x68: {  	[tilespmem:$0xAC00] =	vst v0  }
0x69: {  	[tilespmem:$0xAC10] =	vst v0  }
0x6a: {  	[tilespmem:$0xAC20] =	vst v0  }
0x6b: {  	[tilespmem:$0xAC30] =	vst v0  }
0x6c: {  	[tilespmem:$0xAC40] =	vst v0  }
0x6d: {  	[tilespmem:$0xAC50] =	vst v0  }
0x6e: {  	[tilespmem:$0xAC60] =	vst v0  }
0x6f: {  	[tilespmem:$0xAC70] =	vst v0  }
0x70: {  	[tilespmem:$0xAC80] =	vst v0  }
0x71: {  	[tilespmem:$0xAC90] =	vst v0  }
0x72: {  	[tilespmem:$0xACA0] =	vst v0  }
0x73: {  	[tilespmem:$0xACB0] =	vst v0  }
0x74: {  	[tilespmem:$0xACC0] =	vst v0  }
0x75: {  	[tilespmem:$0xACD0] =	vst v0  }
0x76: {  	[tilespmem:$0xACE0] =	vst v0  }
0x77: {  	[tilespmem:$0xACF0] =	vst v0  }
0x78: {  	[tilespmem:$0xAD00] =	vst v0  }
0x79: {  	[tilespmem:$0xAD10] =	vst v0  }
0x7a: {  	[tilespmem:$0xAD20] =	vst v0  }
0x7b: {  	[tilespmem:$0xAD30] =	vst v0  }
0x7c: {  	[tilespmem:$0xAD40] =	vst v0  }
0x7d: {  	[tilespmem:$0xAD50] =	vst v0  }
0x7e: {  	[tilespmem:$0xAD60] =	vst v0  }
0x7f: {  	[tilespmem:$0xAD70] =	vst v0  }
0x80: {  	[tilespmem:$0xAD80] =	vst v0  }
0x81: {  	[tilespmem:$0xAD90] =	vst v0  }
0x82: {  	[tilespmem:$0xADA0] =	vst v0  }
0x83: {  	[tilespmem:$0xADB0] =	vst v0  }
0x84: {  	[tilespmem:$0xADC0] =	vst v0  }
0x85: {  	[tilespmem:$0xADD0] =	vst v0  }
0x86: {  	[tilespmem:$0xADE0] =	vst v0  }
0x87: {  	[tilespmem:$0xADF0] =	vst v0  }
0x88: {  	[tilespmem:$0xAE00] =	vst v0  }
0x89: {  	[tilespmem:$0xAE10] =	vst v0  }
0x8a: {  	[tilespmem:$0xAE20] =	vst v0  }
0x8b: {  	[tilespmem:$0xAE30] =	vst v0  }
0x8c: {  	[tilespmem:$0xAE40] =	vst v0  }
0x8d: {  	[tilespmem:$0xAE50] =	vst v0  }
0x8e: {  	[tilespmem:$0xAE60] =	vst v0  }
0x8f: {  	[tilespmem:$0xAE70] =	vst v0  }
0x90: {  	[tilespmem:$0xAE80] =	vst v0  }
0x91: {  	[tilespmem:$0xAE90] =	vst v0  }
0x92: {  	[tilespmem:$0xAEA0] =	vst v0  }
0x93: {  	[tilespmem:$0xAEB0] =	vst v0  }
0x94: {  	[tilespmem:$0xAEC0] =	vst v0  }
0x95: {  	[tilespmem:$0xAED0] =	vst v0  }
0x96: {  	[tilespmem:$0xAEE0] =	vst v0  }
0x97: {  	[tilespmem:$0xAEF0] =	vst v0  }
0x98: {  	[tilespmem:$0xAF00] =	vst v0  }
0x99: {  	[tilespmem:$0xAF10] =	vst v0  }
0x9a: {  	[tilespmem:$0xAF20] =	vst v0  }
0x9b: {  	[tilespmem:$0xAF30] =	vst v0  }
0x9c: {  	[tilespmem:$0xAF40] =	vst v0  }
0x9d: {  	[tilespmem:$0xAF50] =	vst v0  }
0x9e: {  	[tilespmem:$0xAF60] =	vst v0  }
0x9f: {  	[tilespmem:$0xAF70] =	vst v0  }
0xa0: {  	[tilespmem:$0xAF80] =	vst v0  }
0xa1: {  	[tilespmem:$0xAF90] =	vst v0  }
0xa2: {  	[tilespmem:$0xAFA0] =	vst v0  }
0xa3: {  	[tilespmem:$0xAFB0] =	vst v0  }
0xa4: {  	[tilespmem:$0xAFC0] =	vst v0  }
0xa5: {  	[tilespmem:$0xAFD0] =	vst v0  }
0xa6: {  	[tilespmem:$0xAFE0] =	vst v0  }
0xa7: {  	[tilespmem:$0xAFF0] =	vst v0  }
0xa8: {  	[tilespmem:$0xB000] =	vst v0  }
0xa9: {  	[tilespmem:$0xB010] =	vst v0  }
0xaa: {  	[tilespmem:$0xB020] =	vst v0  }
0xab: {  	[tilespmem:$0xB030] =	vst v0  }
0xac: {  	[tilespmem:$0xB040] =	vst v0  }
0xad: {  	[tilespmem:$0xB050] =	vst v0  }
0xae: {  	[tilespmem:$0xB060] =	vst v0  }
0xaf: {  	[tilespmem:$0xB070] =	vst v0  }
0xb0: {  	[tilespmem:$0xB080] =	vst v0  }
0xb1: {  	[tilespmem:$0xB090] =	vst v0  }
0xb2: {  	[tilespmem:$0xB0A0] =	vst v0  }
0xb3: {  	[tilespmem:$0xB0B0] =	vst v0  }
0xb4: {  	[tilespmem:$0xB0C0] =	vst v0  }
0xb5: {  	[tilespmem:$0xB0D0] =	vst v0  }
0xb6: {  	[tilespmem:$0xB0E0] =	vst v0  }
0xb7: {  	s19 =	rddreg [dreg:$0xb];
	[tilespmem:$0xB0F0] =	vst v0  }
0xb8: {  	[spmem:s7] =	stream.linear.scatter [tilespmem:s31], [sflag:$0x2], $0x800, $0x38;
	[tilespmem:$0x1F100] =	vst v63  }
0xb9: {  	s20 =	rddreg [dreg:$0xc]  }
0xba: {  	[spmem:s19] =	stream.linear.scatter [tilespmem:s31], [sflag:$0x2], $0x800, $0x38;
	[tilespmem:$0x1F100] =	vst v63  }
0xbb: {  	s16 =	rddreg [dreg:$0xd]  }
0xbc: {  	[spmem:s20] =	stream.linear.scatter [tilespmem:s31], [sflag:$0x2], $0x800, $0x38;
	[tilespmem:$0x1F100] =	vst v63  }
0xbd: {  	s17 =	rddreg [dreg:$0xe]  }
0xbe: {  	[spmem:s16] =	stream.linear.scatter [tilespmem:s31], [sflag:$0x2], $0x800, $0x38;
	[tilespmem:$0x1F100] =	vst v63  }
0xbf: {  	s18 =	rddreg [dreg:$0xf]  }
0xc0: {  	[spmem:s17] =	stream.linear.scatter [tilespmem:s31], [sflag:$0x2], $0x800, $0x38;
	[tilespmem:$0x1F100] =	vst v63  }
0xc1: {  	s19 =	rddreg [dreg:$0x10]  }
0xc2: {  	[spmem:s18] =	stream.linear.scatter [tilespmem:s31], [sflag:$0x2], $0x800, $0x38;
	[tilespmem:$0x1F100] =	vst v63  }
0xc3: {  	s20 =	rddreg [dreg:$0x11]  }
0xc4: {  	[spmem:s19] =	stream.linear.scatter [tilespmem:s31], [sflag:$0x2], $0x800, $0x38;
	[tilespmem:$0x1F100] =	vst v63  }
0xc5: {  	s16 =	rddreg [dreg:$0x12]  }
0xc6: {  	[spmem:s20] =	stream.linear.scatter [tilespmem:s31], [sflag:$0x2], $0x800, $0x38;
	[tilespmem:$0x1F100] =	vst v63  }
0xc7: {  	s17 =	rddreg [dreg:$0x13]  }
0xc8: {  	[spmem:s16] =	stream.linear.scatter [tilespmem:s31], [sflag:$0x2], $0x800, $0x38;
	[tilespmem:$0x1F100] =	vst v63  }
0xc9: {  	s18 =	rddreg [dreg:$0x14]  }
0xca: {  	[spmem:s17] =	stream.linear.scatter [tilespmem:s31], [sflag:$0x2], $0x800, $0x38;
	[tilespmem:$0x1F100] =	vst v63  }
0xcb: {  	s19 =	rddreg [dreg:$0x15]  }
0xcc: {  	[spmem:s18] =	stream.linear.scatter [tilespmem:s31], [sflag:$0x2], $0x800, $0x38;
	[tilespmem:$0x1F100] =	vst v63  }
0xcd: {  	s20 =	rddreg [dreg:$0x16]  }
0xce: {  	[spmem:s19] =	stream.linear.scatter [tilespmem:s31], [sflag:$0x2], $0x800, $0x38;
	[tilespmem:$0x1F100] =	vst v63  }
0xcf: {  	s16 =	rddreg [dreg:$0x17]  }
0xd0: {  	[spmem:s20] =	stream.linear.scatter [tilespmem:s31], [sflag:$0x2], $0x800, $0x38;
	[tilespmem:$0x1F100] =	vst v63  }
0xd1: {  	s17 =	rddreg [dreg:$0x18]  }
0xd2: {  	[spmem:s16] =	stream.linear.scatter [tilespmem:s31], [sflag:$0x2], $0x800, $0x38;
	[tilespmem:$0x1F100] =	vst v63  }
0xd3: {  	s18 =	rddreg [dreg:$0x19]  }
0xd4: {  	[spmem:s17] =	stream.linear.scatter [tilespmem:s31], [sflag:$0x2], $0x800, $0x38;
	[tilespmem:$0x1F100] =	vst v63  }
0xd5: {  	s19 =	rddreg [dreg:$0x1a]  }
0xd6: {  	[spmem:s18] =	stream.linear.scatter [tilespmem:s31], [sflag:$0x2], $0x800, $0x38;
	[tilespmem:$0x1F100] =	vst v63  }
0xd7: {  	s20 =	rddreg [dreg:$0x1b]  }
0xd8: {  	[spmem:s19] =	stream.linear.scatter [tilespmem:s31], [sflag:$0x2], $0x800, $0x38;
	[tilespmem:$0x1F100] =	vst v63  }
0xd9: {  	s16 =	rddreg [dreg:$0x1c]  }
0xda: {  	[spmem:s20] =	stream.linear.scatter [tilespmem:s31], [sflag:$0x2], $0x800, $0x38;
	[tilespmem:$0x1F100] =	vst v63  }
0xdb: {  	s17 =	rddreg [dreg:$0x1d]  }
0xdc: {  	[spmem:s16] =	stream.linear.scatter [tilespmem:s31], [sflag:$0x2], $0x800, $0x38;
	[tilespmem:$0x1F100] =	vst v63  }
0xdd: {  	s18 =	rddreg [dreg:$0x1e]  }
0xde: {  	[spmem:s17] =	stream.linear.scatter [tilespmem:s31], [sflag:$0x2], $0x800, $0x38;
	[tilespmem:$0x1F100] =	vst v63  }
0xdf: {  	s19 =	rddreg [dreg:$0x1f]  }
0xe0: {  	[spmem:s18] =	stream.linear.scatter [tilespmem:s31], [sflag:$0x2], $0x800, $0x38;
	[tilespmem:$0x1F100] =	vst v63  }
0xe1: {  	s20 =	sld [smem:$0x7F3]  }
0xe2: {  	[spmem:s19] =	stream.linear.scatter [tilespmem:s31], [sflag:$0x2], $0x800, $0x38;
	[tilespmem:$0x1F100] =	vst v63  }
0xe3: {  	s16 =	sld [smem:$0x7F4]  }
0xe4: {  	[spmem:s20] =	stream.linear.scatter [tilespmem:s31], [sflag:$0x2], $0x800, $0x38;
	[tilespmem:$0x1F100] =	vst v63  }
0xe5: {  	s17 =	sld [smem:$0x7F5]  }
0xe6: {  	[spmem:s16] =	stream.linear.scatter [tilespmem:s31], [sflag:$0x2], $0x800, $0x38;
	[tilespmem:$0x1F100] =	vst v63  }
0xe7: {  	s18 =	sld [smem:$0x7F6]  }
0xe8: {  	[spmem:s17] =	stream.linear.scatter [tilespmem:s31], [sflag:$0x2], $0x800, $0x38;
	[tilespmem:$0x1F100] =	vst v63  }
0xe9: {  	s19 =	sld [smem:$0x7F7]  }
0xea: {  	[spmem:s18] =	stream.linear.scatter [tilespmem:s31], [sflag:$0x2], $0x800, $0x38;
	[tilespmem:$0x1F100] =	vst v63  }
0xeb: {  	s20 =	sld [smem:$0x7F8]  }
0xec: {  	[spmem:s19] =	stream.linear.scatter [tilespmem:s31], [sflag:$0x2], $0x800, $0x38;
	[tilespmem:$0x1F100] =	vst v63  }
0xed: {  	s16 =	sld [smem:$0x7F9]  }
0xee: {  	[spmem:s20] =	stream.linear.scatter [tilespmem:s31], [sflag:$0x2], $0x800, $0x38;
	[tilespmem:$0x1F100] =	vst v63  }
0xef: {  	s17 =	sld [smem:$0x7FA]  }
0xf0: {  	[spmem:s16] =	stream.linear.scatter [tilespmem:s31], [sflag:$0x2], $0x800, $0x38;
	[tilespmem:$0x1F100] =	vst v63  }
0xf1: {  	s18 =	sld [smem:$0x7FB]  }
0xf2: {  	[spmem:s17] =	stream.linear.scatter [tilespmem:s31], [sflag:$0x2], $0x800, $0x38;
	[tilespmem:$0x1F100] =	vst v63  }
0xf3: {  	s19 =	sld [smem:$0x7FC]  }
0xf4: {  	[spmem:s18] =	stream.linear.scatter [tilespmem:s31], [sflag:$0x2], $0x800, $0x38;
	[tilespmem:$0x1F100] =	vst v63  }
0xf5: {  	s20 =	sld [smem:$0x7FD]  }
0xf6: {  	[spmem:s19] =	stream.linear.scatter [tilespmem:s31], [sflag:$0x2], $0x800, $0x38;
	[tilespmem:$0x1F100] =	vst v63  }
0xf7: {  	_ = 	snop  }
0xf8: {  	[spmem:s20] =	stream.linear.scatter [tilespmem:s31], [sflag:$0x2], $0x800, $0x38;
	[tilespmem:$0x1F100] =	vst v63  }
0xf9: {  	_ = 	snop  }
0xfa: {  	[spmem:s21] =	stream.linear.scatter [tilespmem:s31], [sflag:$0x2], $0x800, $0x38;
	[tilespmem:$0x1F100] =	vst v63  }
0xfb: {  	_ = 	snop  }
0xfc: {  	[spmem:s22] =	stream.linear.scatter [tilespmem:s31], [sflag:$0x2], $0x800, $0x38;
	[tilespmem:$0x1F100] =	vst v63  }
0xfd: {  	_ = 	snop  }
0xfe: {  	[spmem:s25] =	stream.linear.scatter [tilespmem:s31], [sflag:$0x2], $0x800, $0x38;
	[tilespmem:$0x1F100] =	vst v63  }
0xff: {  	_ = 	snop  }
0x100: {  	[spmem:s26] =	stream.linear.scatter [tilespmem:s31], [sflag:$0x2], $0x800, $0x38;
	[tilespmem:$0x1F100] =	vst v63  }
0x101: {  	_ = 	snop  }
0x102: {  	[spmem:s28] =	stream.linear.scatter [tilespmem:s31], [sflag:$0x2], $0x800, $0x38;
	[tilespmem:$0x1F100] =	vst v63  }
0x103: {  	_ = 	snop  }
0x104: {  	[spmem:s29] =	stream.linear.scatter [tilespmem:s31], [sflag:$0x2], $0x800, $0x38;
	[tilespmem:$0x1F100] =	vst v63  }
0x105: {  	_ = 	snop  }
0x106: {  	[spmem:s30] =	stream.linear.scatter [tilespmem:s31], [sflag:$0x2], $0x800, $0x38;
	[tilespmem:$0x1F100] =	vst v63  }
0x107: {  	_ =	swait.ge [sflag:s0], $0x800  }
0x108: {  	s15 =	simm.s32 $0x27;
	[sflag:s0] =	ssyncset.done $0x0  }
.LBB2_2:
0x109: {  	p1 =	sne.s32 s15, $0x1;
	s15 =	sadd.s32 $0xFFFFFFFF, s15;
	[sflag:s0] =	ssyncadd.s32 $0xFFFFF800  }
.Ltmp0:
0x10a: {  	(pc) =	sbr.rel @p1 .LBB2_2-.Ltmp0, $3  }
0x10b: {  	_ =	sdelay $0x1  }
0x10c: {  	_ =	swait.ge [sflag:s0], $0x800  }
0x10d: {  	[sflag:s0] =	ssyncset.done $0x0  }
0x10e: {  	[sflag:s0] =	ssyncadd.s32 $0xFFFFF800;
	s15 =	simm.s32 @p0 $0x1  }
0x10f: {  	_ =	swait.ge @p0 [sflag:s15], $0xA00  }
0x110: {  	[sflag:s15] =	ssyncset.done @p0 $0x0  }
0x111: {  	[sflag:s15] =	ssyncadd.s32 @p0 $0xFFFFF600;
	s15 =	simm.s32 @!p0 $0x1  }
0x112: {  	_ =	swait.ge @!p0 [sflag:s15], $0x2800  }
0x113: {  	[sflag:s15] =	ssyncset.done @!p0 $0x0  }
0x114: {  	s18 =	rddreg [dreg:$0x7];
	[sflag:s15] =	ssyncadd.s32 @!p0 $0xFFFFD800  }
0x115: {  	[tilespmem:s3], [sflag:$0x3] =	stream.linear.gather [hbm4b:s18+s4], $0x80, $0x38;
	[tilespmem:$0x1F100] =	vst v63  }
0x116: {  	_ = 	snop  }
0x117: {  	[tilespmem:s8], [sflag:$0x3] =	stream.indirect.gather [hbm4b:s1+s6], $0x80, s4, s6, $0xb8;
	[tilespmem:$0x1F100] =	vst v63  }
0x118: {  	s19 =	rddreg [dreg:$0x8]  }
0x119: {  	[tilespmem:s10], [sflag:$0x4] =	stream.linear.gather [hbm4b:s19+s4], $0x80, $0x38;
	[tilespmem:$0x1F100] =	vst v63  }
0x11a: {  	_ = 	snop  }
0x11b: {  	[tilespmem:s11], [sflag:$0x4] =	stream.indirect.gather [hbm4b:s1+s6], $0x80, s6, s6, $0xb8;
	[tilespmem:$0x1F100] =	vst v63  }
0x11c: {  	[bflag:$0x0] =	sbarrier.arrive $0xFFFF  }
0x11d: {  	_ =	swait.ge [sflag:s12], $0x80  }
0x11e: {  	[sflag:s12] =	ssyncset.done $0x0  }
0x11f: {  	[sflag:s12] =	ssyncadd.s32 $0xFFFFFF80  }
0x120: {  	_ =	swait.ge [sflag:s12], $0x4000  }
0x121: {  	[sflag:s12] =	ssyncset.done $0x0  }
0x122: {  	[sflag:s12] =	ssyncadd.s32 $0xFFFFC000  }
0x123: {  	[spmem:s2] =	stream.indirect.scatter.add.f32 [tilespmem:s8], [sflag:$0x5], $0x80, s3, s6, $0xb8;
	[tilespmem:$0x1F100] =	vst v63  }
0x124: {  	_ =	swait.ge [sflag:s13], $0x4000  }
0x125: {  	[sflag:s13] =	ssyncset.done $0x0  }
0x126: {  	[sflag:s13] =	ssyncadd.s32 $0xFFFFC000  }
0x127: {  	[tilespmem:s3], [sflag:$0x3] =	stream.linear.gather [hbm4b:s24+s4], $0x80, $0x38;
	[tilespmem:$0x1F100] =	vst v63  }
0x128: {  	s20 =	simm.s32 $0x100  }
0x129: {  	[tilespmem:s8], [sflag:$0x3] =	stream.indirect.gather [hbm4b:s1+s6], $0x80, s20, s6, $0xb8;
	[tilespmem:$0x1F100] =	vst v63  }
0x12a: {  	_ =	swait.ge [sflag:s14], $0x80  }
0x12b: {  	[sflag:s14] =	ssyncset.done $0x0  }
0x12c: {  	[sflag:s14] =	ssyncadd.s32 $0xFFFFFF80  }
0x12d: {  	_ =	swait.ge [sflag:s14], $0x4000  }
0x12e: {  	[sflag:s14] =	ssyncset.done $0x0  }
0x12f: {  	p1 =	sne.s32 s9, $0x1;
	[sflag:s14] =	ssyncadd.s32 $0xFFFFC000  }
0x130: {  	[spmem:s2] =	stream.indirect.scatter.add.f32 [tilespmem:s11], [sflag:$0x5], $0x80, s10, s6, $0xb8;
	[tilespmem:$0x1F100] =	vst v63  }
.Ltmp1:
0x131: {  	_ = 	snop;
	(pc) =	sbr.rel @!p1 .LBB2_5-.Ltmp1, $4  }
0x132: {  	s16 =	simm.s32 $0x280;
	_ =	swait.ge [sflag:s13], $0x4000  }
0x133: {  	s17 =	sadd.s32 $0x40, s23;
	s15 =	sadd.s32 $0xFFFFFFFF, s9;
	[sflag:s13] =	ssyncset.done $0x0  }
0x134: {  	s18 =	sadd.s32 $0x40, s24;
	s19 =	simm.s32 $0x180;
	[sflag:s13] =	ssyncadd.s32 $0xFFFFC000  }
0x135: {  	[tilespmem:s10], [sflag:$0x4] =	stream.linear.gather [hbm4b:s23+s4], $0x80, $0x38;
	[tilespmem:$0x1F100] =	vst v63  }
.LBB2_4:
0x136: {  	[tilespmem:s11], [sflag:$0x4] =	stream.indirect.gather [hbm4b:s1+s6], $0x80, s19, s6, $0xb8;
	[tilespmem:$0x1F100] =	vst v63  }
0x137: {  	p1 =	sne.s32 s15, $0x1;
	s15 =	sadd.s32 $0xFFFFFFFF, s15;
	_ =	swait.ge [sflag:s12], $0x80  }
0x138: {  	s19 =	smov.u32 s16;
	[sflag:s12] =	ssyncset.done $0x0  }
0x139: {  	[sflag:s12] =	ssyncadd.s32 $0xFFFFFF80  }
0x13a: {  	_ =	swait.ge [sflag:s12], $0x4000  }
0x13b: {  	[sflag:s12] =	ssyncset.done $0x0  }
0x13c: {  	[sflag:s12] =	ssyncadd.s32 $0xFFFFC000  }
0x13d: {  	[spmem:s2] =	stream.indirect.scatter.add.f32 [tilespmem:s8], [sflag:$0x5], $0x80, s3, s6, $0xb8;
	[tilespmem:$0x1F100] =	vst v63  }
0x13e: {  	_ =	swait.ge [sflag:s13], $0x4000  }
0x13f: {  	[sflag:s13] =	ssyncset.done $0x0  }
0x140: {  	[sflag:s13] =	ssyncadd.s32 $0xFFFFC000  }
0x141: {  	[tilespmem:s3], [sflag:$0x3] =	stream.linear.gather [hbm4b:s18+s4], $0x80, $0x38;
	[tilespmem:$0x1F100] =	vst v63  }
0x142: {  	s20 =	sadd.s32 $0xFFFFFF80, s16  }
0x143: {  	[tilespmem:s8], [sflag:$0x3] =	stream.indirect.gather [hbm4b:s1+s6], $0x80, s20, s6, $0xb8;
	[tilespmem:$0x1F100] =	vst v63  }
0x144: {  	_ =	swait.ge [sflag:s14], $0x80  }
0x145: {  	[sflag:s14] =	ssyncset.done $0x0  }
0x146: {  	[sflag:s14] =	ssyncadd.s32 $0xFFFFFF80  }
0x147: {  	_ =	swait.ge [sflag:s14], $0x4000  }
0x148: {  	[sflag:s14] =	ssyncset.done $0x0  }
0x149: {  	[sflag:s14] =	ssyncadd.s32 $0xFFFFC000  }
0x14a: {  	[spmem:s2] =	stream.indirect.scatter.add.f32 [tilespmem:s11], [sflag:$0x5], $0x80, s10, s6, $0xb8;
	[tilespmem:$0x1F100] =	vst v63  }
.Ltmp2:
0x14b: {  	_ =	swait.ge [sflag:s13], $0x4000;
	(pc) =	sbr.rel @p1 .LBB2_4-.Ltmp2, $4  }
0x14c: {  	[sflag:s13] =	ssyncset.done $0x0  }
0x14d: {  	[sflag:s13] =	ssyncadd.s32 $0xFFFFC000  }
0x14e: {  	[tilespmem:s10], [sflag:$0x4] =	stream.linear.gather [hbm4b:s17+s4], $0x80, $0x38;
	[tilespmem:$0x1F100] =	vst v63  }
0x14f: {  	s16 =	sadd.s32 $0x100, s16;
	s18 =	sadd.s32 $0x40, s18;
	s17 =	sadd.s32 $0x40, s17  }
.LBB2_5:
0x150: {  	[tilespmem:s11], [sflag:$0x4] =	stream.indirect.gather [hbm4b:s1+s6], $0x80, s19, s6, $0xb8;
	[tilespmem:$0x1F100] =	vst v63  }
0x151: {  	_ =	swait.ge [sflag:s12], $0x80  }
0x152: {  	[sflag:s12] =	ssyncset.done $0x0  }
0x153: {  	[sflag:s12] =	ssyncadd.s32 $0xFFFFFF80  }
0x154: {  	_ =	swait.ge [sflag:s12], $0x4000  }
0x155: {  	[sflag:s12] =	ssyncset.done $0x0  }
0x156: {  	[sflag:s12] =	ssyncadd.s32 $0xFFFFC000  }
0x157: {  	[spmem:s2] =	stream.indirect.scatter.add.f32 [tilespmem:s8], [sflag:$0x5], $0x80, s3, s6, $0xb8;
	[tilespmem:$0x1F100] =	vst v63  }
0x158: {  	_ =	swait.ge [sflag:s13], $0x4000  }
0x159: {  	[sflag:s13] =	ssyncset.done $0x0  }
0x15a: {  	[sflag:s13] =	ssyncadd.s32 $0xFFFFC000  }
0x15b: {  	_ =	swait.ge [sflag:s14], $0x80  }
0x15c: {  	[sflag:s14] =	ssyncset.done $0x0  }
0x15d: {  	[sflag:s14] =	ssyncadd.s32 $0xFFFFFF80  }
0x15e: {  	_ =	swait.ge [sflag:s14], $0x4000  }
0x15f: {  	[sflag:s14] =	ssyncset.done $0x0  }
0x160: {  	[sflag:s14] =	ssyncadd.s32 $0xFFFFC000  }
0x161: {  	[spmem:s2] =	stream.indirect.scatter.add.f32 [tilespmem:s11], [sflag:$0x5], $0x80, s10, s6, $0xb8;
	[tilespmem:$0x1F100] =	vst v63  }
0x162: {  	_ =	swait.ge [sflag:s13], $0x4000  }
0x163: {  	[sflag:s13] =	ssyncset.done $0x0  }
0x164: {  	s15 =	stileid.u32;
	[sflag:s13] =	ssyncadd.s32 $0xFFFFC000  }
0x165: {  	s15 =	sshll.u32 s15, $0x6;
	[bflag:$0x0] =	sbarrier.arrive $0xFFFF  }
0x166: {  	s16 =	sshrl.u32 s7, $0x3;
	s15 =	sor.u32 $0x1C05, s15;
	s17 =	rddreg [dreg:$0x9]  }
0x167: {  	[hbm:s17], [sflag:s15] =	dma.local [spmem:s16], $0x2800  }
0x168: {  	_ =	swait.ge [sflag:s13], $0x2800  }
0x169: {  	s5 =	sadd.s32 $0x1, s5;
	s20 =	rddreg [dreg:$0xa]  }
0x16a: {  	p1 =	sne.s32 s5, s20  }
.Ltmp3:
0x16b: {  	_ = 	snop;
	(pc) =	sbr.rel @p1 .LBB2_1-.Ltmp3, $3  }
0x16c: {  	_ =	sdelay $0x1  }
0x16d: {  	[sflag:s13] =	ssyncset.done $0x0  }
0x16e: {  	[sflag:s13] =	ssyncadd.s32 $0xFFFFD800  }
0x16f: {  	_ =	sfence.sel $0x180000  }
0x170: {  	[bflag:$0x0] =	sbarrier.arrive $0xFFFF  }
0x171: {  	_ =	strace $0x9000004A  }
0x172: {  	s0 =	stileid.u32;
	[bflag:$0x2] =	sbarrier.arrive $0xFFFF  }
0x173: {  	p0 =	sne.s32 s0, $0x0;
	s0 =	rddreg [dreg:$0x4]  }
0x174: {  	s0 =	sadd.s32 @!p0 $0x100000, s0  }
0x175: {  	[sflag:s0] =	ssyncadd.tile.s32 @!p0 $0x1;
	_ =	shalt  }
.Lfunc_end2:
_tile_overlayer_lowered:
.L_overlay_start_2:
0x176: {  	(tag) =	ssettag $0x2  }
0x177: {  	s0 =	rddreg [dreg:$0x0];
	s2 =	stileid.u32  }
0x178: {  	s1 =	rddreg [dreg:$0x1];
	p0 =	sne.s32 s2, $0x0  }
0x179: {  	s3 =	rddreg [dreg:$0x2];
	[bflag:$0x3] =	sbarrier.arrive $0xFFFF;
	s2 =	simm.s32 @!p0 $0x1C05  }
0x17a: {  	[timem:s3], [sflag:s2] =	dma.local @!p0 [hbm:s0], s1  }
0x17b: {  	s0 =	simm.s32 @!p0 $0x5  }
0x17c: {  	_ =	swait.ge @!p0 [sflag:s0], s1  }
0x17d: {  	s1 =	ssub.s32 @!p0 $0x0, s1;
	[sflag:s0] =	ssyncset.done @!p0 $0x0  }
0x17e: {  	[sflag:s0] =	ssyncadd.s32 @!p0 s1  }
0x17f: {  	[bflag:$0x3] =	sbarrier.arrive $0xFFFF  }
0x180: {  	_ =	shalt  }

</sc_bundles>
